<compile_context>
chip_gen: v7x
topology: tpu7x:2x2x1
jax: 0.10.2.dev20260603
libtpu: 0.0.44.dev20260713+nightly
codegen_flags: <defaults>
</compile_context>

<pallas_src>
import functools

import jax
import jax.numpy as jnp
from jax import lax
from jax.experimental import pallas as pl
from jax.experimental.pallas import tpu as pltpu
from jax.experimental.pallas import tpu_sc as plsc

BN_EPS = 1e-5
NC = 2
NS = 16


def _pick_chunk(epw: int) -> int:
    for k in (40, 32, 24, 16, 8):
        if epw % k == 0:
            return k
    return 0


def _sc_scatter_body(x_hbm, ei_hbm, acc0_hbm, acc1_hbm,
                     idx_s, idx_d, rows, acc_sh, gsem, ssem, *,
                     n_rows, e_total, epw, k_chunk, nbuf):
    c = lax.axis_index("c")
    s = lax.axis_index("s")
    wid = c * NS + s
    rpt = (n_rows // NS) // 8 * 8
    tail = n_rows - NS * rpt
    r0 = s * rpt
    t0 = NS * rpt

    def _part_copy(get_src, get_dst):
        pltpu.sync_copy(get_src(pl.ds(r0, rpt)), get_dst(pl.ds(r0, rpt)))
        if tail:
            @pl.when(s == NS - 1)
            def _():
                pltpu.sync_copy(get_src(pl.ds(t0, tail)),
                                get_dst(pl.ds(t0, tail)))

    base = wid * epw
    n_chunks = epw // k_chunk
    n_groups = n_chunks // nbuf
    n_tail = n_chunks % nbuf
    pltpu.sync_copy(ei_hbm.at[pl.ds(base, epw)], idx_s)
    pltpu.sync_copy(ei_hbm.at[pl.ds(e_total + base, epw)], idx_d)

    def gdesc(i, b):
        return pltpu.make_async_copy(
            x_hbm.at[idx_s.at[pl.ds(i * k_chunk, k_chunk)]],
            rows.at[b], gsem.at[b])

    def sdesc(i, b):
        return pltpu.make_async_copy(
            rows.at[b],
            acc_sh.at[idx_d.at[pl.ds(i * k_chunk, k_chunk)]],
            ssem.at[b])

    @pl.when(c == 0)
    def _():
        for b in range(nbuf):
            gdesc(b, b).start()
        _part_copy(lambda d: x_hbm.at[d], lambda d: acc_sh.at[d])

    @pl.when(c != 0)
    def _():
        for b in range(1, nbuf):
            gdesc(b, b).start()
        zvec = jnp.zeros((16,), jnp.float32)

        def zrow(r, _):
            for j in range(0, 128, 16):
                rows[0, r, pl.ds(j, 16)] = zvec
            return 0

        lax.fori_loop(0, k_chunk, zrow, 0)
        n_slabs = n_rows // k_chunk
        for t in range(-(-n_slabs // NS)):
            slab = s + NS * t

            @pl.when(slab < n_slabs)
            def _():
                pltpu.sync_copy(
                    rows.at[0],
                    acc_sh.at[pl.ds(slab * k_chunk, k_chunk)])

        gdesc(0, 0).start()

    plsc.subcore_barrier()

    def body(g, _):
        for b in range(nbuf):
            i = g * nbuf + b
            gdesc(i, b).wait()
            sdesc(i, b).start(add=True)
        for b in range(nbuf):
            i = (g + 1) * nbuf + b
            sdesc(i - nbuf, b).wait()
            gdesc(i, b).start()
        return 0

    lax.fori_loop(0, n_groups - 1, body, 0)
    for b in range(nbuf):
        i = (n_groups - 1) * nbuf + b
        gdesc(i, b).wait()
        sdesc(i, b).start(add=True)
    for b in range(n_tail):
        i = n_groups * nbuf + b
        sdesc(i - nbuf, b).wait()
        gdesc(i, b).start()
    for t in range(n_tail):
        i = n_groups * nbuf + t
        gdesc(i, t).wait()
        sdesc(i, t).start(add=True)
    for i in range(n_chunks - nbuf, n_chunks):
        sdesc(i, i % nbuf).wait()

    plsc.subcore_barrier()

    @pl.when(c == 0)
    def _():
        _part_copy(lambda d: acc_sh.at[d], lambda d: acc0_hbm.at[d])

    @pl.when(c != 0)
    def _():
        _part_copy(lambda d: acc_sh.at[d], lambda d: acc1_hbm.at[d])


def _tc_body(acc0_ref, acc1_ref, w_ref, p_ref, out_ref):
    hp = acc0_ref[:] + acc1_ref[:]
    h = lax.dot_general(hp, w_ref[:], (((1,), (1,)), ((), ())),
                        preferred_element_type=jnp.float32)
    b = p_ref[0:1, :]
    gamma = p_ref[1:2, :]
    beta = p_ref[2:3, :]
    mean = p_ref[3:4, :]
    var = p_ref[4:5, :]
    h = jnp.maximum(h + b, 0.0)
    scale = gamma * lax.rsqrt(var + BN_EPS)
    out_ref[:] = h * scale + (beta - mean * scale)


def kernel(x, edge_index, W, b, gamma, beta, running_mean, running_var):
    N, D = x.shape
    E = edge_index.shape[1]
    ei_flat = edge_index.reshape(-1)

    n_workers = NC * NS
    assert E % n_workers == 0, E
    epw = E // n_workers
    k_chunk = _pick_chunk(epw)
    assert k_chunk > 0 and N % k_chunk == 0, (epw, N)

    spmem_words = 2097151 - 4000 - N * D
    per_tile = spmem_words // NS
    nbuf = min(6, (per_tile - 2 * epw) // (k_chunk * D))
    assert nbuf >= 2, (per_tile, epw, k_chunk)

    mesh = plsc.VectorSubcoreMesh(core_axis_name="c", subcore_axis_name="s")

    sc = pl.kernel(
        functools.partial(_sc_scatter_body, n_rows=N, e_total=E, epw=epw,
                          k_chunk=k_chunk, nbuf=nbuf),
        out_type=(jax.ShapeDtypeStruct((N, D), jnp.float32),
                  jax.ShapeDtypeStruct((N, D), jnp.float32)),
        mesh=mesh,
        scratch_types=[
            pltpu.VMEM((epw,), jnp.int32),
            pltpu.VMEM((epw,), jnp.int32),
            pltpu.VMEM((nbuf, k_chunk, D), jnp.float32),
            pltpu.VMEM_SHARED((N, D), jnp.float32),
            pltpu.SemaphoreType.DMA((nbuf,)),
            pltpu.SemaphoreType.DMA((nbuf,)),
        ],
    )
    acc0, acc1 = sc(x, ei_flat)

    params = jnp.stack([b, gamma, beta, running_mean, running_var] +
                       [jnp.zeros_like(b)] * 3)

    blk = 5000
    assert N % blk == 0
    h = pl.pallas_call(
        _tc_body,
        grid=(N // blk,),
        in_specs=[
            pl.BlockSpec((blk, D), lambda i: (i, 0)),
            pl.BlockSpec((blk, D), lambda i: (i, 0)),
            pl.BlockSpec((D, D), lambda i: (0, 0)),
            pl.BlockSpec((8, D), lambda i: (0, 0)),
        ],
        out_specs=pl.BlockSpec((blk, D), lambda i: (i, 0)),
        out_shape=jax.ShapeDtypeStruct((N, D), jnp.float32),
    )(acc0, acc1, W, params)

    return (h, h)

# --- scband reference (transcript-rebuilt; emitter-appended) ---
"""Pipeline reference for scband-node-update-82781199663586 (READ-ONLY COPY).

The authoritative reference and input builder live on the scoring server;
editing this copy changes nothing except your own understanding.
"""

import jax, jax.numpy as jnp
import numpy as np

N, D, E = 10000, 128, 320000
BN_EPS = 1e-5

def setup_inputs(seed: int = 0) -> dict:
    key = jax.random.key(seed)
    k1, k2, k3 = jax.random.split(key, 3)
    x = jax.random.normal(k1, (N, D), dtype=jnp.float32)
    edge_index = jax.random.randint(k2, (2, E), 0, N, dtype=jnp.int32)
    # GINConv nn: Linear(out_channel, out_channel) + ReLU
    W = jax.random.normal(k3, (D, D), dtype=jnp.float32) * (1.0 / np.sqrt(D))
    b = jnp.zeros((D,), dtype=jnp.float32)
    # BatchNorm1d(in_channel) params/buffers (eval mode: running stats)
    gamma = jnp.ones((D,), dtype=jnp.float32)
    beta = jnp.zeros((D,), dtype=jnp.float32)
    running_mean = jnp.zeros((D,), dtype=jnp.float32)
    running_var = jnp.ones((D,), dtype=jnp.float32)
    return {"x": x, "edge_index": edge_index, "W": W, "b": b,
            "gamma": gamma, "beta": beta,
            "running_mean": running_mean, "running_var": running_var}

def reference(x, edge_index, W, b, gamma, beta, running_mean, running_var):
    src = edge_index[0]
    dst = edge_index[1]
    # GINConv with add aggregation: h_i = nn((1+eps)*x_i + sum_{j->i} x_j), eps=0
    agg = jnp.zeros_like(x).at[dst].add(x[src])
    h = x + agg
    h = jnp.maximum(h @ W.T + b, 0.0)   # Linear + ReLU inside GIN's nn
    h = jnp.maximum(h, 0.0)             # outer F.relu
    # BatchNorm1d in eval mode (running stats)
    h = (h - running_mean) / jnp.sqrt(running_var + BN_EPS) * gamma + beta
    # Dropout(0.5) is identity in eval mode; his_x = [h]
    return (h, h)

if __name__ == "__main__":
    import jax
    _d = setup_inputs()
    print(jax.jit(kernel)(*tuple(_d.values())))

</pallas_src>

<mosaic_0001>
#map = affine_map<(d0, d1) -> (0, 0)>
#map1 = affine_map<(d0, d1) -> (0)>
module attributes {stable_mosaic.version = 14 : i64} {
  func.func @_sc_scatter_body(%arg0: i32, %arg1: i32, %arg2: memref<10000x128xf32, #tpu.memory_space<hbm>>, %arg3: memref<640000xi32, #tpu.memory_space<hbm>>, %arg4: memref<10000x128xf32, #tpu.memory_space<hbm>>, %arg5: memref<10000x128xf32, #tpu.memory_space<hbm>>, %arg6: memref<10000xi32, #tpu.memory_space<vmem>>, %arg7: memref<10000xi32, #tpu.memory_space<vmem>>, %arg8: memref<6x40x128xf32, #tpu.memory_space<vmem>>, %arg9: memref<10000x128xf32, #tpu.memory_space<vmem_shared>>, %arg10: memref<6x!tpu.dma_semaphore, #tpu.memory_space<semaphore_mem>>, %arg11: memref<6x!tpu.dma_semaphore, #tpu.memory_space<semaphore_mem>>) attributes {dimension_semantics = [#tpu.dimension_semantics<core_parallel>, #tpu.dimension_semantics<subcore_parallel>], iteration_bounds = array<i64: 2, 16>, scalar_prefetch = 0 : i64, scratch_operands = 6 : i64, tpu.core_type = #tpu.core_type<sc_vector_subcore>, window_params = [{transform_indices = #map}, {transform_indices = #map1}, {transform_indices = #map}, {transform_indices = #map}]} {
    %mul3A = arith.constant 16 : i32
    %mul3A_0 = arith.muli %arg0, %mul3A : i32
    %add3A = arith.addi %mul3A_0, %arg1 : i32
    %mul3A_1 = arith.constant 624 : i32
    %mul3A_2 = arith.muli %arg1, %mul3A_1 : i32
    %mul3A_3 = arith.constant 10000 : i32
    %mul3A_4 = arith.muli %add3A, %mul3A_3 : i32
    "tpu.region"() ({
      %run_scoped3A = tpu.sem_alloc : memref<!tpu.dma_semaphore, #tpu.memory_space<semaphore_mem>>
      %dma_start3A_470 = tpu.memref_slice %arg3[%mul3A_4] : memref<640000xi32, #tpu.memory_space<hbm>> -> memref<10000xi32, #tpu.memory_space<hbm>>
      %dma_start3A_471 = tpu.memref_slice %arg3[%mul3A_4] : memref<640000xi32, #tpu.memory_space<hbm>> -> memref<10000xi32, #tpu.memory_space<hbm>>
      tpu.enqueue_dma source(%dma_start3A_471 : memref<10000xi32, #tpu.memory_space<hbm>>) target(%arg6 : memref<10000xi32, #tpu.memory_space<vmem>>) target_semaphore(%run_scoped3A : memref<!tpu.dma_semaphore, #tpu.memory_space<semaphore_mem>>)
      %dma_wait3A_472 = tpu.memref_slice %arg3[%mul3A_4] : memref<640000xi32, #tpu.memory_space<hbm>> -> memref<10000xi32, #tpu.memory_space<hbm>>
      %dma_wait3A_473 = tpu.memref_slice %arg3[%mul3A_4] : memref<640000xi32, #tpu.memory_space<hbm>> -> memref<10000xi32, #tpu.memory_space<hbm>>
      tpu.wait_dma2 semaphore(%run_scoped3A : memref<!tpu.dma_semaphore, #tpu.memory_space<semaphore_mem>>) src(%dma_wait3A_473 : memref<10000xi32, #tpu.memory_space<hbm>>) dst(%arg6 : memref<10000xi32, #tpu.memory_space<vmem>>)
      tpu.yield
    }) : () -> ()
    %add3A_5 = arith.constant 320000 : i32
    %add3A_6 = arith.addi %add3A_5, %mul3A_4 : i32
    "tpu.region"() ({
      %run_scoped3A = tpu.sem_alloc : memref<!tpu.dma_semaphore, #tpu.memory_space<semaphore_mem>>
      %dma_start3A_470 = tpu.memref_slice %arg3[%add3A_6] : memref<640000xi32, #tpu.memory_space<hbm>> -> memref<10000xi32, #tpu.memory_space<hbm>>
      %dma_start3A_471 = tpu.memref_slice %arg3[%add3A_6] : memref<640000xi32, #tpu.memory_space<hbm>> -> memref<10000xi32, #tpu.memory_space<hbm>>
      tpu.enqueue_dma source(%dma_start3A_471 : memref<10000xi32, #tpu.memory_space<hbm>>) target(%arg7 : memref<10000xi32, #tpu.memory_space<vmem>>) target_semaphore(%run_scoped3A : memref<!tpu.dma_semaphore, #tpu.memory_space<semaphore_mem>>)
      %dma_wait3A_472 = tpu.memref_slice %arg3[%add3A_6] : memref<640000xi32, #tpu.memory_space<hbm>> -> memref<10000xi32, #tpu.memory_space<hbm>>
      %dma_wait3A_473 = tpu.memref_slice %arg3[%add3A_6] : memref<640000xi32, #tpu.memory_space<hbm>> -> memref<10000xi32, #tpu.memory_space<hbm>>
      tpu.wait_dma2 semaphore(%run_scoped3A : memref<!tpu.dma_semaphore, #tpu.memory_space<semaphore_mem>>) src(%dma_wait3A_473 : memref<10000xi32, #tpu.memory_space<hbm>>) dst(%arg7 : memref<10000xi32, #tpu.memory_space<vmem>>)
      tpu.yield
    }) : () -> ()
    %eq3A = arith.constant 0 : i32
    %eq3A_7 = arith.cmpi eq, %arg0, %eq3A : i32
    %convert_element_type3A = arith.extui %eq3A_7 : i1 to i32
    %cond3A = arith.constant 0 : i32
    %cond3A_8 = arith.cmpi ne, %convert_element_type3A, %cond3A : i32
    scf.if %cond3A_8 {
      %dma_start3A_470 = arith.constant 0 : i32
      %dma_start3A_471 = arith.constant 0 : i32
      %dma_start3A_472 = arith.constant 0 : i32
      %dma_start3A_473 = arith.constant 0 : i32
      %dma_start3A_474 = tpu.memref_slice %arg8[%dma_start3A_470, %dma_start3A_472, %dma_start3A_473] : memref<6x40x128xf32, #tpu.memory_space<vmem>> -> memref<1x40x128xf32, #tpu.memory_space<vmem>>
      %dma_start3A_475 = tpu.memref_squeeze %dma_start3A_474 : memref<1x40x128xf32, #tpu.memory_space<vmem>> -> memref<40x128xf32, #tpu.memory_space<vmem>>
      %dma_start3A_476 = arith.constant 0 : i32
      %dma_start3A_477 = tpu.memref_slice %arg6[%dma_start3A_476] : memref<10000xi32, #tpu.memory_space<vmem>> -> memref<40xi32, #tpu.memory_space<vmem>>
      %dma_start3A_478 = arith.constant 0 : i32
      %dma_start3A_479 = arith.constant 0 : i32
      %dma_start3A_480 = tpu.memref_slice %arg2[%dma_start3A_478, %dma_start3A_479] : memref<10000x128xf32, #tpu.memory_space<hbm>> -> memref<10000x128xf32, #tpu.memory_space<hbm>>
      %dma_start3A_481 = tpu.memref_slice %arg10[%dma_start3A_471] : memref<6x!tpu.dma_semaphore, #tpu.memory_space<semaphore_mem>> -> memref<1x!tpu.dma_semaphore, #tpu.memory_space<semaphore_mem>>
      %dma_start3A_482 = tpu.memref_squeeze %dma_start3A_481 : memref<1x!tpu.dma_semaphore, #tpu.memory_space<semaphore_mem>> -> memref<!tpu.dma_semaphore, #tpu.memory_space<semaphore_mem>>
      tpu.enqueue_indirect_dma source(%dma_start3A_480 : memref<10000x128xf32, #tpu.memory_space<hbm>>) target(%dma_start3A_475 : memref<40x128xf32, #tpu.memory_space<vmem>>) offsets(%dma_start3A_477 : memref<40xi32, #tpu.memory_space<vmem>>) semaphore(%dma_start3A_482 : memref<!tpu.dma_semaphore, #tpu.memory_space<semaphore_mem>>)
      %dma_start3A_483 = arith.constant 1 : i32
      %dma_start3A_484 = arith.constant 1 : i32
      %dma_start3A_485 = arith.constant 0 : i32
      %dma_start3A_486 = arith.constant 0 : i32
      %dma_start3A_487 = tpu.memref_slice %arg8[%dma_start3A_483, %dma_start3A_485, %dma_start3A_486] : memref<6x40x128xf32, #tpu.memory_space<vmem>> -> memref<1x40x128xf32, #tpu.memory_space<vmem>>
      %dma_start3A_488 = tpu.memref_squeeze %dma_start3A_487 : memref<1x40x128xf32, #tpu.memory_space<vmem>> -> memref<40x128xf32, #tpu.memory_space<vmem>>
      %dma_start3A_489 = arith.constant 40 : i32
      %dma_start3A_490 = tpu.memref_slice %arg6[%dma_start3A_489] : memref<10000xi32, #tpu.memory_space<vmem>> -> memref<40xi32, #tpu.memory_space<vmem>>
      %dma_start3A_491 = arith.constant 0 : i32
      %dma_start3A_492 = arith.constant 0 : i32
      %dma_start3A_493 = tpu.memref_slice %arg2[%dma_start3A_491, %dma_start3A_492] : memref<10000x128xf32, #tpu.memory_space<hbm>> -> memref<10000x128xf32, #tpu.memory_space<hbm>>
      %dma_start3A_494 = tpu.memref_slice %arg10[%dma_start3A_484] : memref<6x!tpu.dma_semaphore, #tpu.memory_space<semaphore_mem>> -> memref<1x!tpu.dma_semaphore, #tpu.memory_space<semaphore_mem>>
      %dma_start3A_495 = tpu.memref_squeeze %dma_start3A_494 : memref<1x!tpu.dma_semaphore, #tpu.memory_space<semaphore_mem>> -> memref<!tpu.dma_semaphore, #tpu.memory_space<semaphore_mem>>
      tpu.enqueue_indirect_dma source(%dma_start3A_493 : memref<10000x128xf32, #tpu.memory_space<hbm>>) target(%dma_start3A_488 : memref<40x128xf32, #tpu.memory_space<vmem>>) offsets(%dma_start3A_490 : memref<40xi32, #tpu.memory_space<vmem>>) semaphore(%dma_start3A_495 : memref<!tpu.dma_semaphore, #tpu.memory_space<semaphore_mem>>)
      %dma_start3A_496 = arith.constant 2 : i32
      %dma_start3A_497 = arith.constant 2 : i32
      %dma_start3A_498 = arith.constant 0 : i32
      %dma_start3A_499 = arith.constant 0 : i32
      %dma_start3A_500 = tpu.memref_slice %arg8[%dma_start3A_496, %dma_start3A_498, %dma_start3A_499] : memref<6x40x128xf32, #tpu.memory_space<vmem>> -> memref<1x40x128xf32, #tpu.memory_space<vmem>>
      %dma_start3A_501 = tpu.memref_squeeze %dma_start3A_500 : memref<1x40x128xf32, #tpu.memory_space<vmem>> -> memref<40x128xf32, #tpu.memory_space<vmem>>
      %dma_start3A_502 = arith.constant 80 : i32
      %dma_start3A_503 = tpu.memref_slice %arg6[%dma_start3A_502] : memref<10000xi32, #tpu.memory_space<vmem>> -> memref<40xi32, #tpu.memory_space<vmem>>
      %dma_start3A_504 = arith.constant 0 : i32
      %dma_start3A_505 = arith.constant 0 : i32
      %dma_start3A_506 = tpu.memref_slice %arg2[%dma_start3A_504, %dma_start3A_505] : memref<10000x128xf32, #tpu.memory_space<hbm>> -> memref<10000x128xf32, #tpu.memory_space<hbm>>
      %dma_start3A_507 = tpu.memref_slice %arg10[%dma_start3A_497] : memref<6x!tpu.dma_semaphore, #tpu.memory_space<semaphore_mem>> -> memref<1x!tpu.dma_semaphore, #tpu.memory_space<semaphore_mem>>
      %dma_start3A_508 = tpu.memref_squeeze %dma_start3A_507 : memref<1x!tpu.dma_semaphore, #tpu.memory_space<semaphore_mem>> -> memref<!tpu.dma_semaphore, #tpu.memory_space<semaphore_mem>>
      tpu.enqueue_indirect_dma source(%dma_start3A_506 : memref<10000x128xf32, #tpu.memory_space<hbm>>) target(%dma_start3A_501 : memref<40x128xf32, #tpu.memory_space<vmem>>) offsets(%dma_start3A_503 : memref<40xi32, #tpu.memory_space<vmem>>) semaphore(%dma_start3A_508 : memref<!tpu.dma_semaphore, #tpu.memory_space<semaphore_mem>>)
      %dma_start3A_509 = arith.constant 3 : i32
      %dma_start3A_510 = arith.constant 3 : i32
      %dma_start3A_511 = arith.constant 0 : i32
      %dma_start3A_512 = arith.constant 0 : i32
      %dma_start3A_513 = tpu.memref_slice %arg8[%dma_start3A_509, %dma_start3A_511, %dma_start3A_512] : memref<6x40x128xf32, #tpu.memory_space<vmem>> -> memref<1x40x128xf32, #tpu.memory_space<vmem>>
      %dma_start3A_514 = tpu.memref_squeeze %dma_start3A_513 : memref<1x40x128xf32, #tpu.memory_space<vmem>> -> memref<40x128xf32, #tpu.memory_space<vmem>>
      %dma_start3A_515 = arith.constant 120 : i32
      %dma_start3A_516 = tpu.memref_slice %arg6[%dma_start3A_515] : memref<10000xi32, #tpu.memory_space<vmem>> -> memref<40xi32, #tpu.memory_space<vmem>>
      %dma_start3A_517 = arith.constant 0 : i32
      %dma_start3A_518 = arith.constant 0 : i32
      %dma_start3A_519 = tpu.memref_slice %arg2[%dma_start3A_517, %dma_start3A_518] : memref<10000x128xf32, #tpu.memory_space<hbm>> -> memref<10000x128xf32, #tpu.memory_space<hbm>>
      %dma_start3A_520 = tpu.memref_slice %arg10[%dma_start3A_510] : memref<6x!tpu.dma_semaphore, #tpu.memory_space<semaphore_mem>> -> memref<1x!tpu.dma_semaphore, #tpu.memory_space<semaphore_mem>>
      %dma_start3A_521 = tpu.memref_squeeze %dma_start3A_520 : memref<1x!tpu.dma_semaphore, #tpu.memory_space<semaphore_mem>> -> memref<!tpu.dma_semaphore, #tpu.memory_space<semaphore_mem>>
      tpu.enqueue_indirect_dma source(%dma_start3A_519 : memref<10000x128xf32, #tpu.memory_space<hbm>>) target(%dma_start3A_514 : memref<40x128xf32, #tpu.memory_space<vmem>>) offsets(%dma_start3A_516 : memref<40xi32, #tpu.memory_space<vmem>>) semaphore(%dma_start3A_521 : memref<!tpu.dma_semaphore, #tpu.memory_space<semaphore_mem>>)
      %dma_start3A_522 = arith.constant 4 : i32
      %dma_start3A_523 = arith.constant 4 : i32
      %dma_start3A_524 = arith.constant 0 : i32
      %dma_start3A_525 = arith.constant 0 : i32
      %dma_start3A_526 = tpu.memref_slice %arg8[%dma_start3A_522, %dma_start3A_524, %dma_start3A_525] : memref<6x40x128xf32, #tpu.memory_space<vmem>> -> memref<1x40x128xf32, #tpu.memory_space<vmem>>
      %dma_start3A_527 = tpu.memref_squeeze %dma_start3A_526 : memref<1x40x128xf32, #tpu.memory_space<vmem>> -> memref<40x128xf32, #tpu.memory_space<vmem>>
      %dma_start3A_528 = arith.constant 160 : i32
      %dma_start3A_529 = tpu.memref_slice %arg6[%dma_start3A_528] : memref<10000xi32, #tpu.memory_space<vmem>> -> memref<40xi32, #tpu.memory_space<vmem>>
      %dma_start3A_530 = arith.constant 0 : i32
      %dma_start3A_531 = arith.constant 0 : i32
      %dma_start3A_532 = tpu.memref_slice %arg2[%dma_start3A_530, %dma_start3A_531] : memref<10000x128xf32, #tpu.memory_space<hbm>> -> memref<10000x128xf32, #tpu.memory_space<hbm>>
      %dma_start3A_533 = tpu.memref_slice %arg10[%dma_start3A_523] : memref<6x!tpu.dma_semaphore, #tpu.memory_space<semaphore_mem>> -> memref<1x!tpu.dma_semaphore, #tpu.memory_space<semaphore_mem>>
      %dma_start3A_534 = tpu.memref_squeeze %dma_start3A_533 : memref<1x!tpu.dma_semaphore, #tpu.memory_space<semaphore_mem>> -> memref<!tpu.dma_semaphore, #tpu.memory_space<semaphore_mem>>
      tpu.enqueue_indirect_dma source(%dma_start3A_532 : memref<10000x128xf32, #tpu.memory_space<hbm>>) target(%dma_start3A_527 : memref<40x128xf32, #tpu.memory_space<vmem>>) offsets(%dma_start3A_529 : memref<40xi32, #tpu.memory_space<vmem>>) semaphore(%dma_start3A_534 : memref<!tpu.dma_semaphore, #tpu.memory_space<semaphore_mem>>)
      %dma_start3A_535 = arith.constant 5 : i32
      %dma_start3A_536 = arith.constant 5 : i32
      %dma_start3A_537 = arith.constant 0 : i32
      %dma_start3A_538 = arith.constant 0 : i32
      %dma_start3A_539 = tpu.memref_slice %arg8[%dma_start3A_535, %dma_start3A_537, %dma_start3A_538] : memref<6x40x128xf32, #tpu.memory_space<vmem>> -> memref<1x40x128xf32, #tpu.memory_space<vmem>>
      %dma_start3A_540 = tpu.memref_squeeze %dma_start3A_539 : memref<1x40x128xf32, #tpu.memory_space<vmem>> -> memref<40x128xf32, #tpu.memory_space<vmem>>
      %dma_start3A_541 = arith.constant 200 : i32
      %dma_start3A_542 = tpu.memref_slice %arg6[%dma_start3A_541] : memref<10000xi32, #tpu.memory_space<vmem>> -> memref<40xi32, #tpu.memory_space<vmem>>
      %dma_start3A_543 = arith.constant 0 : i32
      %dma_start3A_544 = arith.constant 0 : i32
      %dma_start3A_545 = tpu.memref_slice %arg2[%dma_start3A_543, %dma_start3A_544] : memref<10000x128xf32, #tpu.memory_space<hbm>> -> memref<10000x128xf32, #tpu.memory_space<hbm>>
      %dma_start3A_546 = tpu.memref_slice %arg10[%dma_start3A_536] : memref<6x!tpu.dma_semaphore, #tpu.memory_space<semaphore_mem>> -> memref<1x!tpu.dma_semaphore, #tpu.memory_space<semaphore_mem>>
      %dma_start3A_547 = tpu.memref_squeeze %dma_start3A_546 : memref<1x!tpu.dma_semaphore, #tpu.memory_space<semaphore_mem>> -> memref<!tpu.dma_semaphore, #tpu.memory_space<semaphore_mem>>
      tpu.enqueue_indirect_dma source(%dma_start3A_545 : memref<10000x128xf32, #tpu.memory_space<hbm>>) target(%dma_start3A_540 : memref<40x128xf32, #tpu.memory_space<vmem>>) offsets(%dma_start3A_542 : memref<40xi32, #tpu.memory_space<vmem>>) semaphore(%dma_start3A_547 : memref<!tpu.dma_semaphore, #tpu.memory_space<semaphore_mem>>)
      "tpu.region"() ({
        %run_scoped3A = tpu.sem_alloc : memref<!tpu.dma_semaphore, #tpu.memory_space<semaphore_mem>>
        %dma_start3A_553 = arith.constant 0 : i32
        %dma_start3A_554 = tpu.memref_slice %arg9[%mul3A_2, %dma_start3A_553] : memref<10000x128xf32, #tpu.memory_space<vmem_shared>> -> memref<624x128xf32, #tpu.memory_space<vmem_shared>>
        %dma_start3A_555 = arith.constant 0 : i32
        %dma_start3A_556 = tpu.memref_slice %arg2[%mul3A_2, %dma_start3A_555] : memref<10000x128xf32, #tpu.memory_space<hbm>> -> memref<624x128xf32, #tpu.memory_space<hbm>>
        tpu.enqueue_dma source(%dma_start3A_556 : memref<624x128xf32, #tpu.memory_space<hbm>>) target(%dma_start3A_554 : memref<624x128xf32, #tpu.memory_space<vmem_shared>>) target_semaphore(%run_scoped3A : memref<!tpu.dma_semaphore, #tpu.memory_space<semaphore_mem>>)
        %dma_wait3A_557 = arith.constant 0 : i32
        %dma_wait3A_558 = tpu.memref_slice %arg9[%mul3A_2, %dma_wait3A_557] : memref<10000x128xf32, #tpu.memory_space<vmem_shared>> -> memref<624x128xf32, #tpu.memory_space<vmem_shared>>
        %dma_wait3A_559 = arith.constant 0 : i32
        %dma_wait3A_560 = tpu.memref_slice %arg2[%mul3A_2, %dma_wait3A_559] : memref<10000x128xf32, #tpu.memory_space<hbm>> -> memref<624x128xf32, #tpu.memory_space<hbm>>
        tpu.wait_dma2 semaphore(%run_scoped3A : memref<!tpu.dma_semaphore, #tpu.memory_space<semaphore_mem>>) src(%dma_wait3A_560 : memref<624x128xf32, #tpu.memory_space<hbm>>) dst(%dma_wait3A_558 : memref<624x128xf32, #tpu.memory_space<vmem_shared>>)
        tpu.yield
      }) : () -> ()
      %eq3A_548 = arith.constant 15 : i32
      %eq3A_549 = arith.cmpi eq, %arg1, %eq3A_548 : i32
      %convert_element_type3A_550 = arith.extui %eq3A_549 : i1 to i32
      %cond3A_551 = arith.constant 0 : i32
      %cond3A_552 = arith.cmpi ne, %convert_element_type3A_550, %cond3A_551 : i32
      scf.if %cond3A_552 {
        "tpu.region"() ({
          %run_scoped3A = tpu.sem_alloc : memref<!tpu.dma_semaphore, #tpu.memory_space<semaphore_mem>>
          %dma_start3A_553 = arith.constant 9984 : i32
          %dma_start3A_554 = arith.constant 0 : i32
          %dma_start3A_555 = tpu.memref_slice %arg9[%dma_start3A_553, %dma_start3A_554] : memref<10000x128xf32, #tpu.memory_space<vmem_shared>> -> memref<16x128xf32, #tpu.memory_space<vmem_shared>>
          %dma_start3A_556 = arith.constant 9984 : i32
          %dma_start3A_557 = arith.constant 0 : i32
          %dma_start3A_558 = tpu.memref_slice %arg2[%dma_start3A_556, %dma_start3A_557] : memref<10000x128xf32, #tpu.memory_space<hbm>> -> memref<16x128xf32, #tpu.memory_space<hbm>>
          tpu.enqueue_dma source(%dma_start3A_558 : memref<16x128xf32, #tpu.memory_space<hbm>>) target(%dma_start3A_555 : memref<16x128xf32, #tpu.memory_space<vmem_shared>>) target_semaphore(%run_scoped3A : memref<!tpu.dma_semaphore, #tpu.memory_space<semaphore_mem>>)
          %dma_wait3A_559 = arith.constant 9984 : i32
          %dma_wait3A_560 = arith.constant 0 : i32
          %dma_wait3A_561 = tpu.memref_slice %arg9[%dma_wait3A_559, %dma_wait3A_560] : memref<10000x128xf32, #tpu.memory_space<vmem_shared>> -> memref<16x128xf32, #tpu.memory_space<vmem_shared>>
          %dma_wait3A_562 = arith.constant 9984 : i32
          %dma_wait3A_563 = arith.constant 0 : i32
          %dma_wait3A_564 = tpu.memref_slice %arg2[%dma_wait3A_562, %dma_wait3A_563] : memref<10000x128xf32, #tpu.memory_space<hbm>> -> memref<16x128xf32, #tpu.memory_space<hbm>>
          tpu.wait_dma2 semaphore(%run_scoped3A : memref<!tpu.dma_semaphore, #tpu.memory_space<semaphore_mem>>) src(%dma_wait3A_564 : memref<16x128xf32, #tpu.memory_space<hbm>>) dst(%dma_wait3A_561 : memref<16x128xf32, #tpu.memory_space<vmem_shared>>)
          tpu.yield
        }) : () -> ()
      } else {
      }
    } else {
    }
    %ne3A = arith.constant 0 : i32
    %ne3A_9 = arith.cmpi ne, %arg0, %ne3A : i32
    %convert_element_type3A_10 = arith.extui %ne3A_9 : i1 to i32
    %cond3A_11 = arith.constant 0 : i32
    %cond3A_12 = arith.cmpi ne, %convert_element_type3A_10, %cond3A_11 : i32
    scf.if %cond3A_12 {
      %dma_start3A_470 = arith.constant 1 : i32
      %dma_start3A_471 = arith.constant 1 : i32
      %dma_start3A_472 = arith.constant 0 : i32
      %dma_start3A_473 = arith.constant 0 : i32
      %dma_start3A_474 = tpu.memref_slice %arg8[%dma_start3A_470, %dma_start3A_472, %dma_start3A_473] : memref<6x40x128xf32, #tpu.memory_space<vmem>> -> memref<1x40x128xf32, #tpu.memory_space<vmem>>
      %dma_start3A_475 = tpu.memref_squeeze %dma_start3A_474 : memref<1x40x128xf32, #tpu.memory_space<vmem>> -> memref<40x128xf32, #tpu.memory_space<vmem>>
      %dma_start3A_476 = arith.constant 40 : i32
      %dma_start3A_477 = tpu.memref_slice %arg6[%dma_start3A_476] : memref<10000xi32, #tpu.memory_space<vmem>> -> memref<40xi32, #tpu.memory_space<vmem>>
      %dma_start3A_478 = arith.constant 0 : i32
      %dma_start3A_479 = arith.constant 0 : i32
      %dma_start3A_480 = tpu.memref_slice %arg2[%dma_start3A_478, %dma_start3A_479] : memref<10000x128xf32, #tpu.memory_space<hbm>> -> memref<10000x128xf32, #tpu.memory_space<hbm>>
      %dma_start3A_481 = tpu.memref_slice %arg10[%dma_start3A_471] : memref<6x!tpu.dma_semaphore, #tpu.memory_space<semaphore_mem>> -> memref<1x!tpu.dma_semaphore, #tpu.memory_space<semaphore_mem>>
      %dma_start3A_482 = tpu.memref_squeeze %dma_start3A_481 : memref<1x!tpu.dma_semaphore, #tpu.memory_space<semaphore_mem>> -> memref<!tpu.dma_semaphore, #tpu.memory_space<semaphore_mem>>
      tpu.enqueue_indirect_dma source(%dma_start3A_480 : memref<10000x128xf32, #tpu.memory_space<hbm>>) target(%dma_start3A_475 : memref<40x128xf32, #tpu.memory_space<vmem>>) offsets(%dma_start3A_477 : memref<40xi32, #tpu.memory_space<vmem>>) semaphore(%dma_start3A_482 : memref<!tpu.dma_semaphore, #tpu.memory_space<semaphore_mem>>)
      %dma_start3A_483 = arith.constant 2 : i32
      %dma_start3A_484 = arith.constant 2 : i32
      %dma_start3A_485 = arith.constant 0 : i32
      %dma_start3A_486 = arith.constant 0 : i32
      %dma_start3A_487 = tpu.memref_slice %arg8[%dma_start3A_483, %dma_start3A_485, %dma_start3A_486] : memref<6x40x128xf32, #tpu.memory_space<vmem>> -> memref<1x40x128xf32, #tpu.memory_space<vmem>>
      %dma_start3A_488 = tpu.memref_squeeze %dma_start3A_487 : memref<1x40x128xf32, #tpu.memory_space<vmem>> -> memref<40x128xf32, #tpu.memory_space<vmem>>
      %dma_start3A_489 = arith.constant 80 : i32
      %dma_start3A_490 = tpu.memref_slice %arg6[%dma_start3A_489] : memref<10000xi32, #tpu.memory_space<vmem>> -> memref<40xi32, #tpu.memory_space<vmem>>
      %dma_start3A_491 = arith.constant 0 : i32
      %dma_start3A_492 = arith.constant 0 : i32
      %dma_start3A_493 = tpu.memref_slice %arg2[%dma_start3A_491, %dma_start3A_492] : memref<10000x128xf32, #tpu.memory_space<hbm>> -> memref<10000x128xf32, #tpu.memory_space<hbm>>
      %dma_start3A_494 = tpu.memref_slice %arg10[%dma_start3A_484] : memref<6x!tpu.dma_semaphore, #tpu.memory_space<semaphore_mem>> -> memref<1x!tpu.dma_semaphore, #tpu.memory_space<semaphore_mem>>
      %dma_start3A_495 = tpu.memref_squeeze %dma_start3A_494 : memref<1x!tpu.dma_semaphore, #tpu.memory_space<semaphore_mem>> -> memref<!tpu.dma_semaphore, #tpu.memory_space<semaphore_mem>>
      tpu.enqueue_indirect_dma source(%dma_start3A_493 : memref<10000x128xf32, #tpu.memory_space<hbm>>) target(%dma_start3A_488 : memref<40x128xf32, #tpu.memory_space<vmem>>) offsets(%dma_start3A_490 : memref<40xi32, #tpu.memory_space<vmem>>) semaphore(%dma_start3A_495 : memref<!tpu.dma_semaphore, #tpu.memory_space<semaphore_mem>>)
      %dma_start3A_496 = arith.constant 3 : i32
      %dma_start3A_497 = arith.constant 3 : i32
      %dma_start3A_498 = arith.constant 0 : i32
      %dma_start3A_499 = arith.constant 0 : i32
      %dma_start3A_500 = tpu.memref_slice %arg8[%dma_start3A_496, %dma_start3A_498, %dma_start3A_499] : memref<6x40x128xf32, #tpu.memory_space<vmem>> -> memref<1x40x128xf32, #tpu.memory_space<vmem>>
      %dma_start3A_501 = tpu.memref_squeeze %dma_start3A_500 : memref<1x40x128xf32, #tpu.memory_space<vmem>> -> memref<40x128xf32, #tpu.memory_space<vmem>>
      %dma_start3A_502 = arith.constant 120 : i32
      %dma_start3A_503 = tpu.memref_slice %arg6[%dma_start3A_502] : memref<10000xi32, #tpu.memory_space<vmem>> -> memref<40xi32, #tpu.memory_space<vmem>>
      %dma_start3A_504 = arith.constant 0 : i32
      %dma_start3A_505 = arith.constant 0 : i32
      %dma_start3A_506 = tpu.memref_slice %arg2[%dma_start3A_504, %dma_start3A_505] : memref<10000x128xf32, #tpu.memory_space<hbm>> -> memref<10000x128xf32, #tpu.memory_space<hbm>>
      %dma_start3A_507 = tpu.memref_slice %arg10[%dma_start3A_497] : memref<6x!tpu.dma_semaphore, #tpu.memory_space<semaphore_mem>> -> memref<1x!tpu.dma_semaphore, #tpu.memory_space<semaphore_mem>>
      %dma_start3A_508 = tpu.memref_squeeze %dma_start3A_507 : memref<1x!tpu.dma_semaphore, #tpu.memory_space<semaphore_mem>> -> memref<!tpu.dma_semaphore, #tpu.memory_space<semaphore_mem>>
      tpu.enqueue_indirect_dma source(%dma_start3A_506 : memref<10000x128xf32, #tpu.memory_space<hbm>>) target(%dma_start3A_501 : memref<40x128xf32, #tpu.memory_space<vmem>>) offsets(%dma_start3A_503 : memref<40xi32, #tpu.memory_space<vmem>>) semaphore(%dma_start3A_508 : memref<!tpu.dma_semaphore, #tpu.memory_space<semaphore_mem>>)
      %dma_start3A_509 = arith.constant 4 : i32
      %dma_start3A_510 = arith.constant 4 : i32
      %dma_start3A_511 = arith.constant 0 : i32
      %dma_start3A_512 = arith.constant 0 : i32
      %dma_start3A_513 = tpu.memref_slice %arg8[%dma_start3A_509, %dma_start3A_511, %dma_start3A_512] : memref<6x40x128xf32, #tpu.memory_space<vmem>> -> memref<1x40x128xf32, #tpu.memory_space<vmem>>
      %dma_start3A_514 = tpu.memref_squeeze %dma_start3A_513 : memref<1x40x128xf32, #tpu.memory_space<vmem>> -> memref<40x128xf32, #tpu.memory_space<vmem>>
      %dma_start3A_515 = arith.constant 160 : i32
      %dma_start3A_516 = tpu.memref_slice %arg6[%dma_start3A_515] : memref<10000xi32, #tpu.memory_space<vmem>> -> memref<40xi32, #tpu.memory_space<vmem>>
      %dma_start3A_517 = arith.constant 0 : i32
      %dma_start3A_518 = arith.constant 0 : i32
      %dma_start3A_519 = tpu.memref_slice %arg2[%dma_start3A_517, %dma_start3A_518] : memref<10000x128xf32, #tpu.memory_space<hbm>> -> memref<10000x128xf32, #tpu.memory_space<hbm>>
      %dma_start3A_520 = tpu.memref_slice %arg10[%dma_start3A_510] : memref<6x!tpu.dma_semaphore, #tpu.memory_space<semaphore_mem>> -> memref<1x!tpu.dma_semaphore, #tpu.memory_space<semaphore_mem>>
      %dma_start3A_521 = tpu.memref_squeeze %dma_start3A_520 : memref<1x!tpu.dma_semaphore, #tpu.memory_space<semaphore_mem>> -> memref<!tpu.dma_semaphore, #tpu.memory_space<semaphore_mem>>
      tpu.enqueue_indirect_dma source(%dma_start3A_519 : memref<10000x128xf32, #tpu.memory_space<hbm>>) target(%dma_start3A_514 : memref<40x128xf32, #tpu.memory_space<vmem>>) offsets(%dma_start3A_516 : memref<40xi32, #tpu.memory_space<vmem>>) semaphore(%dma_start3A_521 : memref<!tpu.dma_semaphore, #tpu.memory_space<semaphore_mem>>)
      %dma_start3A_522 = arith.constant 5 : i32
      %dma_start3A_523 = arith.constant 5 : i32
      %dma_start3A_524 = arith.constant 0 : i32
      %dma_start3A_525 = arith.constant 0 : i32
      %dma_start3A_526 = tpu.memref_slice %arg8[%dma_start3A_522, %dma_start3A_524, %dma_start3A_525] : memref<6x40x128xf32, #tpu.memory_space<vmem>> -> memref<1x40x128xf32, #tpu.memory_space<vmem>>
      %dma_start3A_527 = tpu.memref_squeeze %dma_start3A_526 : memref<1x40x128xf32, #tpu.memory_space<vmem>> -> memref<40x128xf32, #tpu.memory_space<vmem>>
      %dma_start3A_528 = arith.constant 200 : i32
      %dma_start3A_529 = tpu.memref_slice %arg6[%dma_start3A_528] : memref<10000xi32, #tpu.memory_space<vmem>> -> memref<40xi32, #tpu.memory_space<vmem>>
      %dma_start3A_530 = arith.constant 0 : i32
      %dma_start3A_531 = arith.constant 0 : i32
      %dma_start3A_532 = tpu.memref_slice %arg2[%dma_start3A_530, %dma_start3A_531] : memref<10000x128xf32, #tpu.memory_space<hbm>> -> memref<10000x128xf32, #tpu.memory_space<hbm>>
      %dma_start3A_533 = tpu.memref_slice %arg10[%dma_start3A_523] : memref<6x!tpu.dma_semaphore, #tpu.memory_space<semaphore_mem>> -> memref<1x!tpu.dma_semaphore, #tpu.memory_space<semaphore_mem>>
      %dma_start3A_534 = tpu.memref_squeeze %dma_start3A_533 : memref<1x!tpu.dma_semaphore, #tpu.memory_space<semaphore_mem>> -> memref<!tpu.dma_semaphore, #tpu.memory_space<semaphore_mem>>
      tpu.enqueue_indirect_dma source(%dma_start3A_532 : memref<10000x128xf32, #tpu.memory_space<hbm>>) target(%dma_start3A_527 : memref<40x128xf32, #tpu.memory_space<vmem>>) offsets(%dma_start3A_529 : memref<40xi32, #tpu.memory_space<vmem>>) semaphore(%dma_start3A_534 : memref<!tpu.dma_semaphore, #tpu.memory_space<semaphore_mem>>)
      %broadcast_in_dim3A = arith.constant 0.000000e+00 : f32
      %broadcast_in_dim3A_535 = vector.broadcast %broadcast_in_dim3A : f32 to vector<16xf32>
      %scan3A_536 = arith.constant 0 : i32
      %scan3A_537 = arith.constant 0 : i32
      %scan3A_538 = arith.constant 40 : i32
      %scan3A_539 = arith.addi %scan3A_537, %scan3A_538 : i32
      %scan3A_540 = arith.constant 1 : i32
      %scan3A_541 = scf.for %scan3A_667 = %scan3A_537 to %scan3A_539 step %scan3A_540 iter_args(%scan3A_668 = %scan3A_536) -> (i32)  : i32 {
        %swap3A = arith.constant 0 : i32
        %swap3A_669 = arith.index_cast %swap3A : i32 to index
        %swap3A_670 = arith.index_cast %scan3A_667 : i32 to index
        %swap3A_671 = arith.constant 0 : index
        %swap3A_672 = tpu.vector_load %arg8[%swap3A_669, %swap3A_670, %swap3A_671] {strides = array<i32>} : memref<6x40x128xf32, #tpu.memory_space<vmem>>, vector<1x1x16xf32>,
        %swap3A_673 = vector.shape_cast %swap3A_672 : vector<1x1x16xf32> to vector<16xf32>
        %swap3A_674 = vector.shape_cast %broadcast_in_dim3A_535 : vector<16xf32> to vector<1x1x16xf32>
        tpu.vector_store %arg8[%swap3A_669, %swap3A_670, %swap3A_671], %swap3A_674 {strides = array<i32>} : memref<6x40x128xf32, #tpu.memory_space<vmem>>, vector<1x1x16xf32>,
        %swap3A_675 = arith.constant 0 : i32
        %swap3A_676 = arith.index_cast %swap3A_675 : i32 to index
        %swap3A_677 = arith.index_cast %scan3A_667 : i32 to index
        %swap3A_678 = arith.constant 16 : index
        %swap3A_679 = tpu.vector_load %arg8[%swap3A_676, %swap3A_677, %swap3A_678] {strides = array<i32>} : memref<6x40x128xf32, #tpu.memory_space<vmem>>, vector<1x1x16xf32>,
        %swap3A_680 = vector.shape_cast %swap3A_679 : vector<1x1x16xf32> to vector<16xf32>
        %swap3A_681 = vector.shape_cast %broadcast_in_dim3A_535 : vector<16xf32> to vector<1x1x16xf32>
        tpu.vector_store %arg8[%swap3A_676, %swap3A_677, %swap3A_678], %swap3A_681 {strides = array<i32>} : memref<6x40x128xf32, #tpu.memory_space<vmem>>, vector<1x1x16xf32>,
        %swap3A_682 = arith.constant 0 : i32
        %swap3A_683 = arith.index_cast %swap3A_682 : i32 to index
        %swap3A_684 = arith.index_cast %scan3A_667 : i32 to index
        %swap3A_685 = arith.constant 32 : index
        %swap3A_686 = tpu.vector_load %arg8[%swap3A_683, %swap3A_684, %swap3A_685] {strides = array<i32>} : memref<6x40x128xf32, #tpu.memory_space<vmem>>, vector<1x1x16xf32>,
        %swap3A_687 = vector.shape_cast %swap3A_686 : vector<1x1x16xf32> to vector<16xf32>
        %swap3A_688 = vector.shape_cast %broadcast_in_dim3A_535 : vector<16xf32> to vector<1x1x16xf32>
        tpu.vector_store %arg8[%swap3A_683, %swap3A_684, %swap3A_685], %swap3A_688 {strides = array<i32>} : memref<6x40x128xf32, #tpu.memory_space<vmem>>, vector<1x1x16xf32>,
        %swap3A_689 = arith.constant 0 : i32
        %swap3A_690 = arith.index_cast %swap3A_689 : i32 to index
        %swap3A_691 = arith.index_cast %scan3A_667 : i32 to index
        %swap3A_692 = arith.constant 48 : index
        %swap3A_693 = tpu.vector_load %arg8[%swap3A_690, %swap3A_691, %swap3A_692] {strides = array<i32>} : memref<6x40x128xf32, #tpu.memory_space<vmem>>, vector<1x1x16xf32>,
        %swap3A_694 = vector.shape_cast %swap3A_693 : vector<1x1x16xf32> to vector<16xf32>
        %swap3A_695 = vector.shape_cast %broadcast_in_dim3A_535 : vector<16xf32> to vector<1x1x16xf32>
        tpu.vector_store %arg8[%swap3A_690, %swap3A_691, %swap3A_692], %swap3A_695 {strides = array<i32>} : memref<6x40x128xf32, #tpu.memory_space<vmem>>, vector<1x1x16xf32>,
        %swap3A_696 = arith.constant 0 : i32
        %swap3A_697 = arith.index_cast %swap3A_696 : i32 to index
        %swap3A_698 = arith.index_cast %scan3A_667 : i32 to index
        %swap3A_699 = arith.constant 64 : index
        %swap3A_700 = tpu.vector_load %arg8[%swap3A_697, %swap3A_698, %swap3A_699] {strides = array<i32>} : memref<6x40x128xf32, #tpu.memory_space<vmem>>, vector<1x1x16xf32>,
        %swap3A_701 = vector.shape_cast %swap3A_700 : vector<1x1x16xf32> to vector<16xf32>
        %swap3A_702 = vector.shape_cast %broadcast_in_dim3A_535 : vector<16xf32> to vector<1x1x16xf32>
        tpu.vector_store %arg8[%swap3A_697, %swap3A_698, %swap3A_699], %swap3A_702 {strides = array<i32>} : memref<6x40x128xf32, #tpu.memory_space<vmem>>, vector<1x1x16xf32>,
        %swap3A_703 = arith.constant 0 : i32
        %swap3A_704 = arith.index_cast %swap3A_703 : i32 to index
        %swap3A_705 = arith.index_cast %scan3A_667 : i32 to index
        %swap3A_706 = arith.constant 80 : index
        %swap3A_707 = tpu.vector_load %arg8[%swap3A_704, %swap3A_705, %swap3A_706] {strides = array<i32>} : memref<6x40x128xf32, #tpu.memory_space<vmem>>, vector<1x1x16xf32>,
        %swap3A_708 = vector.shape_cast %swap3A_707 : vector<1x1x16xf32> to vector<16xf32>
        %swap3A_709 = vector.shape_cast %broadcast_in_dim3A_535 : vector<16xf32> to vector<1x1x16xf32>
        tpu.vector_store %arg8[%swap3A_704, %swap3A_705, %swap3A_706], %swap3A_709 {strides = array<i32>} : memref<6x40x128xf32, #tpu.memory_space<vmem>>, vector<1x1x16xf32>,
        %swap3A_710 = arith.constant 0 : i32
        %swap3A_711 = arith.index_cast %swap3A_710 : i32 to index
        %swap3A_712 = arith.index_cast %scan3A_667 : i32 to index
        %swap3A_713 = arith.constant 96 : index
        %swap3A_714 = tpu.vector_load %arg8[%swap3A_711, %swap3A_712, %swap3A_713] {strides = array<i32>} : memref<6x40x128xf32, #tpu.memory_space<vmem>>, vector<1x1x16xf32>,
        %swap3A_715 = vector.shape_cast %swap3A_714 : vector<1x1x16xf32> to vector<16xf32>
        %swap3A_716 = vector.shape_cast %broadcast_in_dim3A_535 : vector<16xf32> to vector<1x1x16xf32>
        tpu.vector_store %arg8[%swap3A_711, %swap3A_712, %swap3A_713], %swap3A_716 {strides = array<i32>} : memref<6x40x128xf32, #tpu.memory_space<vmem>>, vector<1x1x16xf32>,
        %swap3A_717 = arith.constant 0 : i32
        %swap3A_718 = arith.index_cast %swap3A_717 : i32 to index
        %swap3A_719 = arith.index_cast %scan3A_667 : i32 to index
        %swap3A_720 = arith.constant 112 : index
        %swap3A_721 = tpu.vector_load %arg8[%swap3A_718, %swap3A_719, %swap3A_720] {strides = array<i32>} : memref<6x40x128xf32, #tpu.memory_space<vmem>>, vector<1x1x16xf32>,
        %swap3A_722 = vector.shape_cast %swap3A_721 : vector<1x1x16xf32> to vector<16xf32>
        %swap3A_723 = vector.shape_cast %broadcast_in_dim3A_535 : vector<16xf32> to vector<1x1x16xf32>
        tpu.vector_store %arg8[%swap3A_718, %swap3A_719, %swap3A_720], %swap3A_723 {strides = array<i32>} : memref<6x40x128xf32, #tpu.memory_space<vmem>>, vector<1x1x16xf32>,
        %scan3A_724 = arith.constant 0 : i32
        scf.yield %scan3A_724 : i32
      }
      %scan3A_542 = arith.constant 40 : i32
      %add3A_543 = arith.constant 0 : i32
      %add3A_544 = arith.addi %arg1, %add3A_543 : i32
      %lt3A = arith.constant 250 : i32
      %lt3A_545 = arith.cmpi slt, %add3A_544, %lt3A : i32
      %convert_element_type3A_546 = arith.extui %lt3A_545 : i1 to i32
      %cond3A_547 = arith.constant 0 : i32
      %cond3A_548 = arith.cmpi ne, %convert_element_type3A_546, %cond3A_547 : i32
      scf.if %cond3A_548 {
        %mul3A_667 = arith.constant 40 : i32
        %mul3A_668 = arith.muli %add3A_544, %mul3A_667 : i32
        %run_scoped3A = arith.constant 0 : i32
        "tpu.region"() ({
          %run_scoped3A_669 = tpu.sem_alloc : memref<!tpu.dma_semaphore, #tpu.memory_space<semaphore_mem>>
          %dma_start3A_670 = arith.constant 0 : i32
          %dma_start3A_671 = arith.constant 0 : i32
          %dma_start3A_672 = tpu.memref_slice %arg8[%run_scoped3A, %dma_start3A_670, %dma_start3A_671] : memref<6x40x128xf32, #tpu.memory_space<vmem>> -> memref<1x40x128xf32, #tpu.memory_space<vmem>>
          %dma_start3A_673 = tpu.memref_squeeze %dma_start3A_672 : memref<1x40x128xf32, #tpu.memory_space<vmem>> -> memref<40x128xf32, #tpu.memory_space<vmem>>
          %dma_start3A_674 = arith.constant 0 : i32
          %dma_start3A_675 = tpu.memref_slice %arg9[%mul3A_668, %dma_start3A_674] : memref<10000x128xf32, #tpu.memory_space<vmem_shared>> -> memref<40x128xf32, #tpu.memory_space<vmem_shared>>
          %dma_start3A_676 = arith.constant 0 : i32
          %dma_start3A_677 = tpu.memref_slice %arg9[%mul3A_668, %dma_start3A_676] : memref<10000x128xf32, #tpu.memory_space<vmem_shared>> -> memref<40x128xf32, #tpu.memory_space<vmem_shared>>
          %dma_start3A_678 = arith.constant 0 : i32
          %dma_start3A_679 = arith.constant 0 : i32
          %dma_start3A_680 = tpu.memref_slice %arg8[%run_scoped3A, %dma_start3A_678, %dma_start3A_679] : memref<6x40x128xf32, #tpu.memory_space<vmem>> -> memref<1x40x128xf32, #tpu.memory_space<vmem>>
          %dma_start3A_681 = tpu.memref_squeeze %dma_start3A_680 : memref<1x40x128xf32, #tpu.memory_space<vmem>> -> memref<40x128xf32, #tpu.memory_space<vmem>>
          tpu.enqueue_dma source(%dma_start3A_681 : memref<40x128xf32, #tpu.memory_space<vmem>>) target(%dma_start3A_677 : memref<40x128xf32, #tpu.memory_space<vmem_shared>>) target_semaphore(%run_scoped3A_669 : memref<!tpu.dma_semaphore, #tpu.memory_space<semaphore_mem>>)
          %dma_wait3A_682 = arith.constant 0 : i32
          %dma_wait3A_683 = arith.constant 0 : i32
          %dma_wait3A_684 = tpu.memref_slice %arg8[%run_scoped3A, %dma_wait3A_682, %dma_wait3A_683] : memref<6x40x128xf32, #tpu.memory_space<vmem>> -> memref<1x40x128xf32, #tpu.memory_space<vmem>>
          %dma_wait3A_685 = tpu.memref_squeeze %dma_wait3A_684 : memref<1x40x128xf32, #tpu.memory_space<vmem>> -> memref<40x128xf32, #tpu.memory_space<vmem>>
          %dma_wait3A_686 = arith.constant 0 : i32
          %dma_wait3A_687 = tpu.memref_slice %arg9[%mul3A_668, %dma_wait3A_686] : memref<10000x128xf32, #tpu.memory_space<vmem_shared>> -> memref<40x128xf32, #tpu.memory_space<vmem_shared>>
          %dma_wait3A_688 = arith.constant 0 : i32
          %dma_wait3A_689 = tpu.memref_slice %arg9[%mul3A_668, %dma_wait3A_688] : memref<10000x128xf32, #tpu.memory_space<vmem_shared>> -> memref<40x128xf32, #tpu.memory_space<vmem_shared>>
          %dma_wait3A_690 = arith.constant 0 : i32
          %dma_wait3A_691 = arith.constant 0 : i32
          %dma_wait3A_692 = tpu.memref_slice %arg8[%run_scoped3A, %dma_wait3A_690, %dma_wait3A_691] : memref<6x40x128xf32, #tpu.memory_space<vmem>> -> memref<1x40x128xf32, #tpu.memory_space<vmem>>
          %dma_wait3A_693 = tpu.memref_squeeze %dma_wait3A_692 : memref<1x40x128xf32, #tpu.memory_space<vmem>> -> memref<40x128xf32, #tpu.memory_space<vmem>>
          tpu.wait_dma2 semaphore(%run_scoped3A_669 : memref<!tpu.dma_semaphore, #tpu.memory_space<semaphore_mem>>) src(%dma_wait3A_693 : memref<40x128xf32, #tpu.memory_space<vmem>>) dst(%dma_wait3A_689 : memref<40x128xf32, #tpu.memory_space<vmem_shared>>)
          tpu.yield
        }) : () -> ()
      } else {
      }
      %add3A_549 = arith.constant 16 : i32
      %add3A_550 = arith.addi %arg1, %add3A_549 : i32
      %lt3A_551 = arith.constant 250 : i32
      %lt3A_552 = arith.cmpi slt, %add3A_550, %lt3A_551 : i32
      %convert_element_type3A_553 = arith.extui %lt3A_552 : i1 to i32
      %cond3A_554 = arith.constant 0 : i32
      %cond3A_555 = arith.cmpi ne, %convert_element_type3A_553, %cond3A_554 : i32
      scf.if %cond3A_555 {
        %mul3A_667 = arith.constant 40 : i32
        %mul3A_668 = arith.muli %add3A_550, %mul3A_667 : i32
        %run_scoped3A = arith.constant 0 : i32
        "tpu.region"() ({
          %run_scoped3A_669 = tpu.sem_alloc : memref<!tpu.dma_semaphore, #tpu.memory_space<semaphore_mem>>
          %dma_start3A_670 = arith.constant 0 : i32
          %dma_start3A_671 = arith.constant 0 : i32
          %dma_start3A_672 = tpu.memref_slice %arg8[%run_scoped3A, %dma_start3A_670, %dma_start3A_671] : memref<6x40x128xf32, #tpu.memory_space<vmem>> -> memref<1x40x128xf32, #tpu.memory_space<vmem>>
          %dma_start3A_673 = tpu.memref_squeeze %dma_start3A_672 : memref<1x40x128xf32, #tpu.memory_space<vmem>> -> memref<40x128xf32, #tpu.memory_space<vmem>>
          %dma_start3A_674 = arith.constant 0 : i32
          %dma_start3A_675 = tpu.memref_slice %arg9[%mul3A_668, %dma_start3A_674] : memref<10000x128xf32, #tpu.memory_space<vmem_shared>> -> memref<40x128xf32, #tpu.memory_space<vmem_shared>>
          %dma_start3A_676 = arith.constant 0 : i32
          %dma_start3A_677 = tpu.memref_slice %arg9[%mul3A_668, %dma_start3A_676] : memref<10000x128xf32, #tpu.memory_space<vmem_shared>> -> memref<40x128xf32, #tpu.memory_space<vmem_shared>>
          %dma_start3A_678 = arith.constant 0 : i32
          %dma_start3A_679 = arith.constant 0 : i32
          %dma_start3A_680 = tpu.memref_slice %arg8[%run_scoped3A, %dma_start3A_678, %dma_start3A_679] : memref<6x40x128xf32, #tpu.memory_space<vmem>> -> memref<1x40x128xf32, #tpu.memory_space<vmem>>
          %dma_start3A_681 = tpu.memref_squeeze %dma_start3A_680 : memref<1x40x128xf32, #tpu.memory_space<vmem>> -> memref<40x128xf32, #tpu.memory_space<vmem>>
          tpu.enqueue_dma source(%dma_start3A_681 : memref<40x128xf32, #tpu.memory_space<vmem>>) target(%dma_start3A_677 : memref<40x128xf32, #tpu.memory_space<vmem_shared>>) target_semaphore(%run_scoped3A_669 : memref<!tpu.dma_semaphore, #tpu.memory_space<semaphore_mem>>)
          %dma_wait3A_682 = arith.constant 0 : i32
          %dma_wait3A_683 = arith.constant 0 : i32
          %dma_wait3A_684 = tpu.memref_slice %arg8[%run_scoped3A, %dma_wait3A_682, %dma_wait3A_683] : memref<6x40x128xf32, #tpu.memory_space<vmem>> -> memref<1x40x128xf32, #tpu.memory_space<vmem>>
          %dma_wait3A_685 = tpu.memref_squeeze %dma_wait3A_684 : memref<1x40x128xf32, #tpu.memory_space<vmem>> -> memref<40x128xf32, #tpu.memory_space<vmem>>
          %dma_wait3A_686 = arith.constant 0 : i32
          %dma_wait3A_687 = tpu.memref_slice %arg9[%mul3A_668, %dma_wait3A_686] : memref<10000x128xf32, #tpu.memory_space<vmem_shared>> -> memref<40x128xf32, #tpu.memory_space<vmem_shared>>
          %dma_wait3A_688 = arith.constant 0 : i32
          %dma_wait3A_689 = tpu.memref_slice %arg9[%mul3A_668, %dma_wait3A_688] : memref<10000x128xf32, #tpu.memory_space<vmem_shared>> -> memref<40x128xf32, #tpu.memory_space<vmem_shared>>
          %dma_wait3A_690 = arith.constant 0 : i32
          %dma_wait3A_691 = arith.constant 0 : i32
          %dma_wait3A_692 = tpu.memref_slice %arg8[%run_scoped3A, %dma_wait3A_690, %dma_wait3A_691] : memref<6x40x128xf32, #tpu.memory_space<vmem>> -> memref<1x40x128xf32, #tpu.memory_space<vmem>>
          %dma_wait3A_693 = tpu.memref_squeeze %dma_wait3A_692 : memref<1x40x128xf32, #tpu.memory_space<vmem>> -> memref<40x128xf32, #tpu.memory_space<vmem>>
          tpu.wait_dma2 semaphore(%run_scoped3A_669 : memref<!tpu.dma_semaphore, #tpu.memory_space<semaphore_mem>>) src(%dma_wait3A_693 : memref<40x128xf32, #tpu.memory_space<vmem>>) dst(%dma_wait3A_689 : memref<40x128xf32, #tpu.memory_space<vmem_shared>>)
          tpu.yield
        }) : () -> ()
      } else {
      }
      %add3A_556 = arith.constant 32 : i32
      %add3A_557 = arith.addi %arg1, %add3A_556 : i32
      %lt3A_558 = arith.constant 250 : i32
      %lt3A_559 = arith.cmpi slt, %add3A_557, %lt3A_558 : i32
      %convert_element_type3A_560 = arith.extui %lt3A_559 : i1 to i32
      %cond3A_561 = arith.constant 0 : i32
      %cond3A_562 = arith.cmpi ne, %convert_element_type3A_560, %cond3A_561 : i32
      scf.if %cond3A_562 {
        %mul3A_667 = arith.constant 40 : i32
        %mul3A_668 = arith.muli %add3A_557, %mul3A_667 : i32
        %run_scoped3A = arith.constant 0 : i32
        "tpu.region"() ({
          %run_scoped3A_669 = tpu.sem_alloc : memref<!tpu.dma_semaphore, #tpu.memory_space<semaphore_mem>>
          %dma_start3A_670 = arith.constant 0 : i32
          %dma_start3A_671 = arith.constant 0 : i32
          %dma_start3A_672 = tpu.memref_slice %arg8[%run_scoped3A, %dma_start3A_670, %dma_start3A_671] : memref<6x40x128xf32, #tpu.memory_space<vmem>> -> memref<1x40x128xf32, #tpu.memory_space<vmem>>
          %dma_start3A_673 = tpu.memref_squeeze %dma_start3A_672 : memref<1x40x128xf32, #tpu.memory_space<vmem>> -> memref<40x128xf32, #tpu.memory_space<vmem>>
          %dma_start3A_674 = arith.constant 0 : i32
          %dma_start3A_675 = tpu.memref_slice %arg9[%mul3A_668, %dma_start3A_674] : memref<10000x128xf32, #tpu.memory_space<vmem_shared>> -> memref<40x128xf32, #tpu.memory_space<vmem_shared>>
          %dma_start3A_676 = arith.constant 0 : i32
          %dma_start3A_677 = tpu.memref_slice %arg9[%mul3A_668, %dma_start3A_676] : memref<10000x128xf32, #tpu.memory_space<vmem_shared>> -> memref<40x128xf32, #tpu.memory_space<vmem_shared>>
          %dma_start3A_678 = arith.constant 0 : i32
          %dma_start3A_679 = arith.constant 0 : i32
          %dma_start3A_680 = tpu.memref_slice %arg8[%run_scoped3A, %dma_start3A_678, %dma_start3A_679] : memref<6x40x128xf32, #tpu.memory_space<vmem>> -> memref<1x40x128xf32, #tpu.memory_space<vmem>>
          %dma_start3A_681 = tpu.memref_squeeze %dma_start3A_680 : memref<1x40x128xf32, #tpu.memory_space<vmem>> -> memref<40x128xf32, #tpu.memory_space<vmem>>
          tpu.enqueue_dma source(%dma_start3A_681 : memref<40x128xf32, #tpu.memory_space<vmem>>) target(%dma_start3A_677 : memref<40x128xf32, #tpu.memory_space<vmem_shared>>) target_semaphore(%run_scoped3A_669 : memref<!tpu.dma_semaphore, #tpu.memory_space<semaphore_mem>>)
          %dma_wait3A_682 = arith.constant 0 : i32
          %dma_wait3A_683 = arith.constant 0 : i32
          %dma_wait3A_684 = tpu.memref_slice %arg8[%run_scoped3A, %dma_wait3A_682, %dma_wait3A_683] : memref<6x40x128xf32, #tpu.memory_space<vmem>> -> memref<1x40x128xf32, #tpu.memory_space<vmem>>
          %dma_wait3A_685 = tpu.memref_squeeze %dma_wait3A_684 : memref<1x40x128xf32, #tpu.memory_space<vmem>> -> memref<40x128xf32, #tpu.memory_space<vmem>>
          %dma_wait3A_686 = arith.constant 0 : i32
          %dma_wait3A_687 = tpu.memref_slice %arg9[%mul3A_668, %dma_wait3A_686] : memref<10000x128xf32, #tpu.memory_space<vmem_shared>> -> memref<40x128xf32, #tpu.memory_space<vmem_shared>>
          %dma_wait3A_688 = arith.constant 0 : i32
          %dma_wait3A_689 = tpu.memref_slice %arg9[%mul3A_668, %dma_wait3A_688] : memref<10000x128xf32, #tpu.memory_space<vmem_shared>> -> memref<40x128xf32, #tpu.memory_space<vmem_shared>>
          %dma_wait3A_690 = arith.constant 0 : i32
          %dma_wait3A_691 = arith.constant 0 : i32
          %dma_wait3A_692 = tpu.memref_slice %arg8[%run_scoped3A, %dma_wait3A_690, %dma_wait3A_691] : memref<6x40x128xf32, #tpu.memory_space<vmem>> -> memref<1x40x128xf32, #tpu.memory_space<vmem>>
          %dma_wait3A_693 = tpu.memref_squeeze %dma_wait3A_692 : memref<1x40x128xf32, #tpu.memory_space<vmem>> -> memref<40x128xf32, #tpu.memory_space<vmem>>
          tpu.wait_dma2 semaphore(%run_scoped3A_669 : memref<!tpu.dma_semaphore, #tpu.memory_space<semaphore_mem>>) src(%dma_wait3A_693 : memref<40x128xf32, #tpu.memory_space<vmem>>) dst(%dma_wait3A_689 : memref<40x128xf32, #tpu.memory_space<vmem_shared>>)
          tpu.yield
        }) : () -> ()
      } else {
      }
      %add3A_563 = arith.constant 48 : i32
      %add3A_564 = arith.addi %arg1, %add3A_563 : i32
      %lt3A_565 = arith.constant 250 : i32
      %lt3A_566 = arith.cmpi slt, %add3A_564, %lt3A_565 : i32
      %convert_element_type3A_567 = arith.extui %lt3A_566 : i1 to i32
      %cond3A_568 = arith.constant 0 : i32
      %cond3A_569 = arith.cmpi ne, %convert_element_type3A_567, %cond3A_568 : i32
      scf.if %cond3A_569 {
        %mul3A_667 = arith.constant 40 : i32
        %mul3A_668 = arith.muli %add3A_564, %mul3A_667 : i32
        %run_scoped3A = arith.constant 0 : i32
        "tpu.region"() ({
          %run_scoped3A_669 = tpu.sem_alloc : memref<!tpu.dma_semaphore, #tpu.memory_space<semaphore_mem>>
          %dma_start3A_670 = arith.constant 0 : i32
          %dma_start3A_671 = arith.constant 0 : i32
          %dma_start3A_672 = tpu.memref_slice %arg8[%run_scoped3A, %dma_start3A_670, %dma_start3A_671] : memref<6x40x128xf32, #tpu.memory_space<vmem>> -> memref<1x40x128xf32, #tpu.memory_space<vmem>>
          %dma_start3A_673 = tpu.memref_squeeze %dma_start3A_672 : memref<1x40x128xf32, #tpu.memory_space<vmem>> -> memref<40x128xf32, #tpu.memory_space<vmem>>
          %dma_start3A_674 = arith.constant 0 : i32
          %dma_start3A_675 = tpu.memref_slice %arg9[%mul3A_668, %dma_start3A_674] : memref<10000x128xf32, #tpu.memory_space<vmem_shared>> -> memref<40x128xf32, #tpu.memory_space<vmem_shared>>
          %dma_start3A_676 = arith.constant 0 : i32
          %dma_start3A_677 = tpu.memref_slice %arg9[%mul3A_668, %dma_start3A_676] : memref<10000x128xf32, #tpu.memory_space<vmem_shared>> -> memref<40x128xf32, #tpu.memory_space<vmem_shared>>
          %dma_start3A_678 = arith.constant 0 : i32
          %dma_start3A_679 = arith.constant 0 : i32
          %dma_start3A_680 = tpu.memref_slice %arg8[%run_scoped3A, %dma_start3A_678, %dma_start3A_679] : memref<6x40x128xf32, #tpu.memory_space<vmem>> -> memref<1x40x128xf32, #tpu.memory_space<vmem>>
          %dma_start3A_681 = tpu.memref_squeeze %dma_start3A_680 : memref<1x40x128xf32, #tpu.memory_space<vmem>> -> memref<40x128xf32, #tpu.memory_space<vmem>>
          tpu.enqueue_dma source(%dma_start3A_681 : memref<40x128xf32, #tpu.memory_space<vmem>>) target(%dma_start3A_677 : memref<40x128xf32, #tpu.memory_space<vmem_shared>>) target_semaphore(%run_scoped3A_669 : memref<!tpu.dma_semaphore, #tpu.memory_space<semaphore_mem>>)
          %dma_wait3A_682 = arith.constant 0 : i32
          %dma_wait3A_683 = arith.constant 0 : i32
          %dma_wait3A_684 = tpu.memref_slice %arg8[%run_scoped3A, %dma_wait3A_682, %dma_wait3A_683] : memref<6x40x128xf32, #tpu.memory_space<vmem>> -> memref<1x40x128xf32, #tpu.memory_space<vmem>>
          %dma_wait3A_685 = tpu.memref_squeeze %dma_wait3A_684 : memref<1x40x128xf32, #tpu.memory_space<vmem>> -> memref<40x128xf32, #tpu.memory_space<vmem>>
          %dma_wait3A_686 = arith.constant 0 : i32
          %dma_wait3A_687 = tpu.memref_slice %arg9[%mul3A_668, %dma_wait3A_686] : memref<10000x128xf32, #tpu.memory_space<vmem_shared>> -> memref<40x128xf32, #tpu.memory_space<vmem_shared>>
          %dma_wait3A_688 = arith.constant 0 : i32
          %dma_wait3A_689 = tpu.memref_slice %arg9[%mul3A_668, %dma_wait3A_688] : memref<10000x128xf32, #tpu.memory_space<vmem_shared>> -> memref<40x128xf32, #tpu.memory_space<vmem_shared>>
          %dma_wait3A_690 = arith.constant 0 : i32
          %dma_wait3A_691 = arith.constant 0 : i32
          %dma_wait3A_692 = tpu.memref_slice %arg8[%run_scoped3A, %dma_wait3A_690, %dma_wait3A_691] : memref<6x40x128xf32, #tpu.memory_space<vmem>> -> memref<1x40x128xf32, #tpu.memory_space<vmem>>
          %dma_wait3A_693 = tpu.memref_squeeze %dma_wait3A_692 : memref<1x40x128xf32, #tpu.memory_space<vmem>> -> memref<40x128xf32, #tpu.memory_space<vmem>>
          tpu.wait_dma2 semaphore(%run_scoped3A_669 : memref<!tpu.dma_semaphore, #tpu.memory_space<semaphore_mem>>) src(%dma_wait3A_693 : memref<40x128xf32, #tpu.memory_space<vmem>>) dst(%dma_wait3A_689 : memref<40x128xf32, #tpu.memory_space<vmem_shared>>)
          tpu.yield
        }) : () -> ()
      } else {
      }
      %add3A_570 = arith.constant 64 : i32
      %add3A_571 = arith.addi %arg1, %add3A_570 : i32
      %lt3A_572 = arith.constant 250 : i32
      %lt3A_573 = arith.cmpi slt, %add3A_571, %lt3A_572 : i32
      %convert_element_type3A_574 = arith.extui %lt3A_573 : i1 to i32
      %cond3A_575 = arith.constant 0 : i32
      %cond3A_576 = arith.cmpi ne, %convert_element_type3A_574, %cond3A_575 : i32
      scf.if %cond3A_576 {
        %mul3A_667 = arith.constant 40 : i32
        %mul3A_668 = arith.muli %add3A_571, %mul3A_667 : i32
        %run_scoped3A = arith.constant 0 : i32
        "tpu.region"() ({
          %run_scoped3A_669 = tpu.sem_alloc : memref<!tpu.dma_semaphore, #tpu.memory_space<semaphore_mem>>
          %dma_start3A_670 = arith.constant 0 : i32
          %dma_start3A_671 = arith.constant 0 : i32
          %dma_start3A_672 = tpu.memref_slice %arg8[%run_scoped3A, %dma_start3A_670, %dma_start3A_671] : memref<6x40x128xf32, #tpu.memory_space<vmem>> -> memref<1x40x128xf32, #tpu.memory_space<vmem>>
          %dma_start3A_673 = tpu.memref_squeeze %dma_start3A_672 : memref<1x40x128xf32, #tpu.memory_space<vmem>> -> memref<40x128xf32, #tpu.memory_space<vmem>>
          %dma_start3A_674 = arith.constant 0 : i32
          %dma_start3A_675 = tpu.memref_slice %arg9[%mul3A_668, %dma_start3A_674] : memref<10000x128xf32, #tpu.memory_space<vmem_shared>> -> memref<40x128xf32, #tpu.memory_space<vmem_shared>>
          %dma_start3A_676 = arith.constant 0 : i32
          %dma_start3A_677 = tpu.memref_slice %arg9[%mul3A_668, %dma_start3A_676] : memref<10000x128xf32, #tpu.memory_space<vmem_shared>> -> memref<40x128xf32, #tpu.memory_space<vmem_shared>>
          %dma_start3A_678 = arith.constant 0 : i32
          %dma_start3A_679 = arith.constant 0 : i32
          %dma_start3A_680 = tpu.memref_slice %arg8[%run_scoped3A, %dma_start3A_678, %dma_start3A_679] : memref<6x40x128xf32, #tpu.memory_space<vmem>> -> memref<1x40x128xf32, #tpu.memory_space<vmem>>
          %dma_start3A_681 = tpu.memref_squeeze %dma_start3A_680 : memref<1x40x128xf32, #tpu.memory_space<vmem>> -> memref<40x128xf32, #tpu.memory_space<vmem>>
          tpu.enqueue_dma source(%dma_start3A_681 : memref<40x128xf32, #tpu.memory_space<vmem>>) target(%dma_start3A_677 : memref<40x128xf32, #tpu.memory_space<vmem_shared>>) target_semaphore(%run_scoped3A_669 : memref<!tpu.dma_semaphore, #tpu.memory_space<semaphore_mem>>)
          %dma_wait3A_682 = arith.constant 0 : i32
          %dma_wait3A_683 = arith.constant 0 : i32
          %dma_wait3A_684 = tpu.memref_slice %arg8[%run_scoped3A, %dma_wait3A_682, %dma_wait3A_683] : memref<6x40x128xf32, #tpu.memory_space<vmem>> -> memref<1x40x128xf32, #tpu.memory_space<vmem>>
          %dma_wait3A_685 = tpu.memref_squeeze %dma_wait3A_684 : memref<1x40x128xf32, #tpu.memory_space<vmem>> -> memref<40x128xf32, #tpu.memory_space<vmem>>
          %dma_wait3A_686 = arith.constant 0 : i32
          %dma_wait3A_687 = tpu.memref_slice %arg9[%mul3A_668, %dma_wait3A_686] : memref<10000x128xf32, #tpu.memory_space<vmem_shared>> -> memref<40x128xf32, #tpu.memory_space<vmem_shared>>
          %dma_wait3A_688 = arith.constant 0 : i32
          %dma_wait3A_689 = tpu.memref_slice %arg9[%mul3A_668, %dma_wait3A_688] : memref<10000x128xf32, #tpu.memory_space<vmem_shared>> -> memref<40x128xf32, #tpu.memory_space<vmem_shared>>
          %dma_wait3A_690 = arith.constant 0 : i32
          %dma_wait3A_691 = arith.constant 0 : i32
          %dma_wait3A_692 = tpu.memref_slice %arg8[%run_scoped3A, %dma_wait3A_690, %dma_wait3A_691] : memref<6x40x128xf32, #tpu.memory_space<vmem>> -> memref<1x40x128xf32, #tpu.memory_space<vmem>>
          %dma_wait3A_693 = tpu.memref_squeeze %dma_wait3A_692 : memref<1x40x128xf32, #tpu.memory_space<vmem>> -> memref<40x128xf32, #tpu.memory_space<vmem>>
          tpu.wait_dma2 semaphore(%run_scoped3A_669 : memref<!tpu.dma_semaphore, #tpu.memory_space<semaphore_mem>>) src(%dma_wait3A_693 : memref<40x128xf32, #tpu.memory_space<vmem>>) dst(%dma_wait3A_689 : memref<40x128xf32, #tpu.memory_space<vmem_shared>>)
          tpu.yield
        }) : () -> ()
      } else {
      }
      %add3A_577 = arith.constant 80 : i32
      %add3A_578 = arith.addi %arg1, %add3A_577 : i32
      %lt3A_579 = arith.constant 250 : i32
      %lt3A_580 = arith.cmpi slt, %add3A_578, %lt3A_579 : i32
      %convert_element_type3A_581 = arith.extui %lt3A_580 : i1 to i32
      %cond3A_582 = arith.constant 0 : i32
      %cond3A_583 = arith.cmpi ne, %convert_element_type3A_581, %cond3A_582 : i32
      scf.if %cond3A_583 {
        %mul3A_667 = arith.constant 40 : i32
        %mul3A_668 = arith.muli %add3A_578, %mul3A_667 : i32
        %run_scoped3A = arith.constant 0 : i32
        "tpu.region"() ({
          %run_scoped3A_669 = tpu.sem_alloc : memref<!tpu.dma_semaphore, #tpu.memory_space<semaphore_mem>>
          %dma_start3A_670 = arith.constant 0 : i32
          %dma_start3A_671 = arith.constant 0 : i32
          %dma_start3A_672 = tpu.memref_slice %arg8[%run_scoped3A, %dma_start3A_670, %dma_start3A_671] : memref<6x40x128xf32, #tpu.memory_space<vmem>> -> memref<1x40x128xf32, #tpu.memory_space<vmem>>
          %dma_start3A_673 = tpu.memref_squeeze %dma_start3A_672 : memref<1x40x128xf32, #tpu.memory_space<vmem>> -> memref<40x128xf32, #tpu.memory_space<vmem>>
          %dma_start3A_674 = arith.constant 0 : i32
          %dma_start3A_675 = tpu.memref_slice %arg9[%mul3A_668, %dma_start3A_674] : memref<10000x128xf32, #tpu.memory_space<vmem_shared>> -> memref<40x128xf32, #tpu.memory_space<vmem_shared>>
          %dma_start3A_676 = arith.constant 0 : i32
          %dma_start3A_677 = tpu.memref_slice %arg9[%mul3A_668, %dma_start3A_676] : memref<10000x128xf32, #tpu.memory_space<vmem_shared>> -> memref<40x128xf32, #tpu.memory_space<vmem_shared>>
          %dma_start3A_678 = arith.constant 0 : i32
          %dma_start3A_679 = arith.constant 0 : i32
          %dma_start3A_680 = tpu.memref_slice %arg8[%run_scoped3A, %dma_start3A_678, %dma_start3A_679] : memref<6x40x128xf32, #tpu.memory_space<vmem>> -> memref<1x40x128xf32, #tpu.memory_space<vmem>>
          %dma_start3A_681 = tpu.memref_squeeze %dma_start3A_680 : memref<1x40x128xf32, #tpu.memory_space<vmem>> -> memref<40x128xf32, #tpu.memory_space<vmem>>
          tpu.enqueue_dma source(%dma_start3A_681 : memref<40x128xf32, #tpu.memory_space<vmem>>) target(%dma_start3A_677 : memref<40x128xf32, #tpu.memory_space<vmem_shared>>) target_semaphore(%run_scoped3A_669 : memref<!tpu.dma_semaphore, #tpu.memory_space<semaphore_mem>>)
          %dma_wait3A_682 = arith.constant 0 : i32
          %dma_wait3A_683 = arith.constant 0 : i32
          %dma_wait3A_684 = tpu.memref_slice %arg8[%run_scoped3A, %dma_wait3A_682, %dma_wait3A_683] : memref<6x40x128xf32, #tpu.memory_space<vmem>> -> memref<1x40x128xf32, #tpu.memory_space<vmem>>
          %dma_wait3A_685 = tpu.memref_squeeze %dma_wait3A_684 : memref<1x40x128xf32, #tpu.memory_space<vmem>> -> memref<40x128xf32, #tpu.memory_space<vmem>>
          %dma_wait3A_686 = arith.constant 0 : i32
          %dma_wait3A_687 = tpu.memref_slice %arg9[%mul3A_668, %dma_wait3A_686] : memref<10000x128xf32, #tpu.memory_space<vmem_shared>> -> memref<40x128xf32, #tpu.memory_space<vmem_shared>>
          %dma_wait3A_688 = arith.constant 0 : i32
          %dma_wait3A_689 = tpu.memref_slice %arg9[%mul3A_668, %dma_wait3A_688] : memref<10000x128xf32, #tpu.memory_space<vmem_shared>> -> memref<40x128xf32, #tpu.memory_space<vmem_shared>>
          %dma_wait3A_690 = arith.constant 0 : i32
          %dma_wait3A_691 = arith.constant 0 : i32
          %dma_wait3A_692 = tpu.memref_slice %arg8[%run_scoped3A, %dma_wait3A_690, %dma_wait3A_691] : memref<6x40x128xf32, #tpu.memory_space<vmem>> -> memref<1x40x128xf32, #tpu.memory_space<vmem>>
          %dma_wait3A_693 = tpu.memref_squeeze %dma_wait3A_692 : memref<1x40x128xf32, #tpu.memory_space<vmem>> -> memref<40x128xf32, #tpu.memory_space<vmem>>
          tpu.wait_dma2 semaphore(%run_scoped3A_669 : memref<!tpu.dma_semaphore, #tpu.memory_space<semaphore_mem>>) src(%dma_wait3A_693 : memref<40x128xf32, #tpu.memory_space<vmem>>) dst(%dma_wait3A_689 : memref<40x128xf32, #tpu.memory_space<vmem_shared>>)
          tpu.yield
        }) : () -> ()
      } else {
      }
      %add3A_584 = arith.constant 96 : i32
      %add3A_585 = arith.addi %arg1, %add3A_584 : i32
      %lt3A_586 = arith.constant 250 : i32
      %lt3A_587 = arith.cmpi slt, %add3A_585, %lt3A_586 : i32
      %convert_element_type3A_588 = arith.extui %lt3A_587 : i1 to i32
      %cond3A_589 = arith.constant 0 : i32
      %cond3A_590 = arith.cmpi ne, %convert_element_type3A_588, %cond3A_589 : i32
      scf.if %cond3A_590 {
        %mul3A_667 = arith.constant 40 : i32
        %mul3A_668 = arith.muli %add3A_585, %mul3A_667 : i32
        %run_scoped3A = arith.constant 0 : i32
        "tpu.region"() ({
          %run_scoped3A_669 = tpu.sem_alloc : memref<!tpu.dma_semaphore, #tpu.memory_space<semaphore_mem>>
          %dma_start3A_670 = arith.constant 0 : i32
          %dma_start3A_671 = arith.constant 0 : i32
          %dma_start3A_672 = tpu.memref_slice %arg8[%run_scoped3A, %dma_start3A_670, %dma_start3A_671] : memref<6x40x128xf32, #tpu.memory_space<vmem>> -> memref<1x40x128xf32, #tpu.memory_space<vmem>>
          %dma_start3A_673 = tpu.memref_squeeze %dma_start3A_672 : memref<1x40x128xf32, #tpu.memory_space<vmem>> -> memref<40x128xf32, #tpu.memory_space<vmem>>
          %dma_start3A_674 = arith.constant 0 : i32
          %dma_start3A_675 = tpu.memref_slice %arg9[%mul3A_668, %dma_start3A_674] : memref<10000x128xf32, #tpu.memory_space<vmem_shared>> -> memref<40x128xf32, #tpu.memory_space<vmem_shared>>
          %dma_start3A_676 = arith.constant 0 : i32
          %dma_start3A_677 = tpu.memref_slice %arg9[%mul3A_668, %dma_start3A_676] : memref<10000x128xf32, #tpu.memory_space<vmem_shared>> -> memref<40x128xf32, #tpu.memory_space<vmem_shared>>
          %dma_start3A_678 = arith.constant 0 : i32
          %dma_start3A_679 = arith.constant 0 : i32
          %dma_start3A_680 = tpu.memref_slice %arg8[%run_scoped3A, %dma_start3A_678, %dma_start3A_679] : memref<6x40x128xf32, #tpu.memory_space<vmem>> -> memref<1x40x128xf32, #tpu.memory_space<vmem>>
          %dma_start3A_681 = tpu.memref_squeeze %dma_start3A_680 : memref<1x40x128xf32, #tpu.memory_space<vmem>> -> memref<40x128xf32, #tpu.memory_space<vmem>>
          tpu.enqueue_dma source(%dma_start3A_681 : memref<40x128xf32, #tpu.memory_space<vmem>>) target(%dma_start3A_677 : memref<40x128xf32, #tpu.memory_space<vmem_shared>>) target_semaphore(%run_scoped3A_669 : memref<!tpu.dma_semaphore, #tpu.memory_space<semaphore_mem>>)
          %dma_wait3A_682 = arith.constant 0 : i32
          %dma_wait3A_683 = arith.constant 0 : i32
          %dma_wait3A_684 = tpu.memref_slice %arg8[%run_scoped3A, %dma_wait3A_682, %dma_wait3A_683] : memref<6x40x128xf32, #tpu.memory_space<vmem>> -> memref<1x40x128xf32, #tpu.memory_space<vmem>>
          %dma_wait3A_685 = tpu.memref_squeeze %dma_wait3A_684 : memref<1x40x128xf32, #tpu.memory_space<vmem>> -> memref<40x128xf32, #tpu.memory_space<vmem>>
          %dma_wait3A_686 = arith.constant 0 : i32
          %dma_wait3A_687 = tpu.memref_slice %arg9[%mul3A_668, %dma_wait3A_686] : memref<10000x128xf32, #tpu.memory_space<vmem_shared>> -> memref<40x128xf32, #tpu.memory_space<vmem_shared>>
          %dma_wait3A_688 = arith.constant 0 : i32
          %dma_wait3A_689 = tpu.memref_slice %arg9[%mul3A_668, %dma_wait3A_688] : memref<10000x128xf32, #tpu.memory_space<vmem_shared>> -> memref<40x128xf32, #tpu.memory_space<vmem_shared>>
          %dma_wait3A_690 = arith.constant 0 : i32
          %dma_wait3A_691 = arith.constant 0 : i32
          %dma_wait3A_692 = tpu.memref_slice %arg8[%run_scoped3A, %dma_wait3A_690, %dma_wait3A_691] : memref<6x40x128xf32, #tpu.memory_space<vmem>> -> memref<1x40x128xf32, #tpu.memory_space<vmem>>
          %dma_wait3A_693 = tpu.memref_squeeze %dma_wait3A_692 : memref<1x40x128xf32, #tpu.memory_space<vmem>> -> memref<40x128xf32, #tpu.memory_space<vmem>>
          tpu.wait_dma2 semaphore(%run_scoped3A_669 : memref<!tpu.dma_semaphore, #tpu.memory_space<semaphore_mem>>) src(%dma_wait3A_693 : memref<40x128xf32, #tpu.memory_space<vmem>>) dst(%dma_wait3A_689 : memref<40x128xf32, #tpu.memory_space<vmem_shared>>)
          tpu.yield
        }) : () -> ()
      } else {
      }
      %add3A_591 = arith.constant 112 : i32
      %add3A_592 = arith.addi %arg1, %add3A_591 : i32
      %lt3A_593 = arith.constant 250 : i32
      %lt3A_594 = arith.cmpi slt, %add3A_592, %lt3A_593 : i32
      %convert_element_type3A_595 = arith.extui %lt3A_594 : i1 to i32
      %cond3A_596 = arith.constant 0 : i32
      %cond3A_597 = arith.cmpi ne, %convert_element_type3A_595, %cond3A_596 : i32
      scf.if %cond3A_597 {
        %mul3A_667 = arith.constant 40 : i32
        %mul3A_668 = arith.muli %add3A_592, %mul3A_667 : i32
        %run_scoped3A = arith.constant 0 : i32
        "tpu.region"() ({
          %run_scoped3A_669 = tpu.sem_alloc : memref<!tpu.dma_semaphore, #tpu.memory_space<semaphore_mem>>
          %dma_start3A_670 = arith.constant 0 : i32
          %dma_start3A_671 = arith.constant 0 : i32
          %dma_start3A_672 = tpu.memref_slice %arg8[%run_scoped3A, %dma_start3A_670, %dma_start3A_671] : memref<6x40x128xf32, #tpu.memory_space<vmem>> -> memref<1x40x128xf32, #tpu.memory_space<vmem>>
          %dma_start3A_673 = tpu.memref_squeeze %dma_start3A_672 : memref<1x40x128xf32, #tpu.memory_space<vmem>> -> memref<40x128xf32, #tpu.memory_space<vmem>>
          %dma_start3A_674 = arith.constant 0 : i32
          %dma_start3A_675 = tpu.memref_slice %arg9[%mul3A_668, %dma_start3A_674] : memref<10000x128xf32, #tpu.memory_space<vmem_shared>> -> memref<40x128xf32, #tpu.memory_space<vmem_shared>>
          %dma_start3A_676 = arith.constant 0 : i32
          %dma_start3A_677 = tpu.memref_slice %arg9[%mul3A_668, %dma_start3A_676] : memref<10000x128xf32, #tpu.memory_space<vmem_shared>> -> memref<40x128xf32, #tpu.memory_space<vmem_shared>>
          %dma_start3A_678 = arith.constant 0 : i32
          %dma_start3A_679 = arith.constant 0 : i32
          %dma_start3A_680 = tpu.memref_slice %arg8[%run_scoped3A, %dma_start3A_678, %dma_start3A_679] : memref<6x40x128xf32, #tpu.memory_space<vmem>> -> memref<1x40x128xf32, #tpu.memory_space<vmem>>
          %dma_start3A_681 = tpu.memref_squeeze %dma_start3A_680 : memref<1x40x128xf32, #tpu.memory_space<vmem>> -> memref<40x128xf32, #tpu.memory_space<vmem>>
          tpu.enqueue_dma source(%dma_start3A_681 : memref<40x128xf32, #tpu.memory_space<vmem>>) target(%dma_start3A_677 : memref<40x128xf32, #tpu.memory_space<vmem_shared>>) target_semaphore(%run_scoped3A_669 : memref<!tpu.dma_semaphore, #tpu.memory_space<semaphore_mem>>)
          %dma_wait3A_682 = arith.constant 0 : i32
          %dma_wait3A_683 = arith.constant 0 : i32
          %dma_wait3A_684 = tpu.memref_slice %arg8[%run_scoped3A, %dma_wait3A_682, %dma_wait3A_683] : memref<6x40x128xf32, #tpu.memory_space<vmem>> -> memref<1x40x128xf32, #tpu.memory_space<vmem>>
          %dma_wait3A_685 = tpu.memref_squeeze %dma_wait3A_684 : memref<1x40x128xf32, #tpu.memory_space<vmem>> -> memref<40x128xf32, #tpu.memory_space<vmem>>
          %dma_wait3A_686 = arith.constant 0 : i32
          %dma_wait3A_687 = tpu.memref_slice %arg9[%mul3A_668, %dma_wait3A_686] : memref<10000x128xf32, #tpu.memory_space<vmem_shared>> -> memref<40x128xf32, #tpu.memory_space<vmem_shared>>
          %dma_wait3A_688 = arith.constant 0 : i32
          %dma_wait3A_689 = tpu.memref_slice %arg9[%mul3A_668, %dma_wait3A_688] : memref<10000x128xf32, #tpu.memory_space<vmem_shared>> -> memref<40x128xf32, #tpu.memory_space<vmem_shared>>
          %dma_wait3A_690 = arith.constant 0 : i32
          %dma_wait3A_691 = arith.constant 0 : i32
          %dma_wait3A_692 = tpu.memref_slice %arg8[%run_scoped3A, %dma_wait3A_690, %dma_wait3A_691] : memref<6x40x128xf32, #tpu.memory_space<vmem>> -> memref<1x40x128xf32, #tpu.memory_space<vmem>>
          %dma_wait3A_693 = tpu.memref_squeeze %dma_wait3A_692 : memref<1x40x128xf32, #tpu.memory_space<vmem>> -> memref<40x128xf32, #tpu.memory_space<vmem>>
          tpu.wait_dma2 semaphore(%run_scoped3A_669 : memref<!tpu.dma_semaphore, #tpu.memory_space<semaphore_mem>>) src(%dma_wait3A_693 : memref<40x128xf32, #tpu.memory_space<vmem>>) dst(%dma_wait3A_689 : memref<40x128xf32, #tpu.memory_space<vmem_shared>>)
          tpu.yield
        }) : () -> ()
      } else {
      }
      %add3A_598 = arith.constant 128 : i32
      %add3A_599 = arith.addi %arg1, %add3A_598 : i32
      %lt3A_600 = arith.constant 250 : i32
      %lt3A_601 = arith.cmpi slt, %add3A_599, %lt3A_600 : i32
      %convert_element_type3A_602 = arith.extui %lt3A_601 : i1 to i32
      %cond3A_603 = arith.constant 0 : i32
      %cond3A_604 = arith.cmpi ne, %convert_element_type3A_602, %cond3A_603 : i32
      scf.if %cond3A_604 {
        %mul3A_667 = arith.constant 40 : i32
        %mul3A_668 = arith.muli %add3A_599, %mul3A_667 : i32
        %run_scoped3A = arith.constant 0 : i32
        "tpu.region"() ({
          %run_scoped3A_669 = tpu.sem_alloc : memref<!tpu.dma_semaphore, #tpu.memory_space<semaphore_mem>>
          %dma_start3A_670 = arith.constant 0 : i32
          %dma_start3A_671 = arith.constant 0 : i32
          %dma_start3A_672 = tpu.memref_slice %arg8[%run_scoped3A, %dma_start3A_670, %dma_start3A_671] : memref<6x40x128xf32, #tpu.memory_space<vmem>> -> memref<1x40x128xf32, #tpu.memory_space<vmem>>
          %dma_start3A_673 = tpu.memref_squeeze %dma_start3A_672 : memref<1x40x128xf32, #tpu.memory_space<vmem>> -> memref<40x128xf32, #tpu.memory_space<vmem>>
          %dma_start3A_674 = arith.constant 0 : i32
          %dma_start3A_675 = tpu.memref_slice %arg9[%mul3A_668, %dma_start3A_674] : memref<10000x128xf32, #tpu.memory_space<vmem_shared>> -> memref<40x128xf32, #tpu.memory_space<vmem_shared>>
          %dma_start3A_676 = arith.constant 0 : i32
          %dma_start3A_677 = tpu.memref_slice %arg9[%mul3A_668, %dma_start3A_676] : memref<10000x128xf32, #tpu.memory_space<vmem_shared>> -> memref<40x128xf32, #tpu.memory_space<vmem_shared>>
          %dma_start3A_678 = arith.constant 0 : i32
          %dma_start3A_679 = arith.constant 0 : i32
          %dma_start3A_680 = tpu.memref_slice %arg8[%run_scoped3A, %dma_start3A_678, %dma_start3A_679] : memref<6x40x128xf32, #tpu.memory_space<vmem>> -> memref<1x40x128xf32, #tpu.memory_space<vmem>>
          %dma_start3A_681 = tpu.memref_squeeze %dma_start3A_680 : memref<1x40x128xf32, #tpu.memory_space<vmem>> -> memref<40x128xf32, #tpu.memory_space<vmem>>
          tpu.enqueue_dma source(%dma_start3A_681 : memref<40x128xf32, #tpu.memory_space<vmem>>) target(%dma_start3A_677 : memref<40x128xf32, #tpu.memory_space<vmem_shared>>) target_semaphore(%run_scoped3A_669 : memref<!tpu.dma_semaphore, #tpu.memory_space<semaphore_mem>>)
          %dma_wait3A_682 = arith.constant 0 : i32
          %dma_wait3A_683 = arith.constant 0 : i32
          %dma_wait3A_684 = tpu.memref_slice %arg8[%run_scoped3A, %dma_wait3A_682, %dma_wait3A_683] : memref<6x40x128xf32, #tpu.memory_space<vmem>> -> memref<1x40x128xf32, #tpu.memory_space<vmem>>
          %dma_wait3A_685 = tpu.memref_squeeze %dma_wait3A_684 : memref<1x40x128xf32, #tpu.memory_space<vmem>> -> memref<40x128xf32, #tpu.memory_space<vmem>>
          %dma_wait3A_686 = arith.constant 0 : i32
          %dma_wait3A_687 = tpu.memref_slice %arg9[%mul3A_668, %dma_wait3A_686] : memref<10000x128xf32, #tpu.memory_space<vmem_shared>> -> memref<40x128xf32, #tpu.memory_space<vmem_shared>>
          %dma_wait3A_688 = arith.constant 0 : i32
          %dma_wait3A_689 = tpu.memref_slice %arg9[%mul3A_668, %dma_wait3A_688] : memref<10000x128xf32, #tpu.memory_space<vmem_shared>> -> memref<40x128xf32, #tpu.memory_space<vmem_shared>>
          %dma_wait3A_690 = arith.constant 0 : i32
          %dma_wait3A_691 = arith.constant 0 : i32
          %dma_wait3A_692 = tpu.memref_slice %arg8[%run_scoped3A, %dma_wait3A_690, %dma_wait3A_691] : memref<6x40x128xf32, #tpu.memory_space<vmem>> -> memref<1x40x128xf32, #tpu.memory_space<vmem>>
          %dma_wait3A_693 = tpu.memref_squeeze %dma_wait3A_692 : memref<1x40x128xf32, #tpu.memory_space<vmem>> -> memref<40x128xf32, #tpu.memory_space<vmem>>
          tpu.wait_dma2 semaphore(%run_scoped3A_669 : memref<!tpu.dma_semaphore, #tpu.memory_space<semaphore_mem>>) src(%dma_wait3A_693 : memref<40x128xf32, #tpu.memory_space<vmem>>) dst(%dma_wait3A_689 : memref<40x128xf32, #tpu.memory_space<vmem_shared>>)
          tpu.yield
        }) : () -> ()
      } else {
      }
      %add3A_605 = arith.constant 144 : i32
      %add3A_606 = arith.addi %arg1, %add3A_605 : i32
      %lt3A_607 = arith.constant 250 : i32
      %lt3A_608 = arith.cmpi slt, %add3A_606, %lt3A_607 : i32
      %convert_element_type3A_609 = arith.extui %lt3A_608 : i1 to i32
      %cond3A_610 = arith.constant 0 : i32
      %cond3A_611 = arith.cmpi ne, %convert_element_type3A_609, %cond3A_610 : i32
      scf.if %cond3A_611 {
        %mul3A_667 = arith.constant 40 : i32
        %mul3A_668 = arith.muli %add3A_606, %mul3A_667 : i32
        %run_scoped3A = arith.constant 0 : i32
        "tpu.region"() ({
          %run_scoped3A_669 = tpu.sem_alloc : memref<!tpu.dma_semaphore, #tpu.memory_space<semaphore_mem>>
          %dma_start3A_670 = arith.constant 0 : i32
          %dma_start3A_671 = arith.constant 0 : i32
          %dma_start3A_672 = tpu.memref_slice %arg8[%run_scoped3A, %dma_start3A_670, %dma_start3A_671] : memref<6x40x128xf32, #tpu.memory_space<vmem>> -> memref<1x40x128xf32, #tpu.memory_space<vmem>>
          %dma_start3A_673 = tpu.memref_squeeze %dma_start3A_672 : memref<1x40x128xf32, #tpu.memory_space<vmem>> -> memref<40x128xf32, #tpu.memory_space<vmem>>
          %dma_start3A_674 = arith.constant 0 : i32
          %dma_start3A_675 = tpu.memref_slice %arg9[%mul3A_668, %dma_start3A_674] : memref<10000x128xf32, #tpu.memory_space<vmem_shared>> -> memref<40x128xf32, #tpu.memory_space<vmem_shared>>
          %dma_start3A_676 = arith.constant 0 : i32
          %dma_start3A_677 = tpu.memref_slice %arg9[%mul3A_668, %dma_start3A_676] : memref<10000x128xf32, #tpu.memory_space<vmem_shared>> -> memref<40x128xf32, #tpu.memory_space<vmem_shared>>
          %dma_start3A_678 = arith.constant 0 : i32
          %dma_start3A_679 = arith.constant 0 : i32
          %dma_start3A_680 = tpu.memref_slice %arg8[%run_scoped3A, %dma_start3A_678, %dma_start3A_679] : memref<6x40x128xf32, #tpu.memory_space<vmem>> -> memref<1x40x128xf32, #tpu.memory_space<vmem>>
          %dma_start3A_681 = tpu.memref_squeeze %dma_start3A_680 : memref<1x40x128xf32, #tpu.memory_space<vmem>> -> memref<40x128xf32, #tpu.memory_space<vmem>>
          tpu.enqueue_dma source(%dma_start3A_681 : memref<40x128xf32, #tpu.memory_space<vmem>>) target(%dma_start3A_677 : memref<40x128xf32, #tpu.memory_space<vmem_shared>>) target_semaphore(%run_scoped3A_669 : memref<!tpu.dma_semaphore, #tpu.memory_space<semaphore_mem>>)
          %dma_wait3A_682 = arith.constant 0 : i32
          %dma_wait3A_683 = arith.constant 0 : i32
          %dma_wait3A_684 = tpu.memref_slice %arg8[%run_scoped3A, %dma_wait3A_682, %dma_wait3A_683] : memref<6x40x128xf32, #tpu.memory_space<vmem>> -> memref<1x40x128xf32, #tpu.memory_space<vmem>>
          %dma_wait3A_685 = tpu.memref_squeeze %dma_wait3A_684 : memref<1x40x128xf32, #tpu.memory_space<vmem>> -> memref<40x128xf32, #tpu.memory_space<vmem>>
          %dma_wait3A_686 = arith.constant 0 : i32
          %dma_wait3A_687 = tpu.memref_slice %arg9[%mul3A_668, %dma_wait3A_686] : memref<10000x128xf32, #tpu.memory_space<vmem_shared>> -> memref<40x128xf32, #tpu.memory_space<vmem_shared>>
          %dma_wait3A_688 = arith.constant 0 : i32
          %dma_wait3A_689 = tpu.memref_slice %arg9[%mul3A_668, %dma_wait3A_688] : memref<10000x128xf32, #tpu.memory_space<vmem_shared>> -> memref<40x128xf32, #tpu.memory_space<vmem_shared>>
          %dma_wait3A_690 = arith.constant 0 : i32
          %dma_wait3A_691 = arith.constant 0 : i32
          %dma_wait3A_692 = tpu.memref_slice %arg8[%run_scoped3A, %dma_wait3A_690, %dma_wait3A_691] : memref<6x40x128xf32, #tpu.memory_space<vmem>> -> memref<1x40x128xf32, #tpu.memory_space<vmem>>
          %dma_wait3A_693 = tpu.memref_squeeze %dma_wait3A_692 : memref<1x40x128xf32, #tpu.memory_space<vmem>> -> memref<40x128xf32, #tpu.memory_space<vmem>>
          tpu.wait_dma2 semaphore(%run_scoped3A_669 : memref<!tpu.dma_semaphore, #tpu.memory_space<semaphore_mem>>) src(%dma_wait3A_693 : memref<40x128xf32, #tpu.memory_space<vmem>>) dst(%dma_wait3A_689 : memref<40x128xf32, #tpu.memory_space<vmem_shared>>)
          tpu.yield
        }) : () -> ()
      } else {
      }
      %add3A_612 = arith.constant 160 : i32
      %add3A_613 = arith.addi %arg1, %add3A_612 : i32
      %lt3A_614 = arith.constant 250 : i32
      %lt3A_615 = arith.cmpi slt, %add3A_613, %lt3A_614 : i32
      %convert_element_type3A_616 = arith.extui %lt3A_615 : i1 to i32
      %cond3A_617 = arith.constant 0 : i32
      %cond3A_618 = arith.cmpi ne, %convert_element_type3A_616, %cond3A_617 : i32
      scf.if %cond3A_618 {
        %mul3A_667 = arith.constant 40 : i32
        %mul3A_668 = arith.muli %add3A_613, %mul3A_667 : i32
        %run_scoped3A = arith.constant 0 : i32
        "tpu.region"() ({
          %run_scoped3A_669 = tpu.sem_alloc : memref<!tpu.dma_semaphore, #tpu.memory_space<semaphore_mem>>
          %dma_start3A_670 = arith.constant 0 : i32
          %dma_start3A_671 = arith.constant 0 : i32
          %dma_start3A_672 = tpu.memref_slice %arg8[%run_scoped3A, %dma_start3A_670, %dma_start3A_671] : memref<6x40x128xf32, #tpu.memory_space<vmem>> -> memref<1x40x128xf32, #tpu.memory_space<vmem>>
          %dma_start3A_673 = tpu.memref_squeeze %dma_start3A_672 : memref<1x40x128xf32, #tpu.memory_space<vmem>> -> memref<40x128xf32, #tpu.memory_space<vmem>>
          %dma_start3A_674 = arith.constant 0 : i32
          %dma_start3A_675 = tpu.memref_slice %arg9[%mul3A_668, %dma_start3A_674] : memref<10000x128xf32, #tpu.memory_space<vmem_shared>> -> memref<40x128xf32, #tpu.memory_space<vmem_shared>>
          %dma_start3A_676 = arith.constant 0 : i32
          %dma_start3A_677 = tpu.memref_slice %arg9[%mul3A_668, %dma_start3A_676] : memref<10000x128xf32, #tpu.memory_space<vmem_shared>> -> memref<40x128xf32, #tpu.memory_space<vmem_shared>>
          %dma_start3A_678 = arith.constant 0 : i32
          %dma_start3A_679 = arith.constant 0 : i32
          %dma_start3A_680 = tpu.memref_slice %arg8[%run_scoped3A, %dma_start3A_678, %dma_start3A_679] : memref<6x40x128xf32, #tpu.memory_space<vmem>> -> memref<1x40x128xf32, #tpu.memory_space<vmem>>
          %dma_start3A_681 = tpu.memref_squeeze %dma_start3A_680 : memref<1x40x128xf32, #tpu.memory_space<vmem>> -> memref<40x128xf32, #tpu.memory_space<vmem>>
          tpu.enqueue_dma source(%dma_start3A_681 : memref<40x128xf32, #tpu.memory_space<vmem>>) target(%dma_start3A_677 : memref<40x128xf32, #tpu.memory_space<vmem_shared>>) target_semaphore(%run_scoped3A_669 : memref<!tpu.dma_semaphore, #tpu.memory_space<semaphore_mem>>)
          %dma_wait3A_682 = arith.constant 0 : i32
          %dma_wait3A_683 = arith.constant 0 : i32
          %dma_wait3A_684 = tpu.memref_slice %arg8[%run_scoped3A, %dma_wait3A_682, %dma_wait3A_683] : memref<6x40x128xf32, #tpu.memory_space<vmem>> -> memref<1x40x128xf32, #tpu.memory_space<vmem>>
          %dma_wait3A_685 = tpu.memref_squeeze %dma_wait3A_684 : memref<1x40x128xf32, #tpu.memory_space<vmem>> -> memref<40x128xf32, #tpu.memory_space<vmem>>
          %dma_wait3A_686 = arith.constant 0 : i32
          %dma_wait3A_687 = tpu.memref_slice %arg9[%mul3A_668, %dma_wait3A_686] : memref<10000x128xf32, #tpu.memory_space<vmem_shared>> -> memref<40x128xf32, #tpu.memory_space<vmem_shared>>
          %dma_wait3A_688 = arith.constant 0 : i32
          %dma_wait3A_689 = tpu.memref_slice %arg9[%mul3A_668, %dma_wait3A_688] : memref<10000x128xf32, #tpu.memory_space<vmem_shared>> -> memref<40x128xf32, #tpu.memory_space<vmem_shared>>
          %dma_wait3A_690 = arith.constant 0 : i32
          %dma_wait3A_691 = arith.constant 0 : i32
          %dma_wait3A_692 = tpu.memref_slice %arg8[%run_scoped3A, %dma_wait3A_690, %dma_wait3A_691] : memref<6x40x128xf32, #tpu.memory_space<vmem>> -> memref<1x40x128xf32, #tpu.memory_space<vmem>>
          %dma_wait3A_693 = tpu.memref_squeeze %dma_wait3A_692 : memref<1x40x128xf32, #tpu.memory_space<vmem>> -> memref<40x128xf32, #tpu.memory_space<vmem>>
          tpu.wait_dma2 semaphore(%run_scoped3A_669 : memref<!tpu.dma_semaphore, #tpu.memory_space<semaphore_mem>>) src(%dma_wait3A_693 : memref<40x128xf32, #tpu.memory_space<vmem>>) dst(%dma_wait3A_689 : memref<40x128xf32, #tpu.memory_space<vmem_shared>>)
          tpu.yield
        }) : () -> ()
      } else {
      }
      %add3A_619 = arith.constant 176 : i32
      %add3A_620 = arith.addi %arg1, %add3A_619 : i32
      %lt3A_621 = arith.constant 250 : i32
      %lt3A_622 = arith.cmpi slt, %add3A_620, %lt3A_621 : i32
      %convert_element_type3A_623 = arith.extui %lt3A_622 : i1 to i32
      %cond3A_624 = arith.constant 0 : i32
      %cond3A_625 = arith.cmpi ne, %convert_element_type3A_623, %cond3A_624 : i32
      scf.if %cond3A_625 {
        %mul3A_667 = arith.constant 40 : i32
        %mul3A_668 = arith.muli %add3A_620, %mul3A_667 : i32
        %run_scoped3A = arith.constant 0 : i32
        "tpu.region"() ({
          %run_scoped3A_669 = tpu.sem_alloc : memref<!tpu.dma_semaphore, #tpu.memory_space<semaphore_mem>>
          %dma_start3A_670 = arith.constant 0 : i32
          %dma_start3A_671 = arith.constant 0 : i32
          %dma_start3A_672 = tpu.memref_slice %arg8[%run_scoped3A, %dma_start3A_670, %dma_start3A_671] : memref<6x40x128xf32, #tpu.memory_space<vmem>> -> memref<1x40x128xf32, #tpu.memory_space<vmem>>
          %dma_start3A_673 = tpu.memref_squeeze %dma_start3A_672 : memref<1x40x128xf32, #tpu.memory_space<vmem>> -> memref<40x128xf32, #tpu.memory_space<vmem>>
          %dma_start3A_674 = arith.constant 0 : i32
          %dma_start3A_675 = tpu.memref_slice %arg9[%mul3A_668, %dma_start3A_674] : memref<10000x128xf32, #tpu.memory_space<vmem_shared>> -> memref<40x128xf32, #tpu.memory_space<vmem_shared>>
          %dma_start3A_676 = arith.constant 0 : i32
          %dma_start3A_677 = tpu.memref_slice %arg9[%mul3A_668, %dma_start3A_676] : memref<10000x128xf32, #tpu.memory_space<vmem_shared>> -> memref<40x128xf32, #tpu.memory_space<vmem_shared>>
          %dma_start3A_678 = arith.constant 0 : i32
          %dma_start3A_679 = arith.constant 0 : i32
          %dma_start3A_680 = tpu.memref_slice %arg8[%run_scoped3A, %dma_start3A_678, %dma_start3A_679] : memref<6x40x128xf32, #tpu.memory_space<vmem>> -> memref<1x40x128xf32, #tpu.memory_space<vmem>>
          %dma_start3A_681 = tpu.memref_squeeze %dma_start3A_680 : memref<1x40x128xf32, #tpu.memory_space<vmem>> -> memref<40x128xf32, #tpu.memory_space<vmem>>
          tpu.enqueue_dma source(%dma_start3A_681 : memref<40x128xf32, #tpu.memory_space<vmem>>) target(%dma_start3A_677 : memref<40x128xf32, #tpu.memory_space<vmem_shared>>) target_semaphore(%run_scoped3A_669 : memref<!tpu.dma_semaphore, #tpu.memory_space<semaphore_mem>>)
          %dma_wait3A_682 = arith.constant 0 : i32
          %dma_wait3A_683 = arith.constant 0 : i32
          %dma_wait3A_684 = tpu.memref_slice %arg8[%run_scoped3A, %dma_wait3A_682, %dma_wait3A_683] : memref<6x40x128xf32, #tpu.memory_space<vmem>> -> memref<1x40x128xf32, #tpu.memory_space<vmem>>
          %dma_wait3A_685 = tpu.memref_squeeze %dma_wait3A_684 : memref<1x40x128xf32, #tpu.memory_space<vmem>> -> memref<40x128xf32, #tpu.memory_space<vmem>>
          %dma_wait3A_686 = arith.constant 0 : i32
          %dma_wait3A_687 = tpu.memref_slice %arg9[%mul3A_668, %dma_wait3A_686] : memref<10000x128xf32, #tpu.memory_space<vmem_shared>> -> memref<40x128xf32, #tpu.memory_space<vmem_shared>>
          %dma_wait3A_688 = arith.constant 0 : i32
          %dma_wait3A_689 = tpu.memref_slice %arg9[%mul3A_668, %dma_wait3A_688] : memref<10000x128xf32, #tpu.memory_space<vmem_shared>> -> memref<40x128xf32, #tpu.memory_space<vmem_shared>>
          %dma_wait3A_690 = arith.constant 0 : i32
          %dma_wait3A_691 = arith.constant 0 : i32
          %dma_wait3A_692 = tpu.memref_slice %arg8[%run_scoped3A, %dma_wait3A_690, %dma_wait3A_691] : memref<6x40x128xf32, #tpu.memory_space<vmem>> -> memref<1x40x128xf32, #tpu.memory_space<vmem>>
          %dma_wait3A_693 = tpu.memref_squeeze %dma_wait3A_692 : memref<1x40x128xf32, #tpu.memory_space<vmem>> -> memref<40x128xf32, #tpu.memory_space<vmem>>
          tpu.wait_dma2 semaphore(%run_scoped3A_669 : memref<!tpu.dma_semaphore, #tpu.memory_space<semaphore_mem>>) src(%dma_wait3A_693 : memref<40x128xf32, #tpu.memory_space<vmem>>) dst(%dma_wait3A_689 : memref<40x128xf32, #tpu.memory_space<vmem_shared>>)
          tpu.yield
        }) : () -> ()
      } else {
      }
      %add3A_626 = arith.constant 192 : i32
      %add3A_627 = arith.addi %arg1, %add3A_626 : i32
      %lt3A_628 = arith.constant 250 : i32
      %lt3A_629 = arith.cmpi slt, %add3A_627, %lt3A_628 : i32
      %convert_element_type3A_630 = arith.extui %lt3A_629 : i1 to i32
      %cond3A_631 = arith.constant 0 : i32
      %cond3A_632 = arith.cmpi ne, %convert_element_type3A_630, %cond3A_631 : i32
      scf.if %cond3A_632 {
        %mul3A_667 = arith.constant 40 : i32
        %mul3A_668 = arith.muli %add3A_627, %mul3A_667 : i32
        %run_scoped3A = arith.constant 0 : i32
        "tpu.region"() ({
          %run_scoped3A_669 = tpu.sem_alloc : memref<!tpu.dma_semaphore, #tpu.memory_space<semaphore_mem>>
          %dma_start3A_670 = arith.constant 0 : i32
          %dma_start3A_671 = arith.constant 0 : i32
          %dma_start3A_672 = tpu.memref_slice %arg8[%run_scoped3A, %dma_start3A_670, %dma_start3A_671] : memref<6x40x128xf32, #tpu.memory_space<vmem>> -> memref<1x40x128xf32, #tpu.memory_space<vmem>>
          %dma_start3A_673 = tpu.memref_squeeze %dma_start3A_672 : memref<1x40x128xf32, #tpu.memory_space<vmem>> -> memref<40x128xf32, #tpu.memory_space<vmem>>
          %dma_start3A_674 = arith.constant 0 : i32
          %dma_start3A_675 = tpu.memref_slice %arg9[%mul3A_668, %dma_start3A_674] : memref<10000x128xf32, #tpu.memory_space<vmem_shared>> -> memref<40x128xf32, #tpu.memory_space<vmem_shared>>
          %dma_start3A_676 = arith.constant 0 : i32
          %dma_start3A_677 = tpu.memref_slice %arg9[%mul3A_668, %dma_start3A_676] : memref<10000x128xf32, #tpu.memory_space<vmem_shared>> -> memref<40x128xf32, #tpu.memory_space<vmem_shared>>
          %dma_start3A_678 = arith.constant 0 : i32
          %dma_start3A_679 = arith.constant 0 : i32
          %dma_start3A_680 = tpu.memref_slice %arg8[%run_scoped3A, %dma_start3A_678, %dma_start3A_679] : memref<6x40x128xf32, #tpu.memory_space<vmem>> -> memref<1x40x128xf32, #tpu.memory_space<vmem>>
          %dma_start3A_681 = tpu.memref_squeeze %dma_start3A_680 : memref<1x40x128xf32, #tpu.memory_space<vmem>> -> memref<40x128xf32, #tpu.memory_space<vmem>>
          tpu.enqueue_dma source(%dma_start3A_681 : memref<40x128xf32, #tpu.memory_space<vmem>>) target(%dma_start3A_677 : memref<40x128xf32, #tpu.memory_space<vmem_shared>>) target_semaphore(%run_scoped3A_669 : memref<!tpu.dma_semaphore, #tpu.memory_space<semaphore_mem>>)
          %dma_wait3A_682 = arith.constant 0 : i32
          %dma_wait3A_683 = arith.constant 0 : i32
          %dma_wait3A_684 = tpu.memref_slice %arg8[%run_scoped3A, %dma_wait3A_682, %dma_wait3A_683] : memref<6x40x128xf32, #tpu.memory_space<vmem>> -> memref<1x40x128xf32, #tpu.memory_space<vmem>>
          %dma_wait3A_685 = tpu.memref_squeeze %dma_wait3A_684 : memref<1x40x128xf32, #tpu.memory_space<vmem>> -> memref<40x128xf32, #tpu.memory_space<vmem>>
          %dma_wait3A_686 = arith.constant 0 : i32
          %dma_wait3A_687 = tpu.memref_slice %arg9[%mul3A_668, %dma_wait3A_686] : memref<10000x128xf32, #tpu.memory_space<vmem_shared>> -> memref<40x128xf32, #tpu.memory_space<vmem_shared>>
          %dma_wait3A_688 = arith.constant 0 : i32
          %dma_wait3A_689 = tpu.memref_slice %arg9[%mul3A_668, %dma_wait3A_688] : memref<10000x128xf32, #tpu.memory_space<vmem_shared>> -> memref<40x128xf32, #tpu.memory_space<vmem_shared>>
          %dma_wait3A_690 = arith.constant 0 : i32
          %dma_wait3A_691 = arith.constant 0 : i32
          %dma_wait3A_692 = tpu.memref_slice %arg8[%run_scoped3A, %dma_wait3A_690, %dma_wait3A_691] : memref<6x40x128xf32, #tpu.memory_space<vmem>> -> memref<1x40x128xf32, #tpu.memory_space<vmem>>
          %dma_wait3A_693 = tpu.memref_squeeze %dma_wait3A_692 : memref<1x40x128xf32, #tpu.memory_space<vmem>> -> memref<40x128xf32, #tpu.memory_space<vmem>>
          tpu.wait_dma2 semaphore(%run_scoped3A_669 : memref<!tpu.dma_semaphore, #tpu.memory_space<semaphore_mem>>) src(%dma_wait3A_693 : memref<40x128xf32, #tpu.memory_space<vmem>>) dst(%dma_wait3A_689 : memref<40x128xf32, #tpu.memory_space<vmem_shared>>)
          tpu.yield
        }) : () -> ()
      } else {
      }
      %add3A_633 = arith.constant 208 : i32
      %add3A_634 = arith.addi %arg1, %add3A_633 : i32
      %lt3A_635 = arith.constant 250 : i32
      %lt3A_636 = arith.cmpi slt, %add3A_634, %lt3A_635 : i32
      %convert_element_type3A_637 = arith.extui %lt3A_636 : i1 to i32
      %cond3A_638 = arith.constant 0 : i32
      %cond3A_639 = arith.cmpi ne, %convert_element_type3A_637, %cond3A_638 : i32
      scf.if %cond3A_639 {
        %mul3A_667 = arith.constant 40 : i32
        %mul3A_668 = arith.muli %add3A_634, %mul3A_667 : i32
        %run_scoped3A = arith.constant 0 : i32
        "tpu.region"() ({
          %run_scoped3A_669 = tpu.sem_alloc : memref<!tpu.dma_semaphore, #tpu.memory_space<semaphore_mem>>
          %dma_start3A_670 = arith.constant 0 : i32
          %dma_start3A_671 = arith.constant 0 : i32
          %dma_start3A_672 = tpu.memref_slice %arg8[%run_scoped3A, %dma_start3A_670, %dma_start3A_671] : memref<6x40x128xf32, #tpu.memory_space<vmem>> -> memref<1x40x128xf32, #tpu.memory_space<vmem>>
          %dma_start3A_673 = tpu.memref_squeeze %dma_start3A_672 : memref<1x40x128xf32, #tpu.memory_space<vmem>> -> memref<40x128xf32, #tpu.memory_space<vmem>>
          %dma_start3A_674 = arith.constant 0 : i32
          %dma_start3A_675 = tpu.memref_slice %arg9[%mul3A_668, %dma_start3A_674] : memref<10000x128xf32, #tpu.memory_space<vmem_shared>> -> memref<40x128xf32, #tpu.memory_space<vmem_shared>>
          %dma_start3A_676 = arith.constant 0 : i32
          %dma_start3A_677 = tpu.memref_slice %arg9[%mul3A_668, %dma_start3A_676] : memref<10000x128xf32, #tpu.memory_space<vmem_shared>> -> memref<40x128xf32, #tpu.memory_space<vmem_shared>>
          %dma_start3A_678 = arith.constant 0 : i32
          %dma_start3A_679 = arith.constant 0 : i32
          %dma_start3A_680 = tpu.memref_slice %arg8[%run_scoped3A, %dma_start3A_678, %dma_start3A_679] : memref<6x40x128xf32, #tpu.memory_space<vmem>> -> memref<1x40x128xf32, #tpu.memory_space<vmem>>
          %dma_start3A_681 = tpu.memref_squeeze %dma_start3A_680 : memref<1x40x128xf32, #tpu.memory_space<vmem>> -> memref<40x128xf32, #tpu.memory_space<vmem>>
          tpu.enqueue_dma source(%dma_start3A_681 : memref<40x128xf32, #tpu.memory_space<vmem>>) target(%dma_start3A_677 : memref<40x128xf32, #tpu.memory_space<vmem_shared>>) target_semaphore(%run_scoped3A_669 : memref<!tpu.dma_semaphore, #tpu.memory_space<semaphore_mem>>)
          %dma_wait3A_682 = arith.constant 0 : i32
          %dma_wait3A_683 = arith.constant 0 : i32
          %dma_wait3A_684 = tpu.memref_slice %arg8[%run_scoped3A, %dma_wait3A_682, %dma_wait3A_683] : memref<6x40x128xf32, #tpu.memory_space<vmem>> -> memref<1x40x128xf32, #tpu.memory_space<vmem>>
          %dma_wait3A_685 = tpu.memref_squeeze %dma_wait3A_684 : memref<1x40x128xf32, #tpu.memory_space<vmem>> -> memref<40x128xf32, #tpu.memory_space<vmem>>
          %dma_wait3A_686 = arith.constant 0 : i32
          %dma_wait3A_687 = tpu.memref_slice %arg9[%mul3A_668, %dma_wait3A_686] : memref<10000x128xf32, #tpu.memory_space<vmem_shared>> -> memref<40x128xf32, #tpu.memory_space<vmem_shared>>
          %dma_wait3A_688 = arith.constant 0 : i32
          %dma_wait3A_689 = tpu.memref_slice %arg9[%mul3A_668, %dma_wait3A_688] : memref<10000x128xf32, #tpu.memory_space<vmem_shared>> -> memref<40x128xf32, #tpu.memory_space<vmem_shared>>
          %dma_wait3A_690 = arith.constant 0 : i32
          %dma_wait3A_691 = arith.constant 0 : i32
          %dma_wait3A_692 = tpu.memref_slice %arg8[%run_scoped3A, %dma_wait3A_690, %dma_wait3A_691] : memref<6x40x128xf32, #tpu.memory_space<vmem>> -> memref<1x40x128xf32, #tpu.memory_space<vmem>>
          %dma_wait3A_693 = tpu.memref_squeeze %dma_wait3A_692 : memref<1x40x128xf32, #tpu.memory_space<vmem>> -> memref<40x128xf32, #tpu.memory_space<vmem>>
          tpu.wait_dma2 semaphore(%run_scoped3A_669 : memref<!tpu.dma_semaphore, #tpu.memory_space<semaphore_mem>>) src(%dma_wait3A_693 : memref<40x128xf32, #tpu.memory_space<vmem>>) dst(%dma_wait3A_689 : memref<40x128xf32, #tpu.memory_space<vmem_shared>>)
          tpu.yield
        }) : () -> ()
      } else {
      }
      %add3A_640 = arith.constant 224 : i32
      %add3A_641 = arith.addi %arg1, %add3A_640 : i32
      %lt3A_642 = arith.constant 250 : i32
      %lt3A_643 = arith.cmpi slt, %add3A_641, %lt3A_642 : i32
      %convert_element_type3A_644 = arith.extui %lt3A_643 : i1 to i32
      %cond3A_645 = arith.constant 0 : i32
      %cond3A_646 = arith.cmpi ne, %convert_element_type3A_644, %cond3A_645 : i32
      scf.if %cond3A_646 {
        %mul3A_667 = arith.constant 40 : i32
        %mul3A_668 = arith.muli %add3A_641, %mul3A_667 : i32
        %run_scoped3A = arith.constant 0 : i32
        "tpu.region"() ({
          %run_scoped3A_669 = tpu.sem_alloc : memref<!tpu.dma_semaphore, #tpu.memory_space<semaphore_mem>>
          %dma_start3A_670 = arith.constant 0 : i32
          %dma_start3A_671 = arith.constant 0 : i32
          %dma_start3A_672 = tpu.memref_slice %arg8[%run_scoped3A, %dma_start3A_670, %dma_start3A_671] : memref<6x40x128xf32, #tpu.memory_space<vmem>> -> memref<1x40x128xf32, #tpu.memory_space<vmem>>
          %dma_start3A_673 = tpu.memref_squeeze %dma_start3A_672 : memref<1x40x128xf32, #tpu.memory_space<vmem>> -> memref<40x128xf32, #tpu.memory_space<vmem>>
          %dma_start3A_674 = arith.constant 0 : i32
          %dma_start3A_675 = tpu.memref_slice %arg9[%mul3A_668, %dma_start3A_674] : memref<10000x128xf32, #tpu.memory_space<vmem_shared>> -> memref<40x128xf32, #tpu.memory_space<vmem_shared>>
          %dma_start3A_676 = arith.constant 0 : i32
          %dma_start3A_677 = tpu.memref_slice %arg9[%mul3A_668, %dma_start3A_676] : memref<10000x128xf32, #tpu.memory_space<vmem_shared>> -> memref<40x128xf32, #tpu.memory_space<vmem_shared>>
          %dma_start3A_678 = arith.constant 0 : i32
          %dma_start3A_679 = arith.constant 0 : i32
          %dma_start3A_680 = tpu.memref_slice %arg8[%run_scoped3A, %dma_start3A_678, %dma_start3A_679] : memref<6x40x128xf32, #tpu.memory_space<vmem>> -> memref<1x40x128xf32, #tpu.memory_space<vmem>>
          %dma_start3A_681 = tpu.memref_squeeze %dma_start3A_680 : memref<1x40x128xf32, #tpu.memory_space<vmem>> -> memref<40x128xf32, #tpu.memory_space<vmem>>
          tpu.enqueue_dma source(%dma_start3A_681 : memref<40x128xf32, #tpu.memory_space<vmem>>) target(%dma_start3A_677 : memref<40x128xf32, #tpu.memory_space<vmem_shared>>) target_semaphore(%run_scoped3A_669 : memref<!tpu.dma_semaphore, #tpu.memory_space<semaphore_mem>>)
          %dma_wait3A_682 = arith.constant 0 : i32
          %dma_wait3A_683 = arith.constant 0 : i32
          %dma_wait3A_684 = tpu.memref_slice %arg8[%run_scoped3A, %dma_wait3A_682, %dma_wait3A_683] : memref<6x40x128xf32, #tpu.memory_space<vmem>> -> memref<1x40x128xf32, #tpu.memory_space<vmem>>
          %dma_wait3A_685 = tpu.memref_squeeze %dma_wait3A_684 : memref<1x40x128xf32, #tpu.memory_space<vmem>> -> memref<40x128xf32, #tpu.memory_space<vmem>>
          %dma_wait3A_686 = arith.constant 0 : i32
          %dma_wait3A_687 = tpu.memref_slice %arg9[%mul3A_668, %dma_wait3A_686] : memref<10000x128xf32, #tpu.memory_space<vmem_shared>> -> memref<40x128xf32, #tpu.memory_space<vmem_shared>>
          %dma_wait3A_688 = arith.constant 0 : i32
          %dma_wait3A_689 = tpu.memref_slice %arg9[%mul3A_668, %dma_wait3A_688] : memref<10000x128xf32, #tpu.memory_space<vmem_shared>> -> memref<40x128xf32, #tpu.memory_space<vmem_shared>>
          %dma_wait3A_690 = arith.constant 0 : i32
          %dma_wait3A_691 = arith.constant 0 : i32
          %dma_wait3A_692 = tpu.memref_slice %arg8[%run_scoped3A, %dma_wait3A_690, %dma_wait3A_691] : memref<6x40x128xf32, #tpu.memory_space<vmem>> -> memref<1x40x128xf32, #tpu.memory_space<vmem>>
          %dma_wait3A_693 = tpu.memref_squeeze %dma_wait3A_692 : memref<1x40x128xf32, #tpu.memory_space<vmem>> -> memref<40x128xf32, #tpu.memory_space<vmem>>
          tpu.wait_dma2 semaphore(%run_scoped3A_669 : memref<!tpu.dma_semaphore, #tpu.memory_space<semaphore_mem>>) src(%dma_wait3A_693 : memref<40x128xf32, #tpu.memory_space<vmem>>) dst(%dma_wait3A_689 : memref<40x128xf32, #tpu.memory_space<vmem_shared>>)
          tpu.yield
        }) : () -> ()
      } else {
      }
      %add3A_647 = arith.constant 240 : i32
      %add3A_648 = arith.addi %arg1, %add3A_647 : i32
      %lt3A_649 = arith.constant 250 : i32
      %lt3A_650 = arith.cmpi slt, %add3A_648, %lt3A_649 : i32
      %convert_element_type3A_651 = arith.extui %lt3A_650 : i1 to i32
      %cond3A_652 = arith.constant 0 : i32
      %cond3A_653 = arith.cmpi ne, %convert_element_type3A_651, %cond3A_652 : i32
      scf.if %cond3A_653 {
        %mul3A_667 = arith.constant 40 : i32
        %mul3A_668 = arith.muli %add3A_648, %mul3A_667 : i32
        %run_scoped3A = arith.constant 0 : i32
        "tpu.region"() ({
          %run_scoped3A_669 = tpu.sem_alloc : memref<!tpu.dma_semaphore, #tpu.memory_space<semaphore_mem>>
          %dma_start3A_670 = arith.constant 0 : i32
          %dma_start3A_671 = arith.constant 0 : i32
          %dma_start3A_672 = tpu.memref_slice %arg8[%run_scoped3A, %dma_start3A_670, %dma_start3A_671] : memref<6x40x128xf32, #tpu.memory_space<vmem>> -> memref<1x40x128xf32, #tpu.memory_space<vmem>>
          %dma_start3A_673 = tpu.memref_squeeze %dma_start3A_672 : memref<1x40x128xf32, #tpu.memory_space<vmem>> -> memref<40x128xf32, #tpu.memory_space<vmem>>
          %dma_start3A_674 = arith.constant 0 : i32
          %dma_start3A_675 = tpu.memref_slice %arg9[%mul3A_668, %dma_start3A_674] : memref<10000x128xf32, #tpu.memory_space<vmem_shared>> -> memref<40x128xf32, #tpu.memory_space<vmem_shared>>
          %dma_start3A_676 = arith.constant 0 : i32
          %dma_start3A_677 = tpu.memref_slice %arg9[%mul3A_668, %dma_start3A_676] : memref<10000x128xf32, #tpu.memory_space<vmem_shared>> -> memref<40x128xf32, #tpu.memory_space<vmem_shared>>
          %dma_start3A_678 = arith.constant 0 : i32
          %dma_start3A_679 = arith.constant 0 : i32
          %dma_start3A_680 = tpu.memref_slice %arg8[%run_scoped3A, %dma_start3A_678, %dma_start3A_679] : memref<6x40x128xf32, #tpu.memory_space<vmem>> -> memref<1x40x128xf32, #tpu.memory_space<vmem>>
          %dma_start3A_681 = tpu.memref_squeeze %dma_start3A_680 : memref<1x40x128xf32, #tpu.memory_space<vmem>> -> memref<40x128xf32, #tpu.memory_space<vmem>>
          tpu.enqueue_dma source(%dma_start3A_681 : memref<40x128xf32, #tpu.memory_space<vmem>>) target(%dma_start3A_677 : memref<40x128xf32, #tpu.memory_space<vmem_shared>>) target_semaphore(%run_scoped3A_669 : memref<!tpu.dma_semaphore, #tpu.memory_space<semaphore_mem>>)
          %dma_wait3A_682 = arith.constant 0 : i32
          %dma_wait3A_683 = arith.constant 0 : i32
          %dma_wait3A_684 = tpu.memref_slice %arg8[%run_scoped3A, %dma_wait3A_682, %dma_wait3A_683] : memref<6x40x128xf32, #tpu.memory_space<vmem>> -> memref<1x40x128xf32, #tpu.memory_space<vmem>>
          %dma_wait3A_685 = tpu.memref_squeeze %dma_wait3A_684 : memref<1x40x128xf32, #tpu.memory_space<vmem>> -> memref<40x128xf32, #tpu.memory_space<vmem>>
          %dma_wait3A_686 = arith.constant 0 : i32
          %dma_wait3A_687 = tpu.memref_slice %arg9[%mul3A_668, %dma_wait3A_686] : memref<10000x128xf32, #tpu.memory_space<vmem_shared>> -> memref<40x128xf32, #tpu.memory_space<vmem_shared>>
          %dma_wait3A_688 = arith.constant 0 : i32
          %dma_wait3A_689 = tpu.memref_slice %arg9[%mul3A_668, %dma_wait3A_688] : memref<10000x128xf32, #tpu.memory_space<vmem_shared>> -> memref<40x128xf32, #tpu.memory_space<vmem_shared>>
          %dma_wait3A_690 = arith.constant 0 : i32
          %dma_wait3A_691 = arith.constant 0 : i32
          %dma_wait3A_692 = tpu.memref_slice %arg8[%run_scoped3A, %dma_wait3A_690, %dma_wait3A_691] : memref<6x40x128xf32, #tpu.memory_space<vmem>> -> memref<1x40x128xf32, #tpu.memory_space<vmem>>
          %dma_wait3A_693 = tpu.memref_squeeze %dma_wait3A_692 : memref<1x40x128xf32, #tpu.memory_space<vmem>> -> memref<40x128xf32, #tpu.memory_space<vmem>>
          tpu.wait_dma2 semaphore(%run_scoped3A_669 : memref<!tpu.dma_semaphore, #tpu.memory_space<semaphore_mem>>) src(%dma_wait3A_693 : memref<40x128xf32, #tpu.memory_space<vmem>>) dst(%dma_wait3A_689 : memref<40x128xf32, #tpu.memory_space<vmem_shared>>)
          tpu.yield
        }) : () -> ()
      } else {
      }
      %dma_start3A_654 = arith.constant 0 : i32
      %dma_start3A_655 = arith.constant 0 : i32
      %dma_start3A_656 = arith.constant 0 : i32
      %dma_start3A_657 = arith.constant 0 : i32
      %dma_start3A_658 = tpu.memref_slice %arg8[%dma_start3A_654, %dma_start3A_656, %dma_start3A_657] : memref<6x40x128xf32, #tpu.memory_space<vmem>> -> memref<1x40x128xf32, #tpu.memory_space<vmem>>
      %dma_start3A_659 = tpu.memref_squeeze %dma_start3A_658 : memref<1x40x128xf32, #tpu.memory_space<vmem>> -> memref<40x128xf32, #tpu.memory_space<vmem>>
      %dma_start3A_660 = arith.constant 0 : i32
      %dma_start3A_661 = tpu.memref_slice %arg6[%dma_start3A_660] : memref<10000xi32, #tpu.memory_space<vmem>> -> memref<40xi32, #tpu.memory_space<vmem>>
      %dma_start3A_662 = arith.constant 0 : i32
      %dma_start3A_663 = arith.constant 0 : i32
      %dma_start3A_664 = tpu.memref_slice %arg2[%dma_start3A_662, %dma_start3A_663] : memref<10000x128xf32, #tpu.memory_space<hbm>> -> memref<10000x128xf32, #tpu.memory_space<hbm>>
      %dma_start3A_665 = tpu.memref_slice %arg10[%dma_start3A_655] : memref<6x!tpu.dma_semaphore, #tpu.memory_space<semaphore_mem>> -> memref<1x!tpu.dma_semaphore, #tpu.memory_space<semaphore_mem>>
      %dma_start3A_666 = tpu.memref_squeeze %dma_start3A_665 : memref<1x!tpu.dma_semaphore, #tpu.memory_space<semaphore_mem>> -> memref<!tpu.dma_semaphore, #tpu.memory_space<semaphore_mem>>
      tpu.enqueue_indirect_dma source(%dma_start3A_664 : memref<10000x128xf32, #tpu.memory_space<hbm>>) target(%dma_start3A_659 : memref<40x128xf32, #tpu.memory_space<vmem>>) offsets(%dma_start3A_661 : memref<40xi32, #tpu.memory_space<vmem>>) semaphore(%dma_start3A_666 : memref<!tpu.dma_semaphore, #tpu.memory_space<semaphore_mem>>)
    } else {
    }
    %barrier3A = arith.constant 0 : index
    tpu.barrier barrier_id(%barrier3A)
    %scan3A = arith.constant 0 : i32
    %scan3A_13 = arith.constant 0 : i32
    %scan3A_14 = arith.constant 40 : i32
    %scan3A_15 = arith.addi %scan3A_13, %scan3A_14 : i32
    %scan3A_16 = arith.constant 1 : i32
    %scan3A_17 = scf.for %scan3A_470 = %scan3A_13 to %scan3A_15 step %scan3A_16 iter_args(%scan3A_471 = %scan3A) -> (i32)  : i32 {
      %mul3A_472 = arith.constant 6 : i32
      %mul3A_473 = arith.muli %scan3A_470, %mul3A_472 : i32
      %add3A_474 = arith.constant 0 : i32
      %add3A_475 = arith.addi %mul3A_473, %add3A_474 : i32
      %mul3A_476 = arith.constant 40 : i32
      %mul3A_477 = arith.muli %add3A_475, %mul3A_476 : i32
      %dma_wait3A_478 = arith.constant 0 : i32
      %dma_wait3A_479 = arith.constant 0 : i32
      %dma_wait3A_480 = arith.constant 0 : i32
      %dma_wait3A_481 = arith.constant 0 : i32
      %dma_wait3A_482 = tpu.memref_slice %arg8[%dma_wait3A_478, %dma_wait3A_480, %dma_wait3A_481] : memref<6x40x128xf32, #tpu.memory_space<vmem>> -> memref<1x40x128xf32, #tpu.memory_space<vmem>>
      %dma_wait3A_483 = tpu.memref_squeeze %dma_wait3A_482 : memref<1x40x128xf32, #tpu.memory_space<vmem>> -> memref<40x128xf32, #tpu.memory_space<vmem>>
      %dma_wait3A_484 = tpu.memref_slice %arg6[%mul3A_477] : memref<10000xi32, #tpu.memory_space<vmem>> -> memref<40xi32, #tpu.memory_space<vmem>>
      %dma_wait3A_485 = arith.constant 0 : i32
      %dma_wait3A_486 = arith.constant 0 : i32
      %dma_wait3A_487 = tpu.memref_slice %arg2[%dma_wait3A_485, %dma_wait3A_486] : memref<10000x128xf32, #tpu.memory_space<hbm>> -> memref<10000x128xf32, #tpu.memory_space<hbm>>
      %dma_wait3A_488 = tpu.memref_slice %arg10[%dma_wait3A_479] : memref<6x!tpu.dma_semaphore, #tpu.memory_space<semaphore_mem>> -> memref<1x!tpu.dma_semaphore, #tpu.memory_space<semaphore_mem>>
      %dma_wait3A_489 = tpu.memref_squeeze %dma_wait3A_488 : memref<1x!tpu.dma_semaphore, #tpu.memory_space<semaphore_mem>> -> memref<!tpu.dma_semaphore, #tpu.memory_space<semaphore_mem>>
      tpu.wait_indirect_dma semaphore(%dma_wait3A_489 : memref<!tpu.dma_semaphore, #tpu.memory_space<semaphore_mem>>) src(%dma_wait3A_487 : memref<10000x128xf32, #tpu.memory_space<hbm>>) dst(%dma_wait3A_483 : memref<40x128xf32, #tpu.memory_space<vmem>>)
      %mul3A_490 = arith.constant 40 : i32
      %mul3A_491 = arith.muli %add3A_475, %mul3A_490 : i32
      %dma_start3A_492 = arith.constant 0 : i32
      %dma_start3A_493 = arith.constant 0 : i32
      %dma_start3A_494 = arith.constant 0 : i32
      %dma_start3A_495 = arith.constant 0 : i32
      %dma_start3A_496 = tpu.memref_slice %arg8[%dma_start3A_492, %dma_start3A_494, %dma_start3A_495] : memref<6x40x128xf32, #tpu.memory_space<vmem>> -> memref<1x40x128xf32, #tpu.memory_space<vmem>>
      %dma_start3A_497 = tpu.memref_squeeze %dma_start3A_496 : memref<1x40x128xf32, #tpu.memory_space<vmem>> -> memref<40x128xf32, #tpu.memory_space<vmem>>
      %dma_start3A_498 = tpu.memref_slice %arg7[%mul3A_491] : memref<10000xi32, #tpu.memory_space<vmem>> -> memref<40xi32, #tpu.memory_space<vmem>>
      %dma_start3A_499 = arith.constant 0 : i32
      %dma_start3A_500 = arith.constant 0 : i32
      %dma_start3A_501 = tpu.memref_slice %arg9[%dma_start3A_499, %dma_start3A_500] : memref<10000x128xf32, #tpu.memory_space<vmem_shared>> -> memref<10000x128xf32, #tpu.memory_space<vmem_shared>>
      %dma_start3A_502 = tpu.memref_slice %arg11[%dma_start3A_493] : memref<6x!tpu.dma_semaphore, #tpu.memory_space<semaphore_mem>> -> memref<1x!tpu.dma_semaphore, #tpu.memory_space<semaphore_mem>>
      %dma_start3A_503 = tpu.memref_squeeze %dma_start3A_502 : memref<1x!tpu.dma_semaphore, #tpu.memory_space<semaphore_mem>> -> memref<!tpu.dma_semaphore, #tpu.memory_space<semaphore_mem>>
      tpu.enqueue_indirect_dma source(%dma_start3A_497 : memref<40x128xf32, #tpu.memory_space<vmem>>) target(%dma_start3A_501 : memref<10000x128xf32, #tpu.memory_space<vmem_shared>>) offsets(%dma_start3A_498 : memref<40xi32, #tpu.memory_space<vmem>>) semaphore(%dma_start3A_503 : memref<!tpu.dma_semaphore, #tpu.memory_space<semaphore_mem>>) {add = true}
      %mul3A_504 = arith.constant 6 : i32
      %mul3A_505 = arith.muli %scan3A_470, %mul3A_504 : i32
      %add3A_506 = arith.constant 1 : i32
      %add3A_507 = arith.addi %mul3A_505, %add3A_506 : i32
      %mul3A_508 = arith.constant 40 : i32
      %mul3A_509 = arith.muli %add3A_507, %mul3A_508 : i32
      %dma_wait3A_510 = arith.constant 1 : i32
      %dma_wait3A_511 = arith.constant 1 : i32
      %dma_wait3A_512 = arith.constant 0 : i32
      %dma_wait3A_513 = arith.constant 0 : i32
      %dma_wait3A_514 = tpu.memref_slice %arg8[%dma_wait3A_510, %dma_wait3A_512, %dma_wait3A_513] : memref<6x40x128xf32, #tpu.memory_space<vmem>> -> memref<1x40x128xf32, #tpu.memory_space<vmem>>
      %dma_wait3A_515 = tpu.memref_squeeze %dma_wait3A_514 : memref<1x40x128xf32, #tpu.memory_space<vmem>> -> memref<40x128xf32, #tpu.memory_space<vmem>>
      %dma_wait3A_516 = tpu.memref_slice %arg6[%mul3A_509] : memref<10000xi32, #tpu.memory_space<vmem>> -> memref<40xi32, #tpu.memory_space<vmem>>
      %dma_wait3A_517 = arith.constant 0 : i32
      %dma_wait3A_518 = arith.constant 0 : i32
      %dma_wait3A_519 = tpu.memref_slice %arg2[%dma_wait3A_517, %dma_wait3A_518] : memref<10000x128xf32, #tpu.memory_space<hbm>> -> memref<10000x128xf32, #tpu.memory_space<hbm>>
      %dma_wait3A_520 = tpu.memref_slice %arg10[%dma_wait3A_511] : memref<6x!tpu.dma_semaphore, #tpu.memory_space<semaphore_mem>> -> memref<1x!tpu.dma_semaphore, #tpu.memory_space<semaphore_mem>>
      %dma_wait3A_521 = tpu.memref_squeeze %dma_wait3A_520 : memref<1x!tpu.dma_semaphore, #tpu.memory_space<semaphore_mem>> -> memref<!tpu.dma_semaphore, #tpu.memory_space<semaphore_mem>>
      tpu.wait_indirect_dma semaphore(%dma_wait3A_521 : memref<!tpu.dma_semaphore, #tpu.memory_space<semaphore_mem>>) src(%dma_wait3A_519 : memref<10000x128xf32, #tpu.memory_space<hbm>>) dst(%dma_wait3A_515 : memref<40x128xf32, #tpu.memory_space<vmem>>)
      %mul3A_522 = arith.constant 40 : i32
      %mul3A_523 = arith.muli %add3A_507, %mul3A_522 : i32
      %dma_start3A_524 = arith.constant 1 : i32
      %dma_start3A_525 = arith.constant 1 : i32
      %dma_start3A_526 = arith.constant 0 : i32
      %dma_start3A_527 = arith.constant 0 : i32
      %dma_start3A_528 = tpu.memref_slice %arg8[%dma_start3A_524, %dma_start3A_526, %dma_start3A_527] : memref<6x40x128xf32, #tpu.memory_space<vmem>> -> memref<1x40x128xf32, #tpu.memory_space<vmem>>
      %dma_start3A_529 = tpu.memref_squeeze %dma_start3A_528 : memref<1x40x128xf32, #tpu.memory_space<vmem>> -> memref<40x128xf32, #tpu.memory_space<vmem>>
      %dma_start3A_530 = tpu.memref_slice %arg7[%mul3A_523] : memref<10000xi32, #tpu.memory_space<vmem>> -> memref<40xi32, #tpu.memory_space<vmem>>
      %dma_start3A_531 = arith.constant 0 : i32
      %dma_start3A_532 = arith.constant 0 : i32
      %dma_start3A_533 = tpu.memref_slice %arg9[%dma_start3A_531, %dma_start3A_532] : memref<10000x128xf32, #tpu.memory_space<vmem_shared>> -> memref<10000x128xf32, #tpu.memory_space<vmem_shared>>
      %dma_start3A_534 = tpu.memref_slice %arg11[%dma_start3A_525] : memref<6x!tpu.dma_semaphore, #tpu.memory_space<semaphore_mem>> -> memref<1x!tpu.dma_semaphore, #tpu.memory_space<semaphore_mem>>
      %dma_start3A_535 = tpu.memref_squeeze %dma_start3A_534 : memref<1x!tpu.dma_semaphore, #tpu.memory_space<semaphore_mem>> -> memref<!tpu.dma_semaphore, #tpu.memory_space<semaphore_mem>>
      tpu.enqueue_indirect_dma source(%dma_start3A_529 : memref<40x128xf32, #tpu.memory_space<vmem>>) target(%dma_start3A_533 : memref<10000x128xf32, #tpu.memory_space<vmem_shared>>) offsets(%dma_start3A_530 : memref<40xi32, #tpu.memory_space<vmem>>) semaphore(%dma_start3A_535 : memref<!tpu.dma_semaphore, #tpu.memory_space<semaphore_mem>>) {add = true}
      %mul3A_536 = arith.constant 6 : i32
      %mul3A_537 = arith.muli %scan3A_470, %mul3A_536 : i32
      %add3A_538 = arith.constant 2 : i32
      %add3A_539 = arith.addi %mul3A_537, %add3A_538 : i32
      %mul3A_540 = arith.constant 40 : i32
      %mul3A_541 = arith.muli %add3A_539, %mul3A_540 : i32
      %dma_wait3A_542 = arith.constant 2 : i32
      %dma_wait3A_543 = arith.constant 2 : i32
      %dma_wait3A_544 = arith.constant 0 : i32
      %dma_wait3A_545 = arith.constant 0 : i32
      %dma_wait3A_546 = tpu.memref_slice %arg8[%dma_wait3A_542, %dma_wait3A_544, %dma_wait3A_545] : memref<6x40x128xf32, #tpu.memory_space<vmem>> -> memref<1x40x128xf32, #tpu.memory_space<vmem>>
      %dma_wait3A_547 = tpu.memref_squeeze %dma_wait3A_546 : memref<1x40x128xf32, #tpu.memory_space<vmem>> -> memref<40x128xf32, #tpu.memory_space<vmem>>
      %dma_wait3A_548 = tpu.memref_slice %arg6[%mul3A_541] : memref<10000xi32, #tpu.memory_space<vmem>> -> memref<40xi32, #tpu.memory_space<vmem>>
      %dma_wait3A_549 = arith.constant 0 : i32
      %dma_wait3A_550 = arith.constant 0 : i32
      %dma_wait3A_551 = tpu.memref_slice %arg2[%dma_wait3A_549, %dma_wait3A_550] : memref<10000x128xf32, #tpu.memory_space<hbm>> -> memref<10000x128xf32, #tpu.memory_space<hbm>>
      %dma_wait3A_552 = tpu.memref_slice %arg10[%dma_wait3A_543] : memref<6x!tpu.dma_semaphore, #tpu.memory_space<semaphore_mem>> -> memref<1x!tpu.dma_semaphore, #tpu.memory_space<semaphore_mem>>
      %dma_wait3A_553 = tpu.memref_squeeze %dma_wait3A_552 : memref<1x!tpu.dma_semaphore, #tpu.memory_space<semaphore_mem>> -> memref<!tpu.dma_semaphore, #tpu.memory_space<semaphore_mem>>
      tpu.wait_indirect_dma semaphore(%dma_wait3A_553 : memref<!tpu.dma_semaphore, #tpu.memory_space<semaphore_mem>>) src(%dma_wait3A_551 : memref<10000x128xf32, #tpu.memory_space<hbm>>) dst(%dma_wait3A_547 : memref<40x128xf32, #tpu.memory_space<vmem>>)
      %mul3A_554 = arith.constant 40 : i32
      %mul3A_555 = arith.muli %add3A_539, %mul3A_554 : i32
      %dma_start3A_556 = arith.constant 2 : i32
      %dma_start3A_557 = arith.constant 2 : i32
      %dma_start3A_558 = arith.constant 0 : i32
      %dma_start3A_559 = arith.constant 0 : i32
      %dma_start3A_560 = tpu.memref_slice %arg8[%dma_start3A_556, %dma_start3A_558, %dma_start3A_559] : memref<6x40x128xf32, #tpu.memory_space<vmem>> -> memref<1x40x128xf32, #tpu.memory_space<vmem>>
      %dma_start3A_561 = tpu.memref_squeeze %dma_start3A_560 : memref<1x40x128xf32, #tpu.memory_space<vmem>> -> memref<40x128xf32, #tpu.memory_space<vmem>>
      %dma_start3A_562 = tpu.memref_slice %arg7[%mul3A_555] : memref<10000xi32, #tpu.memory_space<vmem>> -> memref<40xi32, #tpu.memory_space<vmem>>
      %dma_start3A_563 = arith.constant 0 : i32
      %dma_start3A_564 = arith.constant 0 : i32
      %dma_start3A_565 = tpu.memref_slice %arg9[%dma_start3A_563, %dma_start3A_564] : memref<10000x128xf32, #tpu.memory_space<vmem_shared>> -> memref<10000x128xf32, #tpu.memory_space<vmem_shared>>
      %dma_start3A_566 = tpu.memref_slice %arg11[%dma_start3A_557] : memref<6x!tpu.dma_semaphore, #tpu.memory_space<semaphore_mem>> -> memref<1x!tpu.dma_semaphore, #tpu.memory_space<semaphore_mem>>
      %dma_start3A_567 = tpu.memref_squeeze %dma_start3A_566 : memref<1x!tpu.dma_semaphore, #tpu.memory_space<semaphore_mem>> -> memref<!tpu.dma_semaphore, #tpu.memory_space<semaphore_mem>>
      tpu.enqueue_indirect_dma source(%dma_start3A_561 : memref<40x128xf32, #tpu.memory_space<vmem>>) target(%dma_start3A_565 : memref<10000x128xf32, #tpu.memory_space<vmem_shared>>) offsets(%dma_start3A_562 : memref<40xi32, #tpu.memory_space<vmem>>) semaphore(%dma_start3A_567 : memref<!tpu.dma_semaphore, #tpu.memory_space<semaphore_mem>>) {add = true}
      %mul3A_568 = arith.constant 6 : i32
      %mul3A_569 = arith.muli %scan3A_470, %mul3A_568 : i32
      %add3A_570 = arith.constant 3 : i32
      %add3A_571 = arith.addi %mul3A_569, %add3A_570 : i32
      %mul3A_572 = arith.constant 40 : i32
      %mul3A_573 = arith.muli %add3A_571, %mul3A_572 : i32
      %dma_wait3A_574 = arith.constant 3 : i32
      %dma_wait3A_575 = arith.constant 3 : i32
      %dma_wait3A_576 = arith.constant 0 : i32
      %dma_wait3A_577 = arith.constant 0 : i32
      %dma_wait3A_578 = tpu.memref_slice %arg8[%dma_wait3A_574, %dma_wait3A_576, %dma_wait3A_577] : memref<6x40x128xf32, #tpu.memory_space<vmem>> -> memref<1x40x128xf32, #tpu.memory_space<vmem>>
      %dma_wait3A_579 = tpu.memref_squeeze %dma_wait3A_578 : memref<1x40x128xf32, #tpu.memory_space<vmem>> -> memref<40x128xf32, #tpu.memory_space<vmem>>
      %dma_wait3A_580 = tpu.memref_slice %arg6[%mul3A_573] : memref<10000xi32, #tpu.memory_space<vmem>> -> memref<40xi32, #tpu.memory_space<vmem>>
      %dma_wait3A_581 = arith.constant 0 : i32
      %dma_wait3A_582 = arith.constant 0 : i32
      %dma_wait3A_583 = tpu.memref_slice %arg2[%dma_wait3A_581, %dma_wait3A_582] : memref<10000x128xf32, #tpu.memory_space<hbm>> -> memref<10000x128xf32, #tpu.memory_space<hbm>>
      %dma_wait3A_584 = tpu.memref_slice %arg10[%dma_wait3A_575] : memref<6x!tpu.dma_semaphore, #tpu.memory_space<semaphore_mem>> -> memref<1x!tpu.dma_semaphore, #tpu.memory_space<semaphore_mem>>
      %dma_wait3A_585 = tpu.memref_squeeze %dma_wait3A_584 : memref<1x!tpu.dma_semaphore, #tpu.memory_space<semaphore_mem>> -> memref<!tpu.dma_semaphore, #tpu.memory_space<semaphore_mem>>
      tpu.wait_indirect_dma semaphore(%dma_wait3A_585 : memref<!tpu.dma_semaphore, #tpu.memory_space<semaphore_mem>>) src(%dma_wait3A_583 : memref<10000x128xf32, #tpu.memory_space<hbm>>) dst(%dma_wait3A_579 : memref<40x128xf32, #tpu.memory_space<vmem>>)
      %mul3A_586 = arith.constant 40 : i32
      %mul3A_587 = arith.muli %add3A_571, %mul3A_586 : i32
      %dma_start3A_588 = arith.constant 3 : i32
      %dma_start3A_589 = arith.constant 3 : i32
      %dma_start3A_590 = arith.constant 0 : i32
      %dma_start3A_591 = arith.constant 0 : i32
      %dma_start3A_592 = tpu.memref_slice %arg8[%dma_start3A_588, %dma_start3A_590, %dma_start3A_591] : memref<6x40x128xf32, #tpu.memory_space<vmem>> -> memref<1x40x128xf32, #tpu.memory_space<vmem>>
      %dma_start3A_593 = tpu.memref_squeeze %dma_start3A_592 : memref<1x40x128xf32, #tpu.memory_space<vmem>> -> memref<40x128xf32, #tpu.memory_space<vmem>>
      %dma_start3A_594 = tpu.memref_slice %arg7[%mul3A_587] : memref<10000xi32, #tpu.memory_space<vmem>> -> memref<40xi32, #tpu.memory_space<vmem>>
      %dma_start3A_595 = arith.constant 0 : i32
      %dma_start3A_596 = arith.constant 0 : i32
      %dma_start3A_597 = tpu.memref_slice %arg9[%dma_start3A_595, %dma_start3A_596] : memref<10000x128xf32, #tpu.memory_space<vmem_shared>> -> memref<10000x128xf32, #tpu.memory_space<vmem_shared>>
      %dma_start3A_598 = tpu.memref_slice %arg11[%dma_start3A_589] : memref<6x!tpu.dma_semaphore, #tpu.memory_space<semaphore_mem>> -> memref<1x!tpu.dma_semaphore, #tpu.memory_space<semaphore_mem>>
      %dma_start3A_599 = tpu.memref_squeeze %dma_start3A_598 : memref<1x!tpu.dma_semaphore, #tpu.memory_space<semaphore_mem>> -> memref<!tpu.dma_semaphore, #tpu.memory_space<semaphore_mem>>
      tpu.enqueue_indirect_dma source(%dma_start3A_593 : memref<40x128xf32, #tpu.memory_space<vmem>>) target(%dma_start3A_597 : memref<10000x128xf32, #tpu.memory_space<vmem_shared>>) offsets(%dma_start3A_594 : memref<40xi32, #tpu.memory_space<vmem>>) semaphore(%dma_start3A_599 : memref<!tpu.dma_semaphore, #tpu.memory_space<semaphore_mem>>) {add = true}
      %mul3A_600 = arith.constant 6 : i32
      %mul3A_601 = arith.muli %scan3A_470, %mul3A_600 : i32
      %add3A_602 = arith.constant 4 : i32
      %add3A_603 = arith.addi %mul3A_601, %add3A_602 : i32
      %mul3A_604 = arith.constant 40 : i32
      %mul3A_605 = arith.muli %add3A_603, %mul3A_604 : i32
      %dma_wait3A_606 = arith.constant 4 : i32
      %dma_wait3A_607 = arith.constant 4 : i32
      %dma_wait3A_608 = arith.constant 0 : i32
      %dma_wait3A_609 = arith.constant 0 : i32
      %dma_wait3A_610 = tpu.memref_slice %arg8[%dma_wait3A_606, %dma_wait3A_608, %dma_wait3A_609] : memref<6x40x128xf32, #tpu.memory_space<vmem>> -> memref<1x40x128xf32, #tpu.memory_space<vmem>>
      %dma_wait3A_611 = tpu.memref_squeeze %dma_wait3A_610 : memref<1x40x128xf32, #tpu.memory_space<vmem>> -> memref<40x128xf32, #tpu.memory_space<vmem>>
      %dma_wait3A_612 = tpu.memref_slice %arg6[%mul3A_605] : memref<10000xi32, #tpu.memory_space<vmem>> -> memref<40xi32, #tpu.memory_space<vmem>>
      %dma_wait3A_613 = arith.constant 0 : i32
      %dma_wait3A_614 = arith.constant 0 : i32
      %dma_wait3A_615 = tpu.memref_slice %arg2[%dma_wait3A_613, %dma_wait3A_614] : memref<10000x128xf32, #tpu.memory_space<hbm>> -> memref<10000x128xf32, #tpu.memory_space<hbm>>
      %dma_wait3A_616 = tpu.memref_slice %arg10[%dma_wait3A_607] : memref<6x!tpu.dma_semaphore, #tpu.memory_space<semaphore_mem>> -> memref<1x!tpu.dma_semaphore, #tpu.memory_space<semaphore_mem>>
      %dma_wait3A_617 = tpu.memref_squeeze %dma_wait3A_616 : memref<1x!tpu.dma_semaphore, #tpu.memory_space<semaphore_mem>> -> memref<!tpu.dma_semaphore, #tpu.memory_space<semaphore_mem>>
      tpu.wait_indirect_dma semaphore(%dma_wait3A_617 : memref<!tpu.dma_semaphore, #tpu.memory_space<semaphore_mem>>) src(%dma_wait3A_615 : memref<10000x128xf32, #tpu.memory_space<hbm>>) dst(%dma_wait3A_611 : memref<40x128xf32, #tpu.memory_space<vmem>>)
      %mul3A_618 = arith.constant 40 : i32
      %mul3A_619 = arith.muli %add3A_603, %mul3A_618 : i32
      %dma_start3A_620 = arith.constant 4 : i32
      %dma_start3A_621 = arith.constant 4 : i32
      %dma_start3A_622 = arith.constant 0 : i32
      %dma_start3A_623 = arith.constant 0 : i32
      %dma_start3A_624 = tpu.memref_slice %arg8[%dma_start3A_620, %dma_start3A_622, %dma_start3A_623] : memref<6x40x128xf32, #tpu.memory_space<vmem>> -> memref<1x40x128xf32, #tpu.memory_space<vmem>>
      %dma_start3A_625 = tpu.memref_squeeze %dma_start3A_624 : memref<1x40x128xf32, #tpu.memory_space<vmem>> -> memref<40x128xf32, #tpu.memory_space<vmem>>
      %dma_start3A_626 = tpu.memref_slice %arg7[%mul3A_619] : memref<10000xi32, #tpu.memory_space<vmem>> -> memref<40xi32, #tpu.memory_space<vmem>>
      %dma_start3A_627 = arith.constant 0 : i32
      %dma_start3A_628 = arith.constant 0 : i32
      %dma_start3A_629 = tpu.memref_slice %arg9[%dma_start3A_627, %dma_start3A_628] : memref<10000x128xf32, #tpu.memory_space<vmem_shared>> -> memref<10000x128xf32, #tpu.memory_space<vmem_shared>>
      %dma_start3A_630 = tpu.memref_slice %arg11[%dma_start3A_621] : memref<6x!tpu.dma_semaphore, #tpu.memory_space<semaphore_mem>> -> memref<1x!tpu.dma_semaphore, #tpu.memory_space<semaphore_mem>>
      %dma_start3A_631 = tpu.memref_squeeze %dma_start3A_630 : memref<1x!tpu.dma_semaphore, #tpu.memory_space<semaphore_mem>> -> memref<!tpu.dma_semaphore, #tpu.memory_space<semaphore_mem>>
      tpu.enqueue_indirect_dma source(%dma_start3A_625 : memref<40x128xf32, #tpu.memory_space<vmem>>) target(%dma_start3A_629 : memref<10000x128xf32, #tpu.memory_space<vmem_shared>>) offsets(%dma_start3A_626 : memref<40xi32, #tpu.memory_space<vmem>>) semaphore(%dma_start3A_631 : memref<!tpu.dma_semaphore, #tpu.memory_space<semaphore_mem>>) {add = true}
      %mul3A_632 = arith.constant 6 : i32
      %mul3A_633 = arith.muli %scan3A_470, %mul3A_632 : i32
      %add3A_634 = arith.constant 5 : i32
      %add3A_635 = arith.addi %mul3A_633, %add3A_634 : i32
      %mul3A_636 = arith.constant 40 : i32
      %mul3A_637 = arith.muli %add3A_635, %mul3A_636 : i32
      %dma_wait3A_638 = arith.constant 5 : i32
      %dma_wait3A_639 = arith.constant 5 : i32
      %dma_wait3A_640 = arith.constant 0 : i32
      %dma_wait3A_641 = arith.constant 0 : i32
      %dma_wait3A_642 = tpu.memref_slice %arg8[%dma_wait3A_638, %dma_wait3A_640, %dma_wait3A_641] : memref<6x40x128xf32, #tpu.memory_space<vmem>> -> memref<1x40x128xf32, #tpu.memory_space<vmem>>
      %dma_wait3A_643 = tpu.memref_squeeze %dma_wait3A_642 : memref<1x40x128xf32, #tpu.memory_space<vmem>> -> memref<40x128xf32, #tpu.memory_space<vmem>>
      %dma_wait3A_644 = tpu.memref_slice %arg6[%mul3A_637] : memref<10000xi32, #tpu.memory_space<vmem>> -> memref<40xi32, #tpu.memory_space<vmem>>
      %dma_wait3A_645 = arith.constant 0 : i32
      %dma_wait3A_646 = arith.constant 0 : i32
      %dma_wait3A_647 = tpu.memref_slice %arg2[%dma_wait3A_645, %dma_wait3A_646] : memref<10000x128xf32, #tpu.memory_space<hbm>> -> memref<10000x128xf32, #tpu.memory_space<hbm>>
      %dma_wait3A_648 = tpu.memref_slice %arg10[%dma_wait3A_639] : memref<6x!tpu.dma_semaphore, #tpu.memory_space<semaphore_mem>> -> memref<1x!tpu.dma_semaphore, #tpu.memory_space<semaphore_mem>>
      %dma_wait3A_649 = tpu.memref_squeeze %dma_wait3A_648 : memref<1x!tpu.dma_semaphore, #tpu.memory_space<semaphore_mem>> -> memref<!tpu.dma_semaphore, #tpu.memory_space<semaphore_mem>>
      tpu.wait_indirect_dma semaphore(%dma_wait3A_649 : memref<!tpu.dma_semaphore, #tpu.memory_space<semaphore_mem>>) src(%dma_wait3A_647 : memref<10000x128xf32, #tpu.memory_space<hbm>>) dst(%dma_wait3A_643 : memref<40x128xf32, #tpu.memory_space<vmem>>)
      %mul3A_650 = arith.constant 40 : i32
      %mul3A_651 = arith.muli %add3A_635, %mul3A_650 : i32
      %dma_start3A_652 = arith.constant 5 : i32
      %dma_start3A_653 = arith.constant 5 : i32
      %dma_start3A_654 = arith.constant 0 : i32
      %dma_start3A_655 = arith.constant 0 : i32
      %dma_start3A_656 = tpu.memref_slice %arg8[%dma_start3A_652, %dma_start3A_654, %dma_start3A_655] : memref<6x40x128xf32, #tpu.memory_space<vmem>> -> memref<1x40x128xf32, #tpu.memory_space<vmem>>
      %dma_start3A_657 = tpu.memref_squeeze %dma_start3A_656 : memref<1x40x128xf32, #tpu.memory_space<vmem>> -> memref<40x128xf32, #tpu.memory_space<vmem>>
      %dma_start3A_658 = tpu.memref_slice %arg7[%mul3A_651] : memref<10000xi32, #tpu.memory_space<vmem>> -> memref<40xi32, #tpu.memory_space<vmem>>
      %dma_start3A_659 = arith.constant 0 : i32
      %dma_start3A_660 = arith.constant 0 : i32
      %dma_start3A_661 = tpu.memref_slice %arg9[%dma_start3A_659, %dma_start3A_660] : memref<10000x128xf32, #tpu.memory_space<vmem_shared>> -> memref<10000x128xf32, #tpu.memory_space<vmem_shared>>
      %dma_start3A_662 = tpu.memref_slice %arg11[%dma_start3A_653] : memref<6x!tpu.dma_semaphore, #tpu.memory_space<semaphore_mem>> -> memref<1x!tpu.dma_semaphore, #tpu.memory_space<semaphore_mem>>
      %dma_start3A_663 = tpu.memref_squeeze %dma_start3A_662 : memref<1x!tpu.dma_semaphore, #tpu.memory_space<semaphore_mem>> -> memref<!tpu.dma_semaphore, #tpu.memory_space<semaphore_mem>>
      tpu.enqueue_indirect_dma source(%dma_start3A_657 : memref<40x128xf32, #tpu.memory_space<vmem>>) target(%dma_start3A_661 : memref<10000x128xf32, #tpu.memory_space<vmem_shared>>) offsets(%dma_start3A_658 : memref<40xi32, #tpu.memory_space<vmem>>) semaphore(%dma_start3A_663 : memref<!tpu.dma_semaphore, #tpu.memory_space<semaphore_mem>>) {add = true}
      %add3A_664 = arith.constant 1 : i32
      %add3A_665 = arith.addi %scan3A_470, %add3A_664 : i32
      %mul3A_666 = arith.constant 6 : i32
      %mul3A_667 = arith.muli %add3A_665, %mul3A_666 : i32
      %add3A_668 = arith.constant 0 : i32
      %add3A_669 = arith.addi %mul3A_667, %add3A_668 : i32
      %sub3A = arith.constant 6 : i32
      %sub3A_670 = arith.subi %add3A_669, %sub3A : i32
      %mul3A_671 = arith.constant 40 : i32
      %mul3A_672 = arith.muli %sub3A_670, %mul3A_671 : i32
      %dma_wait3A_673 = arith.constant 0 : i32
      %dma_wait3A_674 = arith.constant 0 : i32
      %dma_wait3A_675 = arith.constant 0 : i32
      %dma_wait3A_676 = arith.constant 0 : i32
      %dma_wait3A_677 = tpu.memref_slice %arg8[%dma_wait3A_673, %dma_wait3A_675, %dma_wait3A_676] : memref<6x40x128xf32, #tpu.memory_space<vmem>> -> memref<1x40x128xf32, #tpu.memory_space<vmem>>
      %dma_wait3A_678 = tpu.memref_squeeze %dma_wait3A_677 : memref<1x40x128xf32, #tpu.memory_space<vmem>> -> memref<40x128xf32, #tpu.memory_space<vmem>>
      %dma_wait3A_679 = tpu.memref_slice %arg7[%mul3A_672] : memref<10000xi32, #tpu.memory_space<vmem>> -> memref<40xi32, #tpu.memory_space<vmem>>
      %dma_wait3A_680 = arith.constant 0 : i32
      %dma_wait3A_681 = arith.constant 0 : i32
      %dma_wait3A_682 = tpu.memref_slice %arg9[%dma_wait3A_680, %dma_wait3A_681] : memref<10000x128xf32, #tpu.memory_space<vmem_shared>> -> memref<10000x128xf32, #tpu.memory_space<vmem_shared>>
      %dma_wait3A_683 = tpu.memref_slice %arg11[%dma_wait3A_674] : memref<6x!tpu.dma_semaphore, #tpu.memory_space<semaphore_mem>> -> memref<1x!tpu.dma_semaphore, #tpu.memory_space<semaphore_mem>>
      %dma_wait3A_684 = tpu.memref_squeeze %dma_wait3A_683 : memref<1x!tpu.dma_semaphore, #tpu.memory_space<semaphore_mem>> -> memref<!tpu.dma_semaphore, #tpu.memory_space<semaphore_mem>>
      tpu.wait_indirect_dma semaphore(%dma_wait3A_684 : memref<!tpu.dma_semaphore, #tpu.memory_space<semaphore_mem>>) src(%dma_wait3A_678 : memref<40x128xf32, #tpu.memory_space<vmem>>) dst(%dma_wait3A_682 : memref<10000x128xf32, #tpu.memory_space<vmem_shared>>)
      %mul3A_685 = arith.constant 40 : i32
      %mul3A_686 = arith.muli %add3A_669, %mul3A_685 : i32
      %dma_start3A_687 = arith.constant 0 : i32
      %dma_start3A_688 = arith.constant 0 : i32
      %dma_start3A_689 = arith.constant 0 : i32
      %dma_start3A_690 = arith.constant 0 : i32
      %dma_start3A_691 = tpu.memref_slice %arg8[%dma_start3A_687, %dma_start3A_689, %dma_start3A_690] : memref<6x40x128xf32, #tpu.memory_space<vmem>> -> memref<1x40x128xf32, #tpu.memory_space<vmem>>
      %dma_start3A_692 = tpu.memref_squeeze %dma_start3A_691 : memref<1x40x128xf32, #tpu.memory_space<vmem>> -> memref<40x128xf32, #tpu.memory_space<vmem>>
      %dma_start3A_693 = tpu.memref_slice %arg6[%mul3A_686] : memref<10000xi32, #tpu.memory_space<vmem>> -> memref<40xi32, #tpu.memory_space<vmem>>
      %dma_start3A_694 = arith.constant 0 : i32
      %dma_start3A_695 = arith.constant 0 : i32
      %dma_start3A_696 = tpu.memref_slice %arg2[%dma_start3A_694, %dma_start3A_695] : memref<10000x128xf32, #tpu.memory_space<hbm>> -> memref<10000x128xf32, #tpu.memory_space<hbm>>
      %dma_start3A_697 = tpu.memref_slice %arg10[%dma_start3A_688] : memref<6x!tpu.dma_semaphore, #tpu.memory_space<semaphore_mem>> -> memref<1x!tpu.dma_semaphore, #tpu.memory_space<semaphore_mem>>
      %dma_start3A_698 = tpu.memref_squeeze %dma_start3A_697 : memref<1x!tpu.dma_semaphore, #tpu.memory_space<semaphore_mem>> -> memref<!tpu.dma_semaphore, #tpu.memory_space<semaphore_mem>>
      tpu.enqueue_indirect_dma source(%dma_start3A_696 : memref<10000x128xf32, #tpu.memory_space<hbm>>) target(%dma_start3A_692 : memref<40x128xf32, #tpu.memory_space<vmem>>) offsets(%dma_start3A_693 : memref<40xi32, #tpu.memory_space<vmem>>) semaphore(%dma_start3A_698 : memref<!tpu.dma_semaphore, #tpu.memory_space<semaphore_mem>>)
      %add3A_699 = arith.constant 1 : i32
      %add3A_700 = arith.addi %scan3A_470, %add3A_699 : i32
      %mul3A_701 = arith.constant 6 : i32
      %mul3A_702 = arith.muli %add3A_700, %mul3A_701 : i32
      %add3A_703 = arith.constant 1 : i32
      %add3A_704 = arith.addi %mul3A_702, %add3A_703 : i32
      %sub3A_705 = arith.constant 6 : i32
      %sub3A_706 = arith.subi %add3A_704, %sub3A_705 : i32
      %mul3A_707 = arith.constant 40 : i32
      %mul3A_708 = arith.muli %sub3A_706, %mul3A_707 : i32
      %dma_wait3A_709 = arith.constant 1 : i32
      %dma_wait3A_710 = arith.constant 1 : i32
      %dma_wait3A_711 = arith.constant 0 : i32
      %dma_wait3A_712 = arith.constant 0 : i32
      %dma_wait3A_713 = tpu.memref_slice %arg8[%dma_wait3A_709, %dma_wait3A_711, %dma_wait3A_712] : memref<6x40x128xf32, #tpu.memory_space<vmem>> -> memref<1x40x128xf32, #tpu.memory_space<vmem>>
      %dma_wait3A_714 = tpu.memref_squeeze %dma_wait3A_713 : memref<1x40x128xf32, #tpu.memory_space<vmem>> -> memref<40x128xf32, #tpu.memory_space<vmem>>
      %dma_wait3A_715 = tpu.memref_slice %arg7[%mul3A_708] : memref<10000xi32, #tpu.memory_space<vmem>> -> memref<40xi32, #tpu.memory_space<vmem>>
      %dma_wait3A_716 = arith.constant 0 : i32
      %dma_wait3A_717 = arith.constant 0 : i32
      %dma_wait3A_718 = tpu.memref_slice %arg9[%dma_wait3A_716, %dma_wait3A_717] : memref<10000x128xf32, #tpu.memory_space<vmem_shared>> -> memref<10000x128xf32, #tpu.memory_space<vmem_shared>>
      %dma_wait3A_719 = tpu.memref_slice %arg11[%dma_wait3A_710] : memref<6x!tpu.dma_semaphore, #tpu.memory_space<semaphore_mem>> -> memref<1x!tpu.dma_semaphore, #tpu.memory_space<semaphore_mem>>
      %dma_wait3A_720 = tpu.memref_squeeze %dma_wait3A_719 : memref<1x!tpu.dma_semaphore, #tpu.memory_space<semaphore_mem>> -> memref<!tpu.dma_semaphore, #tpu.memory_space<semaphore_mem>>
      tpu.wait_indirect_dma semaphore(%dma_wait3A_720 : memref<!tpu.dma_semaphore, #tpu.memory_space<semaphore_mem>>) src(%dma_wait3A_714 : memref<40x128xf32, #tpu.memory_space<vmem>>) dst(%dma_wait3A_718 : memref<10000x128xf32, #tpu.memory_space<vmem_shared>>)
      %mul3A_721 = arith.constant 40 : i32
      %mul3A_722 = arith.muli %add3A_704, %mul3A_721 : i32
      %dma_start3A_723 = arith.constant 1 : i32
      %dma_start3A_724 = arith.constant 1 : i32
      %dma_start3A_725 = arith.constant 0 : i32
      %dma_start3A_726 = arith.constant 0 : i32
      %dma_start3A_727 = tpu.memref_slice %arg8[%dma_start3A_723, %dma_start3A_725, %dma_start3A_726] : memref<6x40x128xf32, #tpu.memory_space<vmem>> -> memref<1x40x128xf32, #tpu.memory_space<vmem>>
      %dma_start3A_728 = tpu.memref_squeeze %dma_start3A_727 : memref<1x40x128xf32, #tpu.memory_space<vmem>> -> memref<40x128xf32, #tpu.memory_space<vmem>>
      %dma_start3A_729 = tpu.memref_slice %arg6[%mul3A_722] : memref<10000xi32, #tpu.memory_space<vmem>> -> memref<40xi32, #tpu.memory_space<vmem>>
      %dma_start3A_730 = arith.constant 0 : i32
      %dma_start3A_731 = arith.constant 0 : i32
      %dma_start3A_732 = tpu.memref_slice %arg2[%dma_start3A_730, %dma_start3A_731] : memref<10000x128xf32, #tpu.memory_space<hbm>> -> memref<10000x128xf32, #tpu.memory_space<hbm>>
      %dma_start3A_733 = tpu.memref_slice %arg10[%dma_start3A_724] : memref<6x!tpu.dma_semaphore, #tpu.memory_space<semaphore_mem>> -> memref<1x!tpu.dma_semaphore, #tpu.memory_space<semaphore_mem>>
      %dma_start3A_734 = tpu.memref_squeeze %dma_start3A_733 : memref<1x!tpu.dma_semaphore, #tpu.memory_space<semaphore_mem>> -> memref<!tpu.dma_semaphore, #tpu.memory_space<semaphore_mem>>
      tpu.enqueue_indirect_dma source(%dma_start3A_732 : memref<10000x128xf32, #tpu.memory_space<hbm>>) target(%dma_start3A_728 : memref<40x128xf32, #tpu.memory_space<vmem>>) offsets(%dma_start3A_729 : memref<40xi32, #tpu.memory_space<vmem>>) semaphore(%dma_start3A_734 : memref<!tpu.dma_semaphore, #tpu.memory_space<semaphore_mem>>)
      %add3A_735 = arith.constant 1 : i32
      %add3A_736 = arith.addi %scan3A_470, %add3A_735 : i32
      %mul3A_737 = arith.constant 6 : i32
      %mul3A_738 = arith.muli %add3A_736, %mul3A_737 : i32
      %add3A_739 = arith.constant 2 : i32
      %add3A_740 = arith.addi %mul3A_738, %add3A_739 : i32
      %sub3A_741 = arith.constant 6 : i32
      %sub3A_742 = arith.subi %add3A_740, %sub3A_741 : i32
      %mul3A_743 = arith.constant 40 : i32
      %mul3A_744 = arith.muli %sub3A_742, %mul3A_743 : i32
      %dma_wait3A_745 = arith.constant 2 : i32
      %dma_wait3A_746 = arith.constant 2 : i32
      %dma_wait3A_747 = arith.constant 0 : i32
      %dma_wait3A_748 = arith.constant 0 : i32
      %dma_wait3A_749 = tpu.memref_slice %arg8[%dma_wait3A_745, %dma_wait3A_747, %dma_wait3A_748] : memref<6x40x128xf32, #tpu.memory_space<vmem>> -> memref<1x40x128xf32, #tpu.memory_space<vmem>>
      %dma_wait3A_750 = tpu.memref_squeeze %dma_wait3A_749 : memref<1x40x128xf32, #tpu.memory_space<vmem>> -> memref<40x128xf32, #tpu.memory_space<vmem>>
      %dma_wait3A_751 = tpu.memref_slice %arg7[%mul3A_744] : memref<10000xi32, #tpu.memory_space<vmem>> -> memref<40xi32, #tpu.memory_space<vmem>>
      %dma_wait3A_752 = arith.constant 0 : i32
      %dma_wait3A_753 = arith.constant 0 : i32
      %dma_wait3A_754 = tpu.memref_slice %arg9[%dma_wait3A_752, %dma_wait3A_753] : memref<10000x128xf32, #tpu.memory_space<vmem_shared>> -> memref<10000x128xf32, #tpu.memory_space<vmem_shared>>
      %dma_wait3A_755 = tpu.memref_slice %arg11[%dma_wait3A_746] : memref<6x!tpu.dma_semaphore, #tpu.memory_space<semaphore_mem>> -> memref<1x!tpu.dma_semaphore, #tpu.memory_space<semaphore_mem>>
      %dma_wait3A_756 = tpu.memref_squeeze %dma_wait3A_755 : memref<1x!tpu.dma_semaphore, #tpu.memory_space<semaphore_mem>> -> memref<!tpu.dma_semaphore, #tpu.memory_space<semaphore_mem>>
      tpu.wait_indirect_dma semaphore(%dma_wait3A_756 : memref<!tpu.dma_semaphore, #tpu.memory_space<semaphore_mem>>) src(%dma_wait3A_750 : memref<40x128xf32, #tpu.memory_space<vmem>>) dst(%dma_wait3A_754 : memref<10000x128xf32, #tpu.memory_space<vmem_shared>>)
      %mul3A_757 = arith.constant 40 : i32
      %mul3A_758 = arith.muli %add3A_740, %mul3A_757 : i32
      %dma_start3A_759 = arith.constant 2 : i32
      %dma_start3A_760 = arith.constant 2 : i32
      %dma_start3A_761 = arith.constant 0 : i32
      %dma_start3A_762 = arith.constant 0 : i32
      %dma_start3A_763 = tpu.memref_slice %arg8[%dma_start3A_759, %dma_start3A_761, %dma_start3A_762] : memref<6x40x128xf32, #tpu.memory_space<vmem>> -> memref<1x40x128xf32, #tpu.memory_space<vmem>>
      %dma_start3A_764 = tpu.memref_squeeze %dma_start3A_763 : memref<1x40x128xf32, #tpu.memory_space<vmem>> -> memref<40x128xf32, #tpu.memory_space<vmem>>
      %dma_start3A_765 = tpu.memref_slice %arg6[%mul3A_758] : memref<10000xi32, #tpu.memory_space<vmem>> -> memref<40xi32, #tpu.memory_space<vmem>>
      %dma_start3A_766 = arith.constant 0 : i32
      %dma_start3A_767 = arith.constant 0 : i32
      %dma_start3A_768 = tpu.memref_slice %arg2[%dma_start3A_766, %dma_start3A_767] : memref<10000x128xf32, #tpu.memory_space<hbm>> -> memref<10000x128xf32, #tpu.memory_space<hbm>>
      %dma_start3A_769 = tpu.memref_slice %arg10[%dma_start3A_760] : memref<6x!tpu.dma_semaphore, #tpu.memory_space<semaphore_mem>> -> memref<1x!tpu.dma_semaphore, #tpu.memory_space<semaphore_mem>>
      %dma_start3A_770 = tpu.memref_squeeze %dma_start3A_769 : memref<1x!tpu.dma_semaphore, #tpu.memory_space<semaphore_mem>> -> memref<!tpu.dma_semaphore, #tpu.memory_space<semaphore_mem>>
      tpu.enqueue_indirect_dma source(%dma_start3A_768 : memref<10000x128xf32, #tpu.memory_space<hbm>>) target(%dma_start3A_764 : memref<40x128xf32, #tpu.memory_space<vmem>>) offsets(%dma_start3A_765 : memref<40xi32, #tpu.memory_space<vmem>>) semaphore(%dma_start3A_770 : memref<!tpu.dma_semaphore, #tpu.memory_space<semaphore_mem>>)
      %add3A_771 = arith.constant 1 : i32
      %add3A_772 = arith.addi %scan3A_470, %add3A_771 : i32
      %mul3A_773 = arith.constant 6 : i32
      %mul3A_774 = arith.muli %add3A_772, %mul3A_773 : i32
      %add3A_775 = arith.constant 3 : i32
      %add3A_776 = arith.addi %mul3A_774, %add3A_775 : i32
      %sub3A_777 = arith.constant 6 : i32
      %sub3A_778 = arith.subi %add3A_776, %sub3A_777 : i32
      %mul3A_779 = arith.constant 40 : i32
      %mul3A_780 = arith.muli %sub3A_778, %mul3A_779 : i32
      %dma_wait3A_781 = arith.constant 3 : i32
      %dma_wait3A_782 = arith.constant 3 : i32
      %dma_wait3A_783 = arith.constant 0 : i32
      %dma_wait3A_784 = arith.constant 0 : i32
      %dma_wait3A_785 = tpu.memref_slice %arg8[%dma_wait3A_781, %dma_wait3A_783, %dma_wait3A_784] : memref<6x40x128xf32, #tpu.memory_space<vmem>> -> memref<1x40x128xf32, #tpu.memory_space<vmem>>
      %dma_wait3A_786 = tpu.memref_squeeze %dma_wait3A_785 : memref<1x40x128xf32, #tpu.memory_space<vmem>> -> memref<40x128xf32, #tpu.memory_space<vmem>>
      %dma_wait3A_787 = tpu.memref_slice %arg7[%mul3A_780] : memref<10000xi32, #tpu.memory_space<vmem>> -> memref<40xi32, #tpu.memory_space<vmem>>
      %dma_wait3A_788 = arith.constant 0 : i32
      %dma_wait3A_789 = arith.constant 0 : i32
      %dma_wait3A_790 = tpu.memref_slice %arg9[%dma_wait3A_788, %dma_wait3A_789] : memref<10000x128xf32, #tpu.memory_space<vmem_shared>> -> memref<10000x128xf32, #tpu.memory_space<vmem_shared>>
      %dma_wait3A_791 = tpu.memref_slice %arg11[%dma_wait3A_782] : memref<6x!tpu.dma_semaphore, #tpu.memory_space<semaphore_mem>> -> memref<1x!tpu.dma_semaphore, #tpu.memory_space<semaphore_mem>>
      %dma_wait3A_792 = tpu.memref_squeeze %dma_wait3A_791 : memref<1x!tpu.dma_semaphore, #tpu.memory_space<semaphore_mem>> -> memref<!tpu.dma_semaphore, #tpu.memory_space<semaphore_mem>>
      tpu.wait_indirect_dma semaphore(%dma_wait3A_792 : memref<!tpu.dma_semaphore, #tpu.memory_space<semaphore_mem>>) src(%dma_wait3A_786 : memref<40x128xf32, #tpu.memory_space<vmem>>) dst(%dma_wait3A_790 : memref<10000x128xf32, #tpu.memory_space<vmem_shared>>)
      %mul3A_793 = arith.constant 40 : i32
      %mul3A_794 = arith.muli %add3A_776, %mul3A_793 : i32
      %dma_start3A_795 = arith.constant 3 : i32
      %dma_start3A_796 = arith.constant 3 : i32
      %dma_start3A_797 = arith.constant 0 : i32
      %dma_start3A_798 = arith.constant 0 : i32
      %dma_start3A_799 = tpu.memref_slice %arg8[%dma_start3A_795, %dma_start3A_797, %dma_start3A_798] : memref<6x40x128xf32, #tpu.memory_space<vmem>> -> memref<1x40x128xf32, #tpu.memory_space<vmem>>
      %dma_start3A_800 = tpu.memref_squeeze %dma_start3A_799 : memref<1x40x128xf32, #tpu.memory_space<vmem>> -> memref<40x128xf32, #tpu.memory_space<vmem>>
      %dma_start3A_801 = tpu.memref_slice %arg6[%mul3A_794] : memref<10000xi32, #tpu.memory_space<vmem>> -> memref<40xi32, #tpu.memory_space<vmem>>
      %dma_start3A_802 = arith.constant 0 : i32
      %dma_start3A_803 = arith.constant 0 : i32
      %dma_start3A_804 = tpu.memref_slice %arg2[%dma_start3A_802, %dma_start3A_803] : memref<10000x128xf32, #tpu.memory_space<hbm>> -> memref<10000x128xf32, #tpu.memory_space<hbm>>
      %dma_start3A_805 = tpu.memref_slice %arg10[%dma_start3A_796] : memref<6x!tpu.dma_semaphore, #tpu.memory_space<semaphore_mem>> -> memref<1x!tpu.dma_semaphore, #tpu.memory_space<semaphore_mem>>
      %dma_start3A_806 = tpu.memref_squeeze %dma_start3A_805 : memref<1x!tpu.dma_semaphore, #tpu.memory_space<semaphore_mem>> -> memref<!tpu.dma_semaphore, #tpu.memory_space<semaphore_mem>>
      tpu.enqueue_indirect_dma source(%dma_start3A_804 : memref<10000x128xf32, #tpu.memory_space<hbm>>) target(%dma_start3A_800 : memref<40x128xf32, #tpu.memory_space<vmem>>) offsets(%dma_start3A_801 : memref<40xi32, #tpu.memory_space<vmem>>) semaphore(%dma_start3A_806 : memref<!tpu.dma_semaphore, #tpu.memory_space<semaphore_mem>>)
      %add3A_807 = arith.constant 1 : i32
      %add3A_808 = arith.addi %scan3A_470, %add3A_807 : i32
      %mul3A_809 = arith.constant 6 : i32
      %mul3A_810 = arith.muli %add3A_808, %mul3A_809 : i32
      %add3A_811 = arith.constant 4 : i32
      %add3A_812 = arith.addi %mul3A_810, %add3A_811 : i32
      %sub3A_813 = arith.constant 6 : i32
      %sub3A_814 = arith.subi %add3A_812, %sub3A_813 : i32
      %mul3A_815 = arith.constant 40 : i32
      %mul3A_816 = arith.muli %sub3A_814, %mul3A_815 : i32
      %dma_wait3A_817 = arith.constant 4 : i32
      %dma_wait3A_818 = arith.constant 4 : i32
      %dma_wait3A_819 = arith.constant 0 : i32
      %dma_wait3A_820 = arith.constant 0 : i32
      %dma_wait3A_821 = tpu.memref_slice %arg8[%dma_wait3A_817, %dma_wait3A_819, %dma_wait3A_820] : memref<6x40x128xf32, #tpu.memory_space<vmem>> -> memref<1x40x128xf32, #tpu.memory_space<vmem>>
      %dma_wait3A_822 = tpu.memref_squeeze %dma_wait3A_821 : memref<1x40x128xf32, #tpu.memory_space<vmem>> -> memref<40x128xf32, #tpu.memory_space<vmem>>
      %dma_wait3A_823 = tpu.memref_slice %arg7[%mul3A_816] : memref<10000xi32, #tpu.memory_space<vmem>> -> memref<40xi32, #tpu.memory_space<vmem>>
      %dma_wait3A_824 = arith.constant 0 : i32
      %dma_wait3A_825 = arith.constant 0 : i32
      %dma_wait3A_826 = tpu.memref_slice %arg9[%dma_wait3A_824, %dma_wait3A_825] : memref<10000x128xf32, #tpu.memory_space<vmem_shared>> -> memref<10000x128xf32, #tpu.memory_space<vmem_shared>>
      %dma_wait3A_827 = tpu.memref_slice %arg11[%dma_wait3A_818] : memref<6x!tpu.dma_semaphore, #tpu.memory_space<semaphore_mem>> -> memref<1x!tpu.dma_semaphore, #tpu.memory_space<semaphore_mem>>
      %dma_wait3A_828 = tpu.memref_squeeze %dma_wait3A_827 : memref<1x!tpu.dma_semaphore, #tpu.memory_space<semaphore_mem>> -> memref<!tpu.dma_semaphore, #tpu.memory_space<semaphore_mem>>
      tpu.wait_indirect_dma semaphore(%dma_wait3A_828 : memref<!tpu.dma_semaphore, #tpu.memory_space<semaphore_mem>>) src(%dma_wait3A_822 : memref<40x128xf32, #tpu.memory_space<vmem>>) dst(%dma_wait3A_826 : memref<10000x128xf32, #tpu.memory_space<vmem_shared>>)
      %mul3A_829 = arith.constant 40 : i32
      %mul3A_830 = arith.muli %add3A_812, %mul3A_829 : i32
      %dma_start3A_831 = arith.constant 4 : i32
      %dma_start3A_832 = arith.constant 4 : i32
      %dma_start3A_833 = arith.constant 0 : i32
      %dma_start3A_834 = arith.constant 0 : i32
      %dma_start3A_835 = tpu.memref_slice %arg8[%dma_start3A_831, %dma_start3A_833, %dma_start3A_834] : memref<6x40x128xf32, #tpu.memory_space<vmem>> -> memref<1x40x128xf32, #tpu.memory_space<vmem>>
      %dma_start3A_836 = tpu.memref_squeeze %dma_start3A_835 : memref<1x40x128xf32, #tpu.memory_space<vmem>> -> memref<40x128xf32, #tpu.memory_space<vmem>>
      %dma_start3A_837 = tpu.memref_slice %arg6[%mul3A_830] : memref<10000xi32, #tpu.memory_space<vmem>> -> memref<40xi32, #tpu.memory_space<vmem>>
      %dma_start3A_838 = arith.constant 0 : i32
      %dma_start3A_839 = arith.constant 0 : i32
      %dma_start3A_840 = tpu.memref_slice %arg2[%dma_start3A_838, %dma_start3A_839] : memref<10000x128xf32, #tpu.memory_space<hbm>> -> memref<10000x128xf32, #tpu.memory_space<hbm>>
      %dma_start3A_841 = tpu.memref_slice %arg10[%dma_start3A_832] : memref<6x!tpu.dma_semaphore, #tpu.memory_space<semaphore_mem>> -> memref<1x!tpu.dma_semaphore, #tpu.memory_space<semaphore_mem>>
      %dma_start3A_842 = tpu.memref_squeeze %dma_start3A_841 : memref<1x!tpu.dma_semaphore, #tpu.memory_space<semaphore_mem>> -> memref<!tpu.dma_semaphore, #tpu.memory_space<semaphore_mem>>
      tpu.enqueue_indirect_dma source(%dma_start3A_840 : memref<10000x128xf32, #tpu.memory_space<hbm>>) target(%dma_start3A_836 : memref<40x128xf32, #tpu.memory_space<vmem>>) offsets(%dma_start3A_837 : memref<40xi32, #tpu.memory_space<vmem>>) semaphore(%dma_start3A_842 : memref<!tpu.dma_semaphore, #tpu.memory_space<semaphore_mem>>)
      %add3A_843 = arith.constant 1 : i32
      %add3A_844 = arith.addi %scan3A_470, %add3A_843 : i32
      %mul3A_845 = arith.constant 6 : i32
      %mul3A_846 = arith.muli %add3A_844, %mul3A_845 : i32
      %add3A_847 = arith.constant 5 : i32
      %add3A_848 = arith.addi %mul3A_846, %add3A_847 : i32
      %sub3A_849 = arith.constant 6 : i32
      %sub3A_850 = arith.subi %add3A_848, %sub3A_849 : i32
      %mul3A_851 = arith.constant 40 : i32
      %mul3A_852 = arith.muli %sub3A_850, %mul3A_851 : i32
      %dma_wait3A_853 = arith.constant 5 : i32
      %dma_wait3A_854 = arith.constant 5 : i32
      %dma_wait3A_855 = arith.constant 0 : i32
      %dma_wait3A_856 = arith.constant 0 : i32
      %dma_wait3A_857 = tpu.memref_slice %arg8[%dma_wait3A_853, %dma_wait3A_855, %dma_wait3A_856] : memref<6x40x128xf32, #tpu.memory_space<vmem>> -> memref<1x40x128xf32, #tpu.memory_space<vmem>>
      %dma_wait3A_858 = tpu.memref_squeeze %dma_wait3A_857 : memref<1x40x128xf32, #tpu.memory_space<vmem>> -> memref<40x128xf32, #tpu.memory_space<vmem>>
      %dma_wait3A_859 = tpu.memref_slice %arg7[%mul3A_852] : memref<10000xi32, #tpu.memory_space<vmem>> -> memref<40xi32, #tpu.memory_space<vmem>>
      %dma_wait3A_860 = arith.constant 0 : i32
      %dma_wait3A_861 = arith.constant 0 : i32
      %dma_wait3A_862 = tpu.memref_slice %arg9[%dma_wait3A_860, %dma_wait3A_861] : memref<10000x128xf32, #tpu.memory_space<vmem_shared>> -> memref<10000x128xf32, #tpu.memory_space<vmem_shared>>
      %dma_wait3A_863 = tpu.memref_slice %arg11[%dma_wait3A_854] : memref<6x!tpu.dma_semaphore, #tpu.memory_space<semaphore_mem>> -> memref<1x!tpu.dma_semaphore, #tpu.memory_space<semaphore_mem>>
      %dma_wait3A_864 = tpu.memref_squeeze %dma_wait3A_863 : memref<1x!tpu.dma_semaphore, #tpu.memory_space<semaphore_mem>> -> memref<!tpu.dma_semaphore, #tpu.memory_space<semaphore_mem>>
      tpu.wait_indirect_dma semaphore(%dma_wait3A_864 : memref<!tpu.dma_semaphore, #tpu.memory_space<semaphore_mem>>) src(%dma_wait3A_858 : memref<40x128xf32, #tpu.memory_space<vmem>>) dst(%dma_wait3A_862 : memref<10000x128xf32, #tpu.memory_space<vmem_shared>>)
      %mul3A_865 = arith.constant 40 : i32
      %mul3A_866 = arith.muli %add3A_848, %mul3A_865 : i32
      %dma_start3A_867 = arith.constant 5 : i32
      %dma_start3A_868 = arith.constant 5 : i32
      %dma_start3A_869 = arith.constant 0 : i32
      %dma_start3A_870 = arith.constant 0 : i32
      %dma_start3A_871 = tpu.memref_slice %arg8[%dma_start3A_867, %dma_start3A_869, %dma_start3A_870] : memref<6x40x128xf32, #tpu.memory_space<vmem>> -> memref<1x40x128xf32, #tpu.memory_space<vmem>>
      %dma_start3A_872 = tpu.memref_squeeze %dma_start3A_871 : memref<1x40x128xf32, #tpu.memory_space<vmem>> -> memref<40x128xf32, #tpu.memory_space<vmem>>
      %dma_start3A_873 = tpu.memref_slice %arg6[%mul3A_866] : memref<10000xi32, #tpu.memory_space<vmem>> -> memref<40xi32, #tpu.memory_space<vmem>>
      %dma_start3A_874 = arith.constant 0 : i32
      %dma_start3A_875 = arith.constant 0 : i32
      %dma_start3A_876 = tpu.memref_slice %arg2[%dma_start3A_874, %dma_start3A_875] : memref<10000x128xf32, #tpu.memory_space<hbm>> -> memref<10000x128xf32, #tpu.memory_space<hbm>>
      %dma_start3A_877 = tpu.memref_slice %arg10[%dma_start3A_868] : memref<6x!tpu.dma_semaphore, #tpu.memory_space<semaphore_mem>> -> memref<1x!tpu.dma_semaphore, #tpu.memory_space<semaphore_mem>>
      %dma_start3A_878 = tpu.memref_squeeze %dma_start3A_877 : memref<1x!tpu.dma_semaphore, #tpu.memory_space<semaphore_mem>> -> memref<!tpu.dma_semaphore, #tpu.memory_space<semaphore_mem>>
      tpu.enqueue_indirect_dma source(%dma_start3A_876 : memref<10000x128xf32, #tpu.memory_space<hbm>>) target(%dma_start3A_872 : memref<40x128xf32, #tpu.memory_space<vmem>>) offsets(%dma_start3A_873 : memref<40xi32, #tpu.memory_space<vmem>>) semaphore(%dma_start3A_878 : memref<!tpu.dma_semaphore, #tpu.memory_space<semaphore_mem>>)
      %scan3A_879 = arith.constant 0 : i32
      scf.yield %scan3A_879 : i32
    }
    %scan3A_18 = arith.constant 40 : i32
    %dma_wait3A = arith.constant 0 : i32
    %dma_wait3A_19 = arith.constant 0 : i32
    %dma_wait3A_20 = arith.constant 0 : i32
    %dma_wait3A_21 = arith.constant 0 : i32
    %dma_wait3A_22 = tpu.memref_slice %arg8[%dma_wait3A, %dma_wait3A_20, %dma_wait3A_21] : memref<6x40x128xf32, #tpu.memory_space<vmem>> -> memref<1x40x128xf32, #tpu.memory_space<vmem>>
    %dma_wait3A_23 = tpu.memref_squeeze %dma_wait3A_22 : memref<1x40x128xf32, #tpu.memory_space<vmem>> -> memref<40x128xf32, #tpu.memory_space<vmem>>
    %dma_wait3A_24 = arith.constant 9600 : i32
    %dma_wait3A_25 = tpu.memref_slice %arg6[%dma_wait3A_24] : memref<10000xi32, #tpu.memory_space<vmem>> -> memref<40xi32, #tpu.memory_space<vmem>>
    %dma_wait3A_26 = arith.constant 0 : i32
    %dma_wait3A_27 = arith.constant 0 : i32
    %dma_wait3A_28 = tpu.memref_slice %arg2[%dma_wait3A_26, %dma_wait3A_27] : memref<10000x128xf32, #tpu.memory_space<hbm>> -> memref<10000x128xf32, #tpu.memory_space<hbm>>
    %dma_wait3A_29 = tpu.memref_slice %arg10[%dma_wait3A_19] : memref<6x!tpu.dma_semaphore, #tpu.memory_space<semaphore_mem>> -> memref<1x!tpu.dma_semaphore, #tpu.memory_space<semaphore_mem>>
    %dma_wait3A_30 = tpu.memref_squeeze %dma_wait3A_29 : memref<1x!tpu.dma_semaphore, #tpu.memory_space<semaphore_mem>> -> memref<!tpu.dma_semaphore, #tpu.memory_space<semaphore_mem>>
    tpu.wait_indirect_dma semaphore(%dma_wait3A_30 : memref<!tpu.dma_semaphore, #tpu.memory_space<semaphore_mem>>) src(%dma_wait3A_28 : memref<10000x128xf32, #tpu.memory_space<hbm>>) dst(%dma_wait3A_23 : memref<40x128xf32, #tpu.memory_space<vmem>>)
    %dma_start3A = arith.constant 0 : i32
    %dma_start3A_31 = arith.constant 0 : i32
    %dma_start3A_32 = arith.constant 0 : i32
    %dma_start3A_33 = arith.constant 0 : i32
    %dma_start3A_34 = tpu.memref_slice %arg8[%dma_start3A, %dma_start3A_32, %dma_start3A_33] : memref<6x40x128xf32, #tpu.memory_space<vmem>> -> memref<1x40x128xf32, #tpu.memory_space<vmem>>
    %dma_start3A_35 = tpu.memref_squeeze %dma_start3A_34 : memref<1x40x128xf32, #tpu.memory_space<vmem>> -> memref<40x128xf32, #tpu.memory_space<vmem>>
    %dma_start3A_36 = arith.constant 9600 : i32
    %dma_start3A_37 = tpu.memref_slice %arg7[%dma_start3A_36] : memref<10000xi32, #tpu.memory_space<vmem>> -> memref<40xi32, #tpu.memory_space<vmem>>
    %dma_start3A_38 = arith.constant 0 : i32
    %dma_start3A_39 = arith.constant 0 : i32
    %dma_start3A_40 = tpu.memref_slice %arg9[%dma_start3A_38, %dma_start3A_39] : memref<10000x128xf32, #tpu.memory_space<vmem_shared>> -> memref<10000x128xf32, #tpu.memory_space<vmem_shared>>
    %dma_start3A_41 = tpu.memref_slice %arg11[%dma_start3A_31] : memref<6x!tpu.dma_semaphore, #tpu.memory_space<semaphore_mem>> -> memref<1x!tpu.dma_semaphore, #tpu.memory_space<semaphore_mem>>
    %dma_start3A_42 = tpu.memref_squeeze %dma_start3A_41 : memref<1x!tpu.dma_semaphore, #tpu.memory_space<semaphore_mem>> -> memref<!tpu.dma_semaphore, #tpu.memory_space<semaphore_mem>>
    tpu.enqueue_indirect_dma source(%dma_start3A_35 : memref<40x128xf32, #tpu.memory_space<vmem>>) target(%dma_start3A_40 : memref<10000x128xf32, #tpu.memory_space<vmem_shared>>) offsets(%dma_start3A_37 : memref<40xi32, #tpu.memory_space<vmem>>) semaphore(%dma_start3A_42 : memref<!tpu.dma_semaphore, #tpu.memory_space<semaphore_mem>>) {add = true}
    %dma_wait3A_43 = arith.constant 1 : i32
    %dma_wait3A_44 = arith.constant 1 : i32
    %dma_wait3A_45 = arith.constant 0 : i32
    %dma_wait3A_46 = arith.constant 0 : i32
    %dma_wait3A_47 = tpu.memref_slice %arg8[%dma_wait3A_43, %dma_wait3A_45, %dma_wait3A_46] : memref<6x40x128xf32, #tpu.memory_space<vmem>> -> memref<1x40x128xf32, #tpu.memory_space<vmem>>
    %dma_wait3A_48 = tpu.memref_squeeze %dma_wait3A_47 : memref<1x40x128xf32, #tpu.memory_space<vmem>> -> memref<40x128xf32, #tpu.memory_space<vmem>>
    %dma_wait3A_49 = arith.constant 9640 : i32
    %dma_wait3A_50 = tpu.memref_slice %arg6[%dma_wait3A_49] : memref<10000xi32, #tpu.memory_space<vmem>> -> memref<40xi32, #tpu.memory_space<vmem>>
    %dma_wait3A_51 = arith.constant 0 : i32
    %dma_wait3A_52 = arith.constant 0 : i32
    %dma_wait3A_53 = tpu.memref_slice %arg2[%dma_wait3A_51, %dma_wait3A_52] : memref<10000x128xf32, #tpu.memory_space<hbm>> -> memref<10000x128xf32, #tpu.memory_space<hbm>>
    %dma_wait3A_54 = tpu.memref_slice %arg10[%dma_wait3A_44] : memref<6x!tpu.dma_semaphore, #tpu.memory_space<semaphore_mem>> -> memref<1x!tpu.dma_semaphore, #tpu.memory_space<semaphore_mem>>
    %dma_wait3A_55 = tpu.memref_squeeze %dma_wait3A_54 : memref<1x!tpu.dma_semaphore, #tpu.memory_space<semaphore_mem>> -> memref<!tpu.dma_semaphore, #tpu.memory_space<semaphore_mem>>
    tpu.wait_indirect_dma semaphore(%dma_wait3A_55 : memref<!tpu.dma_semaphore, #tpu.memory_space<semaphore_mem>>) src(%dma_wait3A_53 : memref<10000x128xf32, #tpu.memory_space<hbm>>) dst(%dma_wait3A_48 : memref<40x128xf32, #tpu.memory_space<vmem>>)
    %dma_start3A_56 = arith.constant 1 : i32
    %dma_start3A_57 = arith.constant 1 : i32
    %dma_start3A_58 = arith.constant 0 : i32
    %dma_start3A_59 = arith.constant 0 : i32
    %dma_start3A_60 = tpu.memref_slice %arg8[%dma_start3A_56, %dma_start3A_58, %dma_start3A_59] : memref<6x40x128xf32, #tpu.memory_space<vmem>> -> memref<1x40x128xf32, #tpu.memory_space<vmem>>
    %dma_start3A_61 = tpu.memref_squeeze %dma_start3A_60 : memref<1x40x128xf32, #tpu.memory_space<vmem>> -> memref<40x128xf32, #tpu.memory_space<vmem>>
    %dma_start3A_62 = arith.constant 9640 : i32
    %dma_start3A_63 = tpu.memref_slice %arg7[%dma_start3A_62] : memref<10000xi32, #tpu.memory_space<vmem>> -> memref<40xi32, #tpu.memory_space<vmem>>
    %dma_start3A_64 = arith.constant 0 : i32
    %dma_start3A_65 = arith.constant 0 : i32
    %dma_start3A_66 = tpu.memref_slice %arg9[%dma_start3A_64, %dma_start3A_65] : memref<10000x128xf32, #tpu.memory_space<vmem_shared>> -> memref<10000x128xf32, #tpu.memory_space<vmem_shared>>
    %dma_start3A_67 = tpu.memref_slice %arg11[%dma_start3A_57] : memref<6x!tpu.dma_semaphore, #tpu.memory_space<semaphore_mem>> -> memref<1x!tpu.dma_semaphore, #tpu.memory_space<semaphore_mem>>
    %dma_start3A_68 = tpu.memref_squeeze %dma_start3A_67 : memref<1x!tpu.dma_semaphore, #tpu.memory_space<semaphore_mem>> -> memref<!tpu.dma_semaphore, #tpu.memory_space<semaphore_mem>>
    tpu.enqueue_indirect_dma source(%dma_start3A_61 : memref<40x128xf32, #tpu.memory_space<vmem>>) target(%dma_start3A_66 : memref<10000x128xf32, #tpu.memory_space<vmem_shared>>) offsets(%dma_start3A_63 : memref<40xi32, #tpu.memory_space<vmem>>) semaphore(%dma_start3A_68 : memref<!tpu.dma_semaphore, #tpu.memory_space<semaphore_mem>>) {add = true}
    %dma_wait3A_69 = arith.constant 2 : i32
    %dma_wait3A_70 = arith.constant 2 : i32
    %dma_wait3A_71 = arith.constant 0 : i32
    %dma_wait3A_72 = arith.constant 0 : i32
    %dma_wait3A_73 = tpu.memref_slice %arg8[%dma_wait3A_69, %dma_wait3A_71, %dma_wait3A_72] : memref<6x40x128xf32, #tpu.memory_space<vmem>> -> memref<1x40x128xf32, #tpu.memory_space<vmem>>
    %dma_wait3A_74 = tpu.memref_squeeze %dma_wait3A_73 : memref<1x40x128xf32, #tpu.memory_space<vmem>> -> memref<40x128xf32, #tpu.memory_space<vmem>>
    %dma_wait3A_75 = arith.constant 9680 : i32
    %dma_wait3A_76 = tpu.memref_slice %arg6[%dma_wait3A_75] : memref<10000xi32, #tpu.memory_space<vmem>> -> memref<40xi32, #tpu.memory_space<vmem>>
    %dma_wait3A_77 = arith.constant 0 : i32
    %dma_wait3A_78 = arith.constant 0 : i32
    %dma_wait3A_79 = tpu.memref_slice %arg2[%dma_wait3A_77, %dma_wait3A_78] : memref<10000x128xf32, #tpu.memory_space<hbm>> -> memref<10000x128xf32, #tpu.memory_space<hbm>>
    %dma_wait3A_80 = tpu.memref_slice %arg10[%dma_wait3A_70] : memref<6x!tpu.dma_semaphore, #tpu.memory_space<semaphore_mem>> -> memref<1x!tpu.dma_semaphore, #tpu.memory_space<semaphore_mem>>
    %dma_wait3A_81 = tpu.memref_squeeze %dma_wait3A_80 : memref<1x!tpu.dma_semaphore, #tpu.memory_space<semaphore_mem>> -> memref<!tpu.dma_semaphore, #tpu.memory_space<semaphore_mem>>
    tpu.wait_indirect_dma semaphore(%dma_wait3A_81 : memref<!tpu.dma_semaphore, #tpu.memory_space<semaphore_mem>>) src(%dma_wait3A_79 : memref<10000x128xf32, #tpu.memory_space<hbm>>) dst(%dma_wait3A_74 : memref<40x128xf32, #tpu.memory_space<vmem>>)
    %dma_start3A_82 = arith.constant 2 : i32
    %dma_start3A_83 = arith.constant 2 : i32
    %dma_start3A_84 = arith.constant 0 : i32
    %dma_start3A_85 = arith.constant 0 : i32
    %dma_start3A_86 = tpu.memref_slice %arg8[%dma_start3A_82, %dma_start3A_84, %dma_start3A_85] : memref<6x40x128xf32, #tpu.memory_space<vmem>> -> memref<1x40x128xf32, #tpu.memory_space<vmem>>
    %dma_start3A_87 = tpu.memref_squeeze %dma_start3A_86 : memref<1x40x128xf32, #tpu.memory_space<vmem>> -> memref<40x128xf32, #tpu.memory_space<vmem>>
    %dma_start3A_88 = arith.constant 9680 : i32
    %dma_start3A_89 = tpu.memref_slice %arg7[%dma_start3A_88] : memref<10000xi32, #tpu.memory_space<vmem>> -> memref<40xi32, #tpu.memory_space<vmem>>
    %dma_start3A_90 = arith.constant 0 : i32
    %dma_start3A_91 = arith.constant 0 : i32
    %dma_start3A_92 = tpu.memref_slice %arg9[%dma_start3A_90, %dma_start3A_91] : memref<10000x128xf32, #tpu.memory_space<vmem_shared>> -> memref<10000x128xf32, #tpu.memory_space<vmem_shared>>
    %dma_start3A_93 = tpu.memref_slice %arg11[%dma_start3A_83] : memref<6x!tpu.dma_semaphore, #tpu.memory_space<semaphore_mem>> -> memref<1x!tpu.dma_semaphore, #tpu.memory_space<semaphore_mem>>
    %dma_start3A_94 = tpu.memref_squeeze %dma_start3A_93 : memref<1x!tpu.dma_semaphore, #tpu.memory_space<semaphore_mem>> -> memref<!tpu.dma_semaphore, #tpu.memory_space<semaphore_mem>>
    tpu.enqueue_indirect_dma source(%dma_start3A_87 : memref<40x128xf32, #tpu.memory_space<vmem>>) target(%dma_start3A_92 : memref<10000x128xf32, #tpu.memory_space<vmem_shared>>) offsets(%dma_start3A_89 : memref<40xi32, #tpu.memory_space<vmem>>) semaphore(%dma_start3A_94 : memref<!tpu.dma_semaphore, #tpu.memory_space<semaphore_mem>>) {add = true}
    %dma_wait3A_95 = arith.constant 3 : i32
    %dma_wait3A_96 = arith.constant 3 : i32
    %dma_wait3A_97 = arith.constant 0 : i32
    %dma_wait3A_98 = arith.constant 0 : i32
    %dma_wait3A_99 = tpu.memref_slice %arg8[%dma_wait3A_95, %dma_wait3A_97, %dma_wait3A_98] : memref<6x40x128xf32, #tpu.memory_space<vmem>> -> memref<1x40x128xf32, #tpu.memory_space<vmem>>
    %dma_wait3A_100 = tpu.memref_squeeze %dma_wait3A_99 : memref<1x40x128xf32, #tpu.memory_space<vmem>> -> memref<40x128xf32, #tpu.memory_space<vmem>>
    %dma_wait3A_101 = arith.constant 9720 : i32
    %dma_wait3A_102 = tpu.memref_slice %arg6[%dma_wait3A_101] : memref<10000xi32, #tpu.memory_space<vmem>> -> memref<40xi32, #tpu.memory_space<vmem>>
    %dma_wait3A_103 = arith.constant 0 : i32
    %dma_wait3A_104 = arith.constant 0 : i32
    %dma_wait3A_105 = tpu.memref_slice %arg2[%dma_wait3A_103, %dma_wait3A_104] : memref<10000x128xf32, #tpu.memory_space<hbm>> -> memref<10000x128xf32, #tpu.memory_space<hbm>>
    %dma_wait3A_106 = tpu.memref_slice %arg10[%dma_wait3A_96] : memref<6x!tpu.dma_semaphore, #tpu.memory_space<semaphore_mem>> -> memref<1x!tpu.dma_semaphore, #tpu.memory_space<semaphore_mem>>
    %dma_wait3A_107 = tpu.memref_squeeze %dma_wait3A_106 : memref<1x!tpu.dma_semaphore, #tpu.memory_space<semaphore_mem>> -> memref<!tpu.dma_semaphore, #tpu.memory_space<semaphore_mem>>
    tpu.wait_indirect_dma semaphore(%dma_wait3A_107 : memref<!tpu.dma_semaphore, #tpu.memory_space<semaphore_mem>>) src(%dma_wait3A_105 : memref<10000x128xf32, #tpu.memory_space<hbm>>) dst(%dma_wait3A_100 : memref<40x128xf32, #tpu.memory_space<vmem>>)
    %dma_start3A_108 = arith.constant 3 : i32
    %dma_start3A_109 = arith.constant 3 : i32
    %dma_start3A_110 = arith.constant 0 : i32
    %dma_start3A_111 = arith.constant 0 : i32
    %dma_start3A_112 = tpu.memref_slice %arg8[%dma_start3A_108, %dma_start3A_110, %dma_start3A_111] : memref<6x40x128xf32, #tpu.memory_space<vmem>> -> memref<1x40x128xf32, #tpu.memory_space<vmem>>
    %dma_start3A_113 = tpu.memref_squeeze %dma_start3A_112 : memref<1x40x128xf32, #tpu.memory_space<vmem>> -> memref<40x128xf32, #tpu.memory_space<vmem>>
    %dma_start3A_114 = arith.constant 9720 : i32
    %dma_start3A_115 = tpu.memref_slice %arg7[%dma_start3A_114] : memref<10000xi32, #tpu.memory_space<vmem>> -> memref<40xi32, #tpu.memory_space<vmem>>
    %dma_start3A_116 = arith.constant 0 : i32
    %dma_start3A_117 = arith.constant 0 : i32
    %dma_start3A_118 = tpu.memref_slice %arg9[%dma_start3A_116, %dma_start3A_117] : memref<10000x128xf32, #tpu.memory_space<vmem_shared>> -> memref<10000x128xf32, #tpu.memory_space<vmem_shared>>
    %dma_start3A_119 = tpu.memref_slice %arg11[%dma_start3A_109] : memref<6x!tpu.dma_semaphore, #tpu.memory_space<semaphore_mem>> -> memref<1x!tpu.dma_semaphore, #tpu.memory_space<semaphore_mem>>
    %dma_start3A_120 = tpu.memref_squeeze %dma_start3A_119 : memref<1x!tpu.dma_semaphore, #tpu.memory_space<semaphore_mem>> -> memref<!tpu.dma_semaphore, #tpu.memory_space<semaphore_mem>>
    tpu.enqueue_indirect_dma source(%dma_start3A_113 : memref<40x128xf32, #tpu.memory_space<vmem>>) target(%dma_start3A_118 : memref<10000x128xf32, #tpu.memory_space<vmem_shared>>) offsets(%dma_start3A_115 : memref<40xi32, #tpu.memory_space<vmem>>) semaphore(%dma_start3A_120 : memref<!tpu.dma_semaphore, #tpu.memory_space<semaphore_mem>>) {add = true}
    %dma_wait3A_121 = arith.constant 4 : i32
    %dma_wait3A_122 = arith.constant 4 : i32
    %dma_wait3A_123 = arith.constant 0 : i32
    %dma_wait3A_124 = arith.constant 0 : i32
    %dma_wait3A_125 = tpu.memref_slice %arg8[%dma_wait3A_121, %dma_wait3A_123, %dma_wait3A_124] : memref<6x40x128xf32, #tpu.memory_space<vmem>> -> memref<1x40x128xf32, #tpu.memory_space<vmem>>
    %dma_wait3A_126 = tpu.memref_squeeze %dma_wait3A_125 : memref<1x40x128xf32, #tpu.memory_space<vmem>> -> memref<40x128xf32, #tpu.memory_space<vmem>>
    %dma_wait3A_127 = arith.constant 9760 : i32
    %dma_wait3A_128 = tpu.memref_slice %arg6[%dma_wait3A_127] : memref<10000xi32, #tpu.memory_space<vmem>> -> memref<40xi32, #tpu.memory_space<vmem>>
    %dma_wait3A_129 = arith.constant 0 : i32
    %dma_wait3A_130 = arith.constant 0 : i32
    %dma_wait3A_131 = tpu.memref_slice %arg2[%dma_wait3A_129, %dma_wait3A_130] : memref<10000x128xf32, #tpu.memory_space<hbm>> -> memref<10000x128xf32, #tpu.memory_space<hbm>>
    %dma_wait3A_132 = tpu.memref_slice %arg10[%dma_wait3A_122] : memref<6x!tpu.dma_semaphore, #tpu.memory_space<semaphore_mem>> -> memref<1x!tpu.dma_semaphore, #tpu.memory_space<semaphore_mem>>
    %dma_wait3A_133 = tpu.memref_squeeze %dma_wait3A_132 : memref<1x!tpu.dma_semaphore, #tpu.memory_space<semaphore_mem>> -> memref<!tpu.dma_semaphore, #tpu.memory_space<semaphore_mem>>
    tpu.wait_indirect_dma semaphore(%dma_wait3A_133 : memref<!tpu.dma_semaphore, #tpu.memory_space<semaphore_mem>>) src(%dma_wait3A_131 : memref<10000x128xf32, #tpu.memory_space<hbm>>) dst(%dma_wait3A_126 : memref<40x128xf32, #tpu.memory_space<vmem>>)
    %dma_start3A_134 = arith.constant 4 : i32
    %dma_start3A_135 = arith.constant 4 : i32
    %dma_start3A_136 = arith.constant 0 : i32
    %dma_start3A_137 = arith.constant 0 : i32
    %dma_start3A_138 = tpu.memref_slice %arg8[%dma_start3A_134, %dma_start3A_136, %dma_start3A_137] : memref<6x40x128xf32, #tpu.memory_space<vmem>> -> memref<1x40x128xf32, #tpu.memory_space<vmem>>
    %dma_start3A_139 = tpu.memref_squeeze %dma_start3A_138 : memref<1x40x128xf32, #tpu.memory_space<vmem>> -> memref<40x128xf32, #tpu.memory_space<vmem>>
    %dma_start3A_140 = arith.constant 9760 : i32
    %dma_start3A_141 = tpu.memref_slice %arg7[%dma_start3A_140] : memref<10000xi32, #tpu.memory_space<vmem>> -> memref<40xi32, #tpu.memory_space<vmem>>
    %dma_start3A_142 = arith.constant 0 : i32
    %dma_start3A_143 = arith.constant 0 : i32
    %dma_start3A_144 = tpu.memref_slice %arg9[%dma_start3A_142, %dma_start3A_143] : memref<10000x128xf32, #tpu.memory_space<vmem_shared>> -> memref<10000x128xf32, #tpu.memory_space<vmem_shared>>
    %dma_start3A_145 = tpu.memref_slice %arg11[%dma_start3A_135] : memref<6x!tpu.dma_semaphore, #tpu.memory_space<semaphore_mem>> -> memref<1x!tpu.dma_semaphore, #tpu.memory_space<semaphore_mem>>
    %dma_start3A_146 = tpu.memref_squeeze %dma_start3A_145 : memref<1x!tpu.dma_semaphore, #tpu.memory_space<semaphore_mem>> -> memref<!tpu.dma_semaphore, #tpu.memory_space<semaphore_mem>>
    tpu.enqueue_indirect_dma source(%dma_start3A_139 : memref<40x128xf32, #tpu.memory_space<vmem>>) target(%dma_start3A_144 : memref<10000x128xf32, #tpu.memory_space<vmem_shared>>) offsets(%dma_start3A_141 : memref<40xi32, #tpu.memory_space<vmem>>) semaphore(%dma_start3A_146 : memref<!tpu.dma_semaphore, #tpu.memory_space<semaphore_mem>>) {add = true}
    %dma_wait3A_147 = arith.constant 5 : i32
    %dma_wait3A_148 = arith.constant 5 : i32
    %dma_wait3A_149 = arith.constant 0 : i32
    %dma_wait3A_150 = arith.constant 0 : i32
    %dma_wait3A_151 = tpu.memref_slice %arg8[%dma_wait3A_147, %dma_wait3A_149, %dma_wait3A_150] : memref<6x40x128xf32, #tpu.memory_space<vmem>> -> memref<1x40x128xf32, #tpu.memory_space<vmem>>
    %dma_wait3A_152 = tpu.memref_squeeze %dma_wait3A_151 : memref<1x40x128xf32, #tpu.memory_space<vmem>> -> memref<40x128xf32, #tpu.memory_space<vmem>>
    %dma_wait3A_153 = arith.constant 9800 : i32
    %dma_wait3A_154 = tpu.memref_slice %arg6[%dma_wait3A_153] : memref<10000xi32, #tpu.memory_space<vmem>> -> memref<40xi32, #tpu.memory_space<vmem>>
    %dma_wait3A_155 = arith.constant 0 : i32
    %dma_wait3A_156 = arith.constant 0 : i32
    %dma_wait3A_157 = tpu.memref_slice %arg2[%dma_wait3A_155, %dma_wait3A_156] : memref<10000x128xf32, #tpu.memory_space<hbm>> -> memref<10000x128xf32, #tpu.memory_space<hbm>>
    %dma_wait3A_158 = tpu.memref_slice %arg10[%dma_wait3A_148] : memref<6x!tpu.dma_semaphore, #tpu.memory_space<semaphore_mem>> -> memref<1x!tpu.dma_semaphore, #tpu.memory_space<semaphore_mem>>
    %dma_wait3A_159 = tpu.memref_squeeze %dma_wait3A_158 : memref<1x!tpu.dma_semaphore, #tpu.memory_space<semaphore_mem>> -> memref<!tpu.dma_semaphore, #tpu.memory_space<semaphore_mem>>
    tpu.wait_indirect_dma semaphore(%dma_wait3A_159 : memref<!tpu.dma_semaphore, #tpu.memory_space<semaphore_mem>>) src(%dma_wait3A_157 : memref<10000x128xf32, #tpu.memory_space<hbm>>) dst(%dma_wait3A_152 : memref<40x128xf32, #tpu.memory_space<vmem>>)
    %dma_start3A_160 = arith.constant 5 : i32
    %dma_start3A_161 = arith.constant 5 : i32
    %dma_start3A_162 = arith.constant 0 : i32
    %dma_start3A_163 = arith.constant 0 : i32
    %dma_start3A_164 = tpu.memref_slice %arg8[%dma_start3A_160, %dma_start3A_162, %dma_start3A_163] : memref<6x40x128xf32, #tpu.memory_space<vmem>> -> memref<1x40x128xf32, #tpu.memory_space<vmem>>
    %dma_start3A_165 = tpu.memref_squeeze %dma_start3A_164 : memref<1x40x128xf32, #tpu.memory_space<vmem>> -> memref<40x128xf32, #tpu.memory_space<vmem>>
    %dma_start3A_166 = arith.constant 9800 : i32
    %dma_start3A_167 = tpu.memref_slice %arg7[%dma_start3A_166] : memref<10000xi32, #tpu.memory_space<vmem>> -> memref<40xi32, #tpu.memory_space<vmem>>
    %dma_start3A_168 = arith.constant 0 : i32
    %dma_start3A_169 = arith.constant 0 : i32
    %dma_start3A_170 = tpu.memref_slice %arg9[%dma_start3A_168, %dma_start3A_169] : memref<10000x128xf32, #tpu.memory_space<vmem_shared>> -> memref<10000x128xf32, #tpu.memory_space<vmem_shared>>
    %dma_start3A_171 = tpu.memref_slice %arg11[%dma_start3A_161] : memref<6x!tpu.dma_semaphore, #tpu.memory_space<semaphore_mem>> -> memref<1x!tpu.dma_semaphore, #tpu.memory_space<semaphore_mem>>
    %dma_start3A_172 = tpu.memref_squeeze %dma_start3A_171 : memref<1x!tpu.dma_semaphore, #tpu.memory_space<semaphore_mem>> -> memref<!tpu.dma_semaphore, #tpu.memory_space<semaphore_mem>>
    tpu.enqueue_indirect_dma source(%dma_start3A_165 : memref<40x128xf32, #tpu.memory_space<vmem>>) target(%dma_start3A_170 : memref<10000x128xf32, #tpu.memory_space<vmem_shared>>) offsets(%dma_start3A_167 : memref<40xi32, #tpu.memory_space<vmem>>) semaphore(%dma_start3A_172 : memref<!tpu.dma_semaphore, #tpu.memory_space<semaphore_mem>>) {add = true}
    %dma_wait3A_173 = arith.constant 0 : i32
    %dma_wait3A_174 = arith.constant 0 : i32
    %dma_wait3A_175 = arith.constant 0 : i32
    %dma_wait3A_176 = arith.constant 0 : i32
    %dma_wait3A_177 = tpu.memref_slice %arg8[%dma_wait3A_173, %dma_wait3A_175, %dma_wait3A_176] : memref<6x40x128xf32, #tpu.memory_space<vmem>> -> memref<1x40x128xf32, #tpu.memory_space<vmem>>
    %dma_wait3A_178 = tpu.memref_squeeze %dma_wait3A_177 : memref<1x40x128xf32, #tpu.memory_space<vmem>> -> memref<40x128xf32, #tpu.memory_space<vmem>>
    %dma_wait3A_179 = arith.constant 9600 : i32
    %dma_wait3A_180 = tpu.memref_slice %arg7[%dma_wait3A_179] : memref<10000xi32, #tpu.memory_space<vmem>> -> memref<40xi32, #tpu.memory_space<vmem>>
    %dma_wait3A_181 = arith.constant 0 : i32
    %dma_wait3A_182 = arith.constant 0 : i32
    %dma_wait3A_183 = tpu.memref_slice %arg9[%dma_wait3A_181, %dma_wait3A_182] : memref<10000x128xf32, #tpu.memory_space<vmem_shared>> -> memref<10000x128xf32, #tpu.memory_space<vmem_shared>>
    %dma_wait3A_184 = tpu.memref_slice %arg11[%dma_wait3A_174] : memref<6x!tpu.dma_semaphore, #tpu.memory_space<semaphore_mem>> -> memref<1x!tpu.dma_semaphore, #tpu.memory_space<semaphore_mem>>
    %dma_wait3A_185 = tpu.memref_squeeze %dma_wait3A_184 : memref<1x!tpu.dma_semaphore, #tpu.memory_space<semaphore_mem>> -> memref<!tpu.dma_semaphore, #tpu.memory_space<semaphore_mem>>
    tpu.wait_indirect_dma semaphore(%dma_wait3A_185 : memref<!tpu.dma_semaphore, #tpu.memory_space<semaphore_mem>>) src(%dma_wait3A_178 : memref<40x128xf32, #tpu.memory_space<vmem>>) dst(%dma_wait3A_183 : memref<10000x128xf32, #tpu.memory_space<vmem_shared>>)
    %dma_start3A_186 = arith.constant 0 : i32
    %dma_start3A_187 = arith.constant 0 : i32
    %dma_start3A_188 = arith.constant 0 : i32
    %dma_start3A_189 = arith.constant 0 : i32
    %dma_start3A_190 = tpu.memref_slice %arg8[%dma_start3A_186, %dma_start3A_188, %dma_start3A_189] : memref<6x40x128xf32, #tpu.memory_space<vmem>> -> memref<1x40x128xf32, #tpu.memory_space<vmem>>
    %dma_start3A_191 = tpu.memref_squeeze %dma_start3A_190 : memref<1x40x128xf32, #tpu.memory_space<vmem>> -> memref<40x128xf32, #tpu.memory_space<vmem>>
    %dma_start3A_192 = arith.constant 9840 : i32
    %dma_start3A_193 = tpu.memref_slice %arg6[%dma_start3A_192] : memref<10000xi32, #tpu.memory_space<vmem>> -> memref<40xi32, #tpu.memory_space<vmem>>
    %dma_start3A_194 = arith.constant 0 : i32
    %dma_start3A_195 = arith.constant 0 : i32
    %dma_start3A_196 = tpu.memref_slice %arg2[%dma_start3A_194, %dma_start3A_195] : memref<10000x128xf32, #tpu.memory_space<hbm>> -> memref<10000x128xf32, #tpu.memory_space<hbm>>
    %dma_start3A_197 = tpu.memref_slice %arg10[%dma_start3A_187] : memref<6x!tpu.dma_semaphore, #tpu.memory_space<semaphore_mem>> -> memref<1x!tpu.dma_semaphore, #tpu.memory_space<semaphore_mem>>
    %dma_start3A_198 = tpu.memref_squeeze %dma_start3A_197 : memref<1x!tpu.dma_semaphore, #tpu.memory_space<semaphore_mem>> -> memref<!tpu.dma_semaphore, #tpu.memory_space<semaphore_mem>>
    tpu.enqueue_indirect_dma source(%dma_start3A_196 : memref<10000x128xf32, #tpu.memory_space<hbm>>) target(%dma_start3A_191 : memref<40x128xf32, #tpu.memory_space<vmem>>) offsets(%dma_start3A_193 : memref<40xi32, #tpu.memory_space<vmem>>) semaphore(%dma_start3A_198 : memref<!tpu.dma_semaphore, #tpu.memory_space<semaphore_mem>>)
    %dma_wait3A_199 = arith.constant 1 : i32
    %dma_wait3A_200 = arith.constant 1 : i32
    %dma_wait3A_201 = arith.constant 0 : i32
    %dma_wait3A_202 = arith.constant 0 : i32
    %dma_wait3A_203 = tpu.memref_slice %arg8[%dma_wait3A_199, %dma_wait3A_201, %dma_wait3A_202] : memref<6x40x128xf32, #tpu.memory_space<vmem>> -> memref<1x40x128xf32, #tpu.memory_space<vmem>>
    %dma_wait3A_204 = tpu.memref_squeeze %dma_wait3A_203 : memref<1x40x128xf32, #tpu.memory_space<vmem>> -> memref<40x128xf32, #tpu.memory_space<vmem>>
    %dma_wait3A_205 = arith.constant 9640 : i32
    %dma_wait3A_206 = tpu.memref_slice %arg7[%dma_wait3A_205] : memref<10000xi32, #tpu.memory_space<vmem>> -> memref<40xi32, #tpu.memory_space<vmem>>
    %dma_wait3A_207 = arith.constant 0 : i32
    %dma_wait3A_208 = arith.constant 0 : i32
    %dma_wait3A_209 = tpu.memref_slice %arg9[%dma_wait3A_207, %dma_wait3A_208] : memref<10000x128xf32, #tpu.memory_space<vmem_shared>> -> memref<10000x128xf32, #tpu.memory_space<vmem_shared>>
    %dma_wait3A_210 = tpu.memref_slice %arg11[%dma_wait3A_200] : memref<6x!tpu.dma_semaphore, #tpu.memory_space<semaphore_mem>> -> memref<1x!tpu.dma_semaphore, #tpu.memory_space<semaphore_mem>>
    %dma_wait3A_211 = tpu.memref_squeeze %dma_wait3A_210 : memref<1x!tpu.dma_semaphore, #tpu.memory_space<semaphore_mem>> -> memref<!tpu.dma_semaphore, #tpu.memory_space<semaphore_mem>>
    tpu.wait_indirect_dma semaphore(%dma_wait3A_211 : memref<!tpu.dma_semaphore, #tpu.memory_space<semaphore_mem>>) src(%dma_wait3A_204 : memref<40x128xf32, #tpu.memory_space<vmem>>) dst(%dma_wait3A_209 : memref<10000x128xf32, #tpu.memory_space<vmem_shared>>)
    %dma_start3A_212 = arith.constant 1 : i32
    %dma_start3A_213 = arith.constant 1 : i32
    %dma_start3A_214 = arith.constant 0 : i32
    %dma_start3A_215 = arith.constant 0 : i32
    %dma_start3A_216 = tpu.memref_slice %arg8[%dma_start3A_212, %dma_start3A_214, %dma_start3A_215] : memref<6x40x128xf32, #tpu.memory_space<vmem>> -> memref<1x40x128xf32, #tpu.memory_space<vmem>>
    %dma_start3A_217 = tpu.memref_squeeze %dma_start3A_216 : memref<1x40x128xf32, #tpu.memory_space<vmem>> -> memref<40x128xf32, #tpu.memory_space<vmem>>
    %dma_start3A_218 = arith.constant 9880 : i32
    %dma_start3A_219 = tpu.memref_slice %arg6[%dma_start3A_218] : memref<10000xi32, #tpu.memory_space<vmem>> -> memref<40xi32, #tpu.memory_space<vmem>>
    %dma_start3A_220 = arith.constant 0 : i32
    %dma_start3A_221 = arith.constant 0 : i32
    %dma_start3A_222 = tpu.memref_slice %arg2[%dma_start3A_220, %dma_start3A_221] : memref<10000x128xf32, #tpu.memory_space<hbm>> -> memref<10000x128xf32, #tpu.memory_space<hbm>>
    %dma_start3A_223 = tpu.memref_slice %arg10[%dma_start3A_213] : memref<6x!tpu.dma_semaphore, #tpu.memory_space<semaphore_mem>> -> memref<1x!tpu.dma_semaphore, #tpu.memory_space<semaphore_mem>>
    %dma_start3A_224 = tpu.memref_squeeze %dma_start3A_223 : memref<1x!tpu.dma_semaphore, #tpu.memory_space<semaphore_mem>> -> memref<!tpu.dma_semaphore, #tpu.memory_space<semaphore_mem>>
    tpu.enqueue_indirect_dma source(%dma_start3A_222 : memref<10000x128xf32, #tpu.memory_space<hbm>>) target(%dma_start3A_217 : memref<40x128xf32, #tpu.memory_space<vmem>>) offsets(%dma_start3A_219 : memref<40xi32, #tpu.memory_space<vmem>>) semaphore(%dma_start3A_224 : memref<!tpu.dma_semaphore, #tpu.memory_space<semaphore_mem>>)
    %dma_wait3A_225 = arith.constant 2 : i32
    %dma_wait3A_226 = arith.constant 2 : i32
    %dma_wait3A_227 = arith.constant 0 : i32
    %dma_wait3A_228 = arith.constant 0 : i32
    %dma_wait3A_229 = tpu.memref_slice %arg8[%dma_wait3A_225, %dma_wait3A_227, %dma_wait3A_228] : memref<6x40x128xf32, #tpu.memory_space<vmem>> -> memref<1x40x128xf32, #tpu.memory_space<vmem>>
    %dma_wait3A_230 = tpu.memref_squeeze %dma_wait3A_229 : memref<1x40x128xf32, #tpu.memory_space<vmem>> -> memref<40x128xf32, #tpu.memory_space<vmem>>
    %dma_wait3A_231 = arith.constant 9680 : i32
    %dma_wait3A_232 = tpu.memref_slice %arg7[%dma_wait3A_231] : memref<10000xi32, #tpu.memory_space<vmem>> -> memref<40xi32, #tpu.memory_space<vmem>>
    %dma_wait3A_233 = arith.constant 0 : i32
    %dma_wait3A_234 = arith.constant 0 : i32
    %dma_wait3A_235 = tpu.memref_slice %arg9[%dma_wait3A_233, %dma_wait3A_234] : memref<10000x128xf32, #tpu.memory_space<vmem_shared>> -> memref<10000x128xf32, #tpu.memory_space<vmem_shared>>
    %dma_wait3A_236 = tpu.memref_slice %arg11[%dma_wait3A_226] : memref<6x!tpu.dma_semaphore, #tpu.memory_space<semaphore_mem>> -> memref<1x!tpu.dma_semaphore, #tpu.memory_space<semaphore_mem>>
    %dma_wait3A_237 = tpu.memref_squeeze %dma_wait3A_236 : memref<1x!tpu.dma_semaphore, #tpu.memory_space<semaphore_mem>> -> memref<!tpu.dma_semaphore, #tpu.memory_space<semaphore_mem>>
    tpu.wait_indirect_dma semaphore(%dma_wait3A_237 : memref<!tpu.dma_semaphore, #tpu.memory_space<semaphore_mem>>) src(%dma_wait3A_230 : memref<40x128xf32, #tpu.memory_space<vmem>>) dst(%dma_wait3A_235 : memref<10000x128xf32, #tpu.memory_space<vmem_shared>>)
    %dma_start3A_238 = arith.constant 2 : i32
    %dma_start3A_239 = arith.constant 2 : i32
    %dma_start3A_240 = arith.constant 0 : i32
    %dma_start3A_241 = arith.constant 0 : i32
    %dma_start3A_242 = tpu.memref_slice %arg8[%dma_start3A_238, %dma_start3A_240, %dma_start3A_241] : memref<6x40x128xf32, #tpu.memory_space<vmem>> -> memref<1x40x128xf32, #tpu.memory_space<vmem>>
    %dma_start3A_243 = tpu.memref_squeeze %dma_start3A_242 : memref<1x40x128xf32, #tpu.memory_space<vmem>> -> memref<40x128xf32, #tpu.memory_space<vmem>>
    %dma_start3A_244 = arith.constant 9920 : i32
    %dma_start3A_245 = tpu.memref_slice %arg6[%dma_start3A_244] : memref<10000xi32, #tpu.memory_space<vmem>> -> memref<40xi32, #tpu.memory_space<vmem>>
    %dma_start3A_246 = arith.constant 0 : i32
    %dma_start3A_247 = arith.constant 0 : i32
    %dma_start3A_248 = tpu.memref_slice %arg2[%dma_start3A_246, %dma_start3A_247] : memref<10000x128xf32, #tpu.memory_space<hbm>> -> memref<10000x128xf32, #tpu.memory_space<hbm>>
    %dma_start3A_249 = tpu.memref_slice %arg10[%dma_start3A_239] : memref<6x!tpu.dma_semaphore, #tpu.memory_space<semaphore_mem>> -> memref<1x!tpu.dma_semaphore, #tpu.memory_space<semaphore_mem>>
    %dma_start3A_250 = tpu.memref_squeeze %dma_start3A_249 : memref<1x!tpu.dma_semaphore, #tpu.memory_space<semaphore_mem>> -> memref<!tpu.dma_semaphore, #tpu.memory_space<semaphore_mem>>
    tpu.enqueue_indirect_dma source(%dma_start3A_248 : memref<10000x128xf32, #tpu.memory_space<hbm>>) target(%dma_start3A_243 : memref<40x128xf32, #tpu.memory_space<vmem>>) offsets(%dma_start3A_245 : memref<40xi32, #tpu.memory_space<vmem>>) semaphore(%dma_start3A_250 : memref<!tpu.dma_semaphore, #tpu.memory_space<semaphore_mem>>)
    %dma_wait3A_251 = arith.constant 3 : i32
    %dma_wait3A_252 = arith.constant 3 : i32
    %dma_wait3A_253 = arith.constant 0 : i32
    %dma_wait3A_254 = arith.constant 0 : i32
    %dma_wait3A_255 = tpu.memref_slice %arg8[%dma_wait3A_251, %dma_wait3A_253, %dma_wait3A_254] : memref<6x40x128xf32, #tpu.memory_space<vmem>> -> memref<1x40x128xf32, #tpu.memory_space<vmem>>
    %dma_wait3A_256 = tpu.memref_squeeze %dma_wait3A_255 : memref<1x40x128xf32, #tpu.memory_space<vmem>> -> memref<40x128xf32, #tpu.memory_space<vmem>>
    %dma_wait3A_257 = arith.constant 9720 : i32
    %dma_wait3A_258 = tpu.memref_slice %arg7[%dma_wait3A_257] : memref<10000xi32, #tpu.memory_space<vmem>> -> memref<40xi32, #tpu.memory_space<vmem>>
    %dma_wait3A_259 = arith.constant 0 : i32
    %dma_wait3A_260 = arith.constant 0 : i32
    %dma_wait3A_261 = tpu.memref_slice %arg9[%dma_wait3A_259, %dma_wait3A_260] : memref<10000x128xf32, #tpu.memory_space<vmem_shared>> -> memref<10000x128xf32, #tpu.memory_space<vmem_shared>>
    %dma_wait3A_262 = tpu.memref_slice %arg11[%dma_wait3A_252] : memref<6x!tpu.dma_semaphore, #tpu.memory_space<semaphore_mem>> -> memref<1x!tpu.dma_semaphore, #tpu.memory_space<semaphore_mem>>
    %dma_wait3A_263 = tpu.memref_squeeze %dma_wait3A_262 : memref<1x!tpu.dma_semaphore, #tpu.memory_space<semaphore_mem>> -> memref<!tpu.dma_semaphore, #tpu.memory_space<semaphore_mem>>
    tpu.wait_indirect_dma semaphore(%dma_wait3A_263 : memref<!tpu.dma_semaphore, #tpu.memory_space<semaphore_mem>>) src(%dma_wait3A_256 : memref<40x128xf32, #tpu.memory_space<vmem>>) dst(%dma_wait3A_261 : memref<10000x128xf32, #tpu.memory_space<vmem_shared>>)
    %dma_start3A_264 = arith.constant 3 : i32
    %dma_start3A_265 = arith.constant 3 : i32
    %dma_start3A_266 = arith.constant 0 : i32
    %dma_start3A_267 = arith.constant 0 : i32
    %dma_start3A_268 = tpu.memref_slice %arg8[%dma_start3A_264, %dma_start3A_266, %dma_start3A_267] : memref<6x40x128xf32, #tpu.memory_space<vmem>> -> memref<1x40x128xf32, #tpu.memory_space<vmem>>
    %dma_start3A_269 = tpu.memref_squeeze %dma_start3A_268 : memref<1x40x128xf32, #tpu.memory_space<vmem>> -> memref<40x128xf32, #tpu.memory_space<vmem>>
    %dma_start3A_270 = arith.constant 9960 : i32
    %dma_start3A_271 = tpu.memref_slice %arg6[%dma_start3A_270] : memref<10000xi32, #tpu.memory_space<vmem>> -> memref<40xi32, #tpu.memory_space<vmem>>
    %dma_start3A_272 = arith.constant 0 : i32
    %dma_start3A_273 = arith.constant 0 : i32
    %dma_start3A_274 = tpu.memref_slice %arg2[%dma_start3A_272, %dma_start3A_273] : memref<10000x128xf32, #tpu.memory_space<hbm>> -> memref<10000x128xf32, #tpu.memory_space<hbm>>
    %dma_start3A_275 = tpu.memref_slice %arg10[%dma_start3A_265] : memref<6x!tpu.dma_semaphore, #tpu.memory_space<semaphore_mem>> -> memref<1x!tpu.dma_semaphore, #tpu.memory_space<semaphore_mem>>
    %dma_start3A_276 = tpu.memref_squeeze %dma_start3A_275 : memref<1x!tpu.dma_semaphore, #tpu.memory_space<semaphore_mem>> -> memref<!tpu.dma_semaphore, #tpu.memory_space<semaphore_mem>>
    tpu.enqueue_indirect_dma source(%dma_start3A_274 : memref<10000x128xf32, #tpu.memory_space<hbm>>) target(%dma_start3A_269 : memref<40x128xf32, #tpu.memory_space<vmem>>) offsets(%dma_start3A_271 : memref<40xi32, #tpu.memory_space<vmem>>) semaphore(%dma_start3A_276 : memref<!tpu.dma_semaphore, #tpu.memory_space<semaphore_mem>>)
    %dma_wait3A_277 = arith.constant 0 : i32
    %dma_wait3A_278 = arith.constant 0 : i32
    %dma_wait3A_279 = arith.constant 0 : i32
    %dma_wait3A_280 = arith.constant 0 : i32
    %dma_wait3A_281 = tpu.memref_slice %arg8[%dma_wait3A_277, %dma_wait3A_279, %dma_wait3A_280] : memref<6x40x128xf32, #tpu.memory_space<vmem>> -> memref<1x40x128xf32, #tpu.memory_space<vmem>>
    %dma_wait3A_282 = tpu.memref_squeeze %dma_wait3A_281 : memref<1x40x128xf32, #tpu.memory_space<vmem>> -> memref<40x128xf32, #tpu.memory_space<vmem>>
    %dma_wait3A_283 = arith.constant 9840 : i32
    %dma_wait3A_284 = tpu.memref_slice %arg6[%dma_wait3A_283] : memref<10000xi32, #tpu.memory_space<vmem>> -> memref<40xi32, #tpu.memory_space<vmem>>
    %dma_wait3A_285 = arith.constant 0 : i32
    %dma_wait3A_286 = arith.constant 0 : i32
    %dma_wait3A_287 = tpu.memref_slice %arg2[%dma_wait3A_285, %dma_wait3A_286] : memref<10000x128xf32, #tpu.memory_space<hbm>> -> memref<10000x128xf32, #tpu.memory_space<hbm>>
    %dma_wait3A_288 = tpu.memref_slice %arg10[%dma_wait3A_278] : memref<6x!tpu.dma_semaphore, #tpu.memory_space<semaphore_mem>> -> memref<1x!tpu.dma_semaphore, #tpu.memory_space<semaphore_mem>>
    %dma_wait3A_289 = tpu.memref_squeeze %dma_wait3A_288 : memref<1x!tpu.dma_semaphore, #tpu.memory_space<semaphore_mem>> -> memref<!tpu.dma_semaphore, #tpu.memory_space<semaphore_mem>>
    tpu.wait_indirect_dma semaphore(%dma_wait3A_289 : memref<!tpu.dma_semaphore, #tpu.memory_space<semaphore_mem>>) src(%dma_wait3A_287 : memref<10000x128xf32, #tpu.memory_space<hbm>>) dst(%dma_wait3A_282 : memref<40x128xf32, #tpu.memory_space<vmem>>)
    %dma_start3A_290 = arith.constant 0 : i32
    %dma_start3A_291 = arith.constant 0 : i32
    %dma_start3A_292 = arith.constant 0 : i32
    %dma_start3A_293 = arith.constant 0 : i32
    %dma_start3A_294 = tpu.memref_slice %arg8[%dma_start3A_290, %dma_start3A_292, %dma_start3A_293] : memref<6x40x128xf32, #tpu.memory_space<vmem>> -> memref<1x40x128xf32, #tpu.memory_space<vmem>>
    %dma_start3A_295 = tpu.memref_squeeze %dma_start3A_294 : memref<1x40x128xf32, #tpu.memory_space<vmem>> -> memref<40x128xf32, #tpu.memory_space<vmem>>
    %dma_start3A_296 = arith.constant 9840 : i32
    %dma_start3A_297 = tpu.memref_slice %arg7[%dma_start3A_296] : memref<10000xi32, #tpu.memory_space<vmem>> -> memref<40xi32, #tpu.memory_space<vmem>>
    %dma_start3A_298 = arith.constant 0 : i32
    %dma_start3A_299 = arith.constant 0 : i32
    %dma_start3A_300 = tpu.memref_slice %arg9[%dma_start3A_298, %dma_start3A_299] : memref<10000x128xf32, #tpu.memory_space<vmem_shared>> -> memref<10000x128xf32, #tpu.memory_space<vmem_shared>>
    %dma_start3A_301 = tpu.memref_slice %arg11[%dma_start3A_291] : memref<6x!tpu.dma_semaphore, #tpu.memory_space<semaphore_mem>> -> memref<1x!tpu.dma_semaphore, #tpu.memory_space<semaphore_mem>>
    %dma_start3A_302 = tpu.memref_squeeze %dma_start3A_301 : memref<1x!tpu.dma_semaphore, #tpu.memory_space<semaphore_mem>> -> memref<!tpu.dma_semaphore, #tpu.memory_space<semaphore_mem>>
    tpu.enqueue_indirect_dma source(%dma_start3A_295 : memref<40x128xf32, #tpu.memory_space<vmem>>) target(%dma_start3A_300 : memref<10000x128xf32, #tpu.memory_space<vmem_shared>>) offsets(%dma_start3A_297 : memref<40xi32, #tpu.memory_space<vmem>>) semaphore(%dma_start3A_302 : memref<!tpu.dma_semaphore, #tpu.memory_space<semaphore_mem>>) {add = true}
    %dma_wait3A_303 = arith.constant 1 : i32
    %dma_wait3A_304 = arith.constant 1 : i32
    %dma_wait3A_305 = arith.constant 0 : i32
    %dma_wait3A_306 = arith.constant 0 : i32
    %dma_wait3A_307 = tpu.memref_slice %arg8[%dma_wait3A_303, %dma_wait3A_305, %dma_wait3A_306] : memref<6x40x128xf32, #tpu.memory_space<vmem>> -> memref<1x40x128xf32, #tpu.memory_space<vmem>>
    %dma_wait3A_308 = tpu.memref_squeeze %dma_wait3A_307 : memref<1x40x128xf32, #tpu.memory_space<vmem>> -> memref<40x128xf32, #tpu.memory_space<vmem>>
    %dma_wait3A_309 = arith.constant 9880 : i32
    %dma_wait3A_310 = tpu.memref_slice %arg6[%dma_wait3A_309] : memref<10000xi32, #tpu.memory_space<vmem>> -> memref<40xi32, #tpu.memory_space<vmem>>
    %dma_wait3A_311 = arith.constant 0 : i32
    %dma_wait3A_312 = arith.constant 0 : i32
    %dma_wait3A_313 = tpu.memref_slice %arg2[%dma_wait3A_311, %dma_wait3A_312] : memref<10000x128xf32, #tpu.memory_space<hbm>> -> memref<10000x128xf32, #tpu.memory_space<hbm>>
    %dma_wait3A_314 = tpu.memref_slice %arg10[%dma_wait3A_304] : memref<6x!tpu.dma_semaphore, #tpu.memory_space<semaphore_mem>> -> memref<1x!tpu.dma_semaphore, #tpu.memory_space<semaphore_mem>>
    %dma_wait3A_315 = tpu.memref_squeeze %dma_wait3A_314 : memref<1x!tpu.dma_semaphore, #tpu.memory_space<semaphore_mem>> -> memref<!tpu.dma_semaphore, #tpu.memory_space<semaphore_mem>>
    tpu.wait_indirect_dma semaphore(%dma_wait3A_315 : memref<!tpu.dma_semaphore, #tpu.memory_space<semaphore_mem>>) src(%dma_wait3A_313 : memref<10000x128xf32, #tpu.memory_space<hbm>>) dst(%dma_wait3A_308 : memref<40x128xf32, #tpu.memory_space<vmem>>)
    %dma_start3A_316 = arith.constant 1 : i32
    %dma_start3A_317 = arith.constant 1 : i32
    %dma_start3A_318 = arith.constant 0 : i32
    %dma_start3A_319 = arith.constant 0 : i32
    %dma_start3A_320 = tpu.memref_slice %arg8[%dma_start3A_316, %dma_start3A_318, %dma_start3A_319] : memref<6x40x128xf32, #tpu.memory_space<vmem>> -> memref<1x40x128xf32, #tpu.memory_space<vmem>>
    %dma_start3A_321 = tpu.memref_squeeze %dma_start3A_320 : memref<1x40x128xf32, #tpu.memory_space<vmem>> -> memref<40x128xf32, #tpu.memory_space<vmem>>
    %dma_start3A_322 = arith.constant 9880 : i32
    %dma_start3A_323 = tpu.memref_slice %arg7[%dma_start3A_322] : memref<10000xi32, #tpu.memory_space<vmem>> -> memref<40xi32, #tpu.memory_space<vmem>>
    %dma_start3A_324 = arith.constant 0 : i32
    %dma_start3A_325 = arith.constant 0 : i32
    %dma_start3A_326 = tpu.memref_slice %arg9[%dma_start3A_324, %dma_start3A_325] : memref<10000x128xf32, #tpu.memory_space<vmem_shared>> -> memref<10000x128xf32, #tpu.memory_space<vmem_shared>>
    %dma_start3A_327 = tpu.memref_slice %arg11[%dma_start3A_317] : memref<6x!tpu.dma_semaphore, #tpu.memory_space<semaphore_mem>> -> memref<1x!tpu.dma_semaphore, #tpu.memory_space<semaphore_mem>>
    %dma_start3A_328 = tpu.memref_squeeze %dma_start3A_327 : memref<1x!tpu.dma_semaphore, #tpu.memory_space<semaphore_mem>> -> memref<!tpu.dma_semaphore, #tpu.memory_space<semaphore_mem>>
    tpu.enqueue_indirect_dma source(%dma_start3A_321 : memref<40x128xf32, #tpu.memory_space<vmem>>) target(%dma_start3A_326 : memref<10000x128xf32, #tpu.memory_space<vmem_shared>>) offsets(%dma_start3A_323 : memref<40xi32, #tpu.memory_space<vmem>>) semaphore(%dma_start3A_328 : memref<!tpu.dma_semaphore, #tpu.memory_space<semaphore_mem>>) {add = true}
    %dma_wait3A_329 = arith.constant 2 : i32
    %dma_wait3A_330 = arith.constant 2 : i32
    %dma_wait3A_331 = arith.constant 0 : i32
    %dma_wait3A_332 = arith.constant 0 : i32
    %dma_wait3A_333 = tpu.memref_slice %arg8[%dma_wait3A_329, %dma_wait3A_331, %dma_wait3A_332] : memref<6x40x128xf32, #tpu.memory_space<vmem>> -> memref<1x40x128xf32, #tpu.memory_space<vmem>>
    %dma_wait3A_334 = tpu.memref_squeeze %dma_wait3A_333 : memref<1x40x128xf32, #tpu.memory_space<vmem>> -> memref<40x128xf32, #tpu.memory_space<vmem>>
    %dma_wait3A_335 = arith.constant 9920 : i32
    %dma_wait3A_336 = tpu.memref_slice %arg6[%dma_wait3A_335] : memref<10000xi32, #tpu.memory_space<vmem>> -> memref<40xi32, #tpu.memory_space<vmem>>
    %dma_wait3A_337 = arith.constant 0 : i32
    %dma_wait3A_338 = arith.constant 0 : i32
    %dma_wait3A_339 = tpu.memref_slice %arg2[%dma_wait3A_337, %dma_wait3A_338] : memref<10000x128xf32, #tpu.memory_space<hbm>> -> memref<10000x128xf32, #tpu.memory_space<hbm>>
    %dma_wait3A_340 = tpu.memref_slice %arg10[%dma_wait3A_330] : memref<6x!tpu.dma_semaphore, #tpu.memory_space<semaphore_mem>> -> memref<1x!tpu.dma_semaphore, #tpu.memory_space<semaphore_mem>>
    %dma_wait3A_341 = tpu.memref_squeeze %dma_wait3A_340 : memref<1x!tpu.dma_semaphore, #tpu.memory_space<semaphore_mem>> -> memref<!tpu.dma_semaphore, #tpu.memory_space<semaphore_mem>>
    tpu.wait_indirect_dma semaphore(%dma_wait3A_341 : memref<!tpu.dma_semaphore, #tpu.memory_space<semaphore_mem>>) src(%dma_wait3A_339 : memref<10000x128xf32, #tpu.memory_space<hbm>>) dst(%dma_wait3A_334 : memref<40x128xf32, #tpu.memory_space<vmem>>)
    %dma_start3A_342 = arith.constant 2 : i32
    %dma_start3A_343 = arith.constant 2 : i32
    %dma_start3A_344 = arith.constant 0 : i32
    %dma_start3A_345 = arith.constant 0 : i32
    %dma_start3A_346 = tpu.memref_slice %arg8[%dma_start3A_342, %dma_start3A_344, %dma_start3A_345] : memref<6x40x128xf32, #tpu.memory_space<vmem>> -> memref<1x40x128xf32, #tpu.memory_space<vmem>>
    %dma_start3A_347 = tpu.memref_squeeze %dma_start3A_346 : memref<1x40x128xf32, #tpu.memory_space<vmem>> -> memref<40x128xf32, #tpu.memory_space<vmem>>
    %dma_start3A_348 = arith.constant 9920 : i32
    %dma_start3A_349 = tpu.memref_slice %arg7[%dma_start3A_348] : memref<10000xi32, #tpu.memory_space<vmem>> -> memref<40xi32, #tpu.memory_space<vmem>>
    %dma_start3A_350 = arith.constant 0 : i32
    %dma_start3A_351 = arith.constant 0 : i32
    %dma_start3A_352 = tpu.memref_slice %arg9[%dma_start3A_350, %dma_start3A_351] : memref<10000x128xf32, #tpu.memory_space<vmem_shared>> -> memref<10000x128xf32, #tpu.memory_space<vmem_shared>>
    %dma_start3A_353 = tpu.memref_slice %arg11[%dma_start3A_343] : memref<6x!tpu.dma_semaphore, #tpu.memory_space<semaphore_mem>> -> memref<1x!tpu.dma_semaphore, #tpu.memory_space<semaphore_mem>>
    %dma_start3A_354 = tpu.memref_squeeze %dma_start3A_353 : memref<1x!tpu.dma_semaphore, #tpu.memory_space<semaphore_mem>> -> memref<!tpu.dma_semaphore, #tpu.memory_space<semaphore_mem>>
    tpu.enqueue_indirect_dma source(%dma_start3A_347 : memref<40x128xf32, #tpu.memory_space<vmem>>) target(%dma_start3A_352 : memref<10000x128xf32, #tpu.memory_space<vmem_shared>>) offsets(%dma_start3A_349 : memref<40xi32, #tpu.memory_space<vmem>>) semaphore(%dma_start3A_354 : memref<!tpu.dma_semaphore, #tpu.memory_space<semaphore_mem>>) {add = true}
    %dma_wait3A_355 = arith.constant 3 : i32
    %dma_wait3A_356 = arith.constant 3 : i32
    %dma_wait3A_357 = arith.constant 0 : i32
    %dma_wait3A_358 = arith.constant 0 : i32
    %dma_wait3A_359 = tpu.memref_slice %arg8[%dma_wait3A_355, %dma_wait3A_357, %dma_wait3A_358] : memref<6x40x128xf32, #tpu.memory_space<vmem>> -> memref<1x40x128xf32, #tpu.memory_space<vmem>>
    %dma_wait3A_360 = tpu.memref_squeeze %dma_wait3A_359 : memref<1x40x128xf32, #tpu.memory_space<vmem>> -> memref<40x128xf32, #tpu.memory_space<vmem>>
    %dma_wait3A_361 = arith.constant 9960 : i32
    %dma_wait3A_362 = tpu.memref_slice %arg6[%dma_wait3A_361] : memref<10000xi32, #tpu.memory_space<vmem>> -> memref<40xi32, #tpu.memory_space<vmem>>
    %dma_wait3A_363 = arith.constant 0 : i32
    %dma_wait3A_364 = arith.constant 0 : i32
    %dma_wait3A_365 = tpu.memref_slice %arg2[%dma_wait3A_363, %dma_wait3A_364] : memref<10000x128xf32, #tpu.memory_space<hbm>> -> memref<10000x128xf32, #tpu.memory_space<hbm>>
    %dma_wait3A_366 = tpu.memref_slice %arg10[%dma_wait3A_356] : memref<6x!tpu.dma_semaphore, #tpu.memory_space<semaphore_mem>> -> memref<1x!tpu.dma_semaphore, #tpu.memory_space<semaphore_mem>>
    %dma_wait3A_367 = tpu.memref_squeeze %dma_wait3A_366 : memref<1x!tpu.dma_semaphore, #tpu.memory_space<semaphore_mem>> -> memref<!tpu.dma_semaphore, #tpu.memory_space<semaphore_mem>>
    tpu.wait_indirect_dma semaphore(%dma_wait3A_367 : memref<!tpu.dma_semaphore, #tpu.memory_space<semaphore_mem>>) src(%dma_wait3A_365 : memref<10000x128xf32, #tpu.memory_space<hbm>>) dst(%dma_wait3A_360 : memref<40x128xf32, #tpu.memory_space<vmem>>)
    %dma_start3A_368 = arith.constant 3 : i32
    %dma_start3A_369 = arith.constant 3 : i32
    %dma_start3A_370 = arith.constant 0 : i32
    %dma_start3A_371 = arith.constant 0 : i32
    %dma_start3A_372 = tpu.memref_slice %arg8[%dma_start3A_368, %dma_start3A_370, %dma_start3A_371] : memref<6x40x128xf32, #tpu.memory_space<vmem>> -> memref<1x40x128xf32, #tpu.memory_space<vmem>>
    %dma_start3A_373 = tpu.memref_squeeze %dma_start3A_372 : memref<1x40x128xf32, #tpu.memory_space<vmem>> -> memref<40x128xf32, #tpu.memory_space<vmem>>
    %dma_start3A_374 = arith.constant 9960 : i32
    %dma_start3A_375 = tpu.memref_slice %arg7[%dma_start3A_374] : memref<10000xi32, #tpu.memory_space<vmem>> -> memref<40xi32, #tpu.memory_space<vmem>>
    %dma_start3A_376 = arith.constant 0 : i32
    %dma_start3A_377 = arith.constant 0 : i32
    %dma_start3A_378 = tpu.memref_slice %arg9[%dma_start3A_376, %dma_start3A_377] : memref<10000x128xf32, #tpu.memory_space<vmem_shared>> -> memref<10000x128xf32, #tpu.memory_space<vmem_shared>>
    %dma_start3A_379 = tpu.memref_slice %arg11[%dma_start3A_369] : memref<6x!tpu.dma_semaphore, #tpu.memory_space<semaphore_mem>> -> memref<1x!tpu.dma_semaphore, #tpu.memory_space<semaphore_mem>>
    %dma_start3A_380 = tpu.memref_squeeze %dma_start3A_379 : memref<1x!tpu.dma_semaphore, #tpu.memory_space<semaphore_mem>> -> memref<!tpu.dma_semaphore, #tpu.memory_space<semaphore_mem>>
    tpu.enqueue_indirect_dma source(%dma_start3A_373 : memref<40x128xf32, #tpu.memory_space<vmem>>) target(%dma_start3A_378 : memref<10000x128xf32, #tpu.memory_space<vmem_shared>>) offsets(%dma_start3A_375 : memref<40xi32, #tpu.memory_space<vmem>>) semaphore(%dma_start3A_380 : memref<!tpu.dma_semaphore, #tpu.memory_space<semaphore_mem>>) {add = true}
    %dma_wait3A_381 = arith.constant 4 : i32
    %dma_wait3A_382 = arith.constant 4 : i32
    %dma_wait3A_383 = arith.constant 0 : i32
    %dma_wait3A_384 = arith.constant 0 : i32
    %dma_wait3A_385 = tpu.memref_slice %arg8[%dma_wait3A_381, %dma_wait3A_383, %dma_wait3A_384] : memref<6x40x128xf32, #tpu.memory_space<vmem>> -> memref<1x40x128xf32, #tpu.memory_space<vmem>>
    %dma_wait3A_386 = tpu.memref_squeeze %dma_wait3A_385 : memref<1x40x128xf32, #tpu.memory_space<vmem>> -> memref<40x128xf32, #tpu.memory_space<vmem>>
    %dma_wait3A_387 = arith.constant 9760 : i32
    %dma_wait3A_388 = tpu.memref_slice %arg7[%dma_wait3A_387] : memref<10000xi32, #tpu.memory_space<vmem>> -> memref<40xi32, #tpu.memory_space<vmem>>
    %dma_wait3A_389 = arith.constant 0 : i32
    %dma_wait3A_390 = arith.constant 0 : i32
    %dma_wait3A_391 = tpu.memref_slice %arg9[%dma_wait3A_389, %dma_wait3A_390] : memref<10000x128xf32, #tpu.memory_space<vmem_shared>> -> memref<10000x128xf32, #tpu.memory_space<vmem_shared>>
    %dma_wait3A_392 = tpu.memref_slice %arg11[%dma_wait3A_382] : memref<6x!tpu.dma_semaphore, #tpu.memory_space<semaphore_mem>> -> memref<1x!tpu.dma_semaphore, #tpu.memory_space<semaphore_mem>>
    %dma_wait3A_393 = tpu.memref_squeeze %dma_wait3A_392 : memref<1x!tpu.dma_semaphore, #tpu.memory_space<semaphore_mem>> -> memref<!tpu.dma_semaphore, #tpu.memory_space<semaphore_mem>>
    tpu.wait_indirect_dma semaphore(%dma_wait3A_393 : memref<!tpu.dma_semaphore, #tpu.memory_space<semaphore_mem>>) src(%dma_wait3A_386 : memref<40x128xf32, #tpu.memory_space<vmem>>) dst(%dma_wait3A_391 : memref<10000x128xf32, #tpu.memory_space<vmem_shared>>)
    %dma_wait3A_394 = arith.constant 5 : i32
    %dma_wait3A_395 = arith.constant 5 : i32
    %dma_wait3A_396 = arith.constant 0 : i32
    %dma_wait3A_397 = arith.constant 0 : i32
    %dma_wait3A_398 = tpu.memref_slice %arg8[%dma_wait3A_394, %dma_wait3A_396, %dma_wait3A_397] : memref<6x40x128xf32, #tpu.memory_space<vmem>> -> memref<1x40x128xf32, #tpu.memory_space<vmem>>
    %dma_wait3A_399 = tpu.memref_squeeze %dma_wait3A_398 : memref<1x40x128xf32, #tpu.memory_space<vmem>> -> memref<40x128xf32, #tpu.memory_space<vmem>>
    %dma_wait3A_400 = arith.constant 9800 : i32
    %dma_wait3A_401 = tpu.memref_slice %arg7[%dma_wait3A_400] : memref<10000xi32, #tpu.memory_space<vmem>> -> memref<40xi32, #tpu.memory_space<vmem>>
    %dma_wait3A_402 = arith.constant 0 : i32
    %dma_wait3A_403 = arith.constant 0 : i32
    %dma_wait3A_404 = tpu.memref_slice %arg9[%dma_wait3A_402, %dma_wait3A_403] : memref<10000x128xf32, #tpu.memory_space<vmem_shared>> -> memref<10000x128xf32, #tpu.memory_space<vmem_shared>>
    %dma_wait3A_405 = tpu.memref_slice %arg11[%dma_wait3A_395] : memref<6x!tpu.dma_semaphore, #tpu.memory_space<semaphore_mem>> -> memref<1x!tpu.dma_semaphore, #tpu.memory_space<semaphore_mem>>
    %dma_wait3A_406 = tpu.memref_squeeze %dma_wait3A_405 : memref<1x!tpu.dma_semaphore, #tpu.memory_space<semaphore_mem>> -> memref<!tpu.dma_semaphore, #tpu.memory_space<semaphore_mem>>
    tpu.wait_indirect_dma semaphore(%dma_wait3A_406 : memref<!tpu.dma_semaphore, #tpu.memory_space<semaphore_mem>>) src(%dma_wait3A_399 : memref<40x128xf32, #tpu.memory_space<vmem>>) dst(%dma_wait3A_404 : memref<10000x128xf32, #tpu.memory_space<vmem_shared>>)
    %dma_wait3A_407 = arith.constant 0 : i32
    %dma_wait3A_408 = arith.constant 0 : i32
    %dma_wait3A_409 = arith.constant 0 : i32
    %dma_wait3A_410 = arith.constant 0 : i32
    %dma_wait3A_411 = tpu.memref_slice %arg8[%dma_wait3A_407, %dma_wait3A_409, %dma_wait3A_410] : memref<6x40x128xf32, #tpu.memory_space<vmem>> -> memref<1x40x128xf32, #tpu.memory_space<vmem>>
    %dma_wait3A_412 = tpu.memref_squeeze %dma_wait3A_411 : memref<1x40x128xf32, #tpu.memory_space<vmem>> -> memref<40x128xf32, #tpu.memory_space<vmem>>
    %dma_wait3A_413 = arith.constant 9840 : i32
    %dma_wait3A_414 = tpu.memref_slice %arg7[%dma_wait3A_413] : memref<10000xi32, #tpu.memory_space<vmem>> -> memref<40xi32, #tpu.memory_space<vmem>>
    %dma_wait3A_415 = arith.constant 0 : i32
    %dma_wait3A_416 = arith.constant 0 : i32
    %dma_wait3A_417 = tpu.memref_slice %arg9[%dma_wait3A_415, %dma_wait3A_416] : memref<10000x128xf32, #tpu.memory_space<vmem_shared>> -> memref<10000x128xf32, #tpu.memory_space<vmem_shared>>
    %dma_wait3A_418 = tpu.memref_slice %arg11[%dma_wait3A_408] : memref<6x!tpu.dma_semaphore, #tpu.memory_space<semaphore_mem>> -> memref<1x!tpu.dma_semaphore, #tpu.memory_space<semaphore_mem>>
    %dma_wait3A_419 = tpu.memref_squeeze %dma_wait3A_418 : memref<1x!tpu.dma_semaphore, #tpu.memory_space<semaphore_mem>> -> memref<!tpu.dma_semaphore, #tpu.memory_space<semaphore_mem>>
    tpu.wait_indirect_dma semaphore(%dma_wait3A_419 : memref<!tpu.dma_semaphore, #tpu.memory_space<semaphore_mem>>) src(%dma_wait3A_412 : memref<40x128xf32, #tpu.memory_space<vmem>>) dst(%dma_wait3A_417 : memref<10000x128xf32, #tpu.memory_space<vmem_shared>>)
    %dma_wait3A_420 = arith.constant 1 : i32
    %dma_wait3A_421 = arith.constant 1 : i32
    %dma_wait3A_422 = arith.constant 0 : i32
    %dma_wait3A_423 = arith.constant 0 : i32
    %dma_wait3A_424 = tpu.memref_slice %arg8[%dma_wait3A_420, %dma_wait3A_422, %dma_wait3A_423] : memref<6x40x128xf32, #tpu.memory_space<vmem>> -> memref<1x40x128xf32, #tpu.memory_space<vmem>>
    %dma_wait3A_425 = tpu.memref_squeeze %dma_wait3A_424 : memref<1x40x128xf32, #tpu.memory_space<vmem>> -> memref<40x128xf32, #tpu.memory_space<vmem>>
    %dma_wait3A_426 = arith.constant 9880 : i32
    %dma_wait3A_427 = tpu.memref_slice %arg7[%dma_wait3A_426] : memref<10000xi32, #tpu.memory_space<vmem>> -> memref<40xi32, #tpu.memory_space<vmem>>
    %dma_wait3A_428 = arith.constant 0 : i32
    %dma_wait3A_429 = arith.constant 0 : i32
    %dma_wait3A_430 = tpu.memref_slice %arg9[%dma_wait3A_428, %dma_wait3A_429] : memref<10000x128xf32, #tpu.memory_space<vmem_shared>> -> memref<10000x128xf32, #tpu.memory_space<vmem_shared>>
    %dma_wait3A_431 = tpu.memref_slice %arg11[%dma_wait3A_421] : memref<6x!tpu.dma_semaphore, #tpu.memory_space<semaphore_mem>> -> memref<1x!tpu.dma_semaphore, #tpu.memory_space<semaphore_mem>>
    %dma_wait3A_432 = tpu.memref_squeeze %dma_wait3A_431 : memref<1x!tpu.dma_semaphore, #tpu.memory_space<semaphore_mem>> -> memref<!tpu.dma_semaphore, #tpu.memory_space<semaphore_mem>>
    tpu.wait_indirect_dma semaphore(%dma_wait3A_432 : memref<!tpu.dma_semaphore, #tpu.memory_space<semaphore_mem>>) src(%dma_wait3A_425 : memref<40x128xf32, #tpu.memory_space<vmem>>) dst(%dma_wait3A_430 : memref<10000x128xf32, #tpu.memory_space<vmem_shared>>)
    %dma_wait3A_433 = arith.constant 2 : i32
    %dma_wait3A_434 = arith.constant 2 : i32
    %dma_wait3A_435 = arith.constant 0 : i32
    %dma_wait3A_436 = arith.constant 0 : i32
    %dma_wait3A_437 = tpu.memref_slice %arg8[%dma_wait3A_433, %dma_wait3A_435, %dma_wait3A_436] : memref<6x40x128xf32, #tpu.memory_space<vmem>> -> memref<1x40x128xf32, #tpu.memory_space<vmem>>
    %dma_wait3A_438 = tpu.memref_squeeze %dma_wait3A_437 : memref<1x40x128xf32, #tpu.memory_space<vmem>> -> memref<40x128xf32, #tpu.memory_space<vmem>>
    %dma_wait3A_439 = arith.constant 9920 : i32
    %dma_wait3A_440 = tpu.memref_slice %arg7[%dma_wait3A_439] : memref<10000xi32, #tpu.memory_space<vmem>> -> memref<40xi32, #tpu.memory_space<vmem>>
    %dma_wait3A_441 = arith.constant 0 : i32
    %dma_wait3A_442 = arith.constant 0 : i32
    %dma_wait3A_443 = tpu.memref_slice %arg9[%dma_wait3A_441, %dma_wait3A_442] : memref<10000x128xf32, #tpu.memory_space<vmem_shared>> -> memref<10000x128xf32, #tpu.memory_space<vmem_shared>>
    %dma_wait3A_444 = tpu.memref_slice %arg11[%dma_wait3A_434] : memref<6x!tpu.dma_semaphore, #tpu.memory_space<semaphore_mem>> -> memref<1x!tpu.dma_semaphore, #tpu.memory_space<semaphore_mem>>
    %dma_wait3A_445 = tpu.memref_squeeze %dma_wait3A_444 : memref<1x!tpu.dma_semaphore, #tpu.memory_space<semaphore_mem>> -> memref<!tpu.dma_semaphore, #tpu.memory_space<semaphore_mem>>
    tpu.wait_indirect_dma semaphore(%dma_wait3A_445 : memref<!tpu.dma_semaphore, #tpu.memory_space<semaphore_mem>>) src(%dma_wait3A_438 : memref<40x128xf32, #tpu.memory_space<vmem>>) dst(%dma_wait3A_443 : memref<10000x128xf32, #tpu.memory_space<vmem_shared>>)
    %dma_wait3A_446 = arith.constant 3 : i32
    %dma_wait3A_447 = arith.constant 3 : i32
    %dma_wait3A_448 = arith.constant 0 : i32
    %dma_wait3A_449 = arith.constant 0 : i32
    %dma_wait3A_450 = tpu.memref_slice %arg8[%dma_wait3A_446, %dma_wait3A_448, %dma_wait3A_449] : memref<6x40x128xf32, #tpu.memory_space<vmem>> -> memref<1x40x128xf32, #tpu.memory_space<vmem>>
    %dma_wait3A_451 = tpu.memref_squeeze %dma_wait3A_450 : memref<1x40x128xf32, #tpu.memory_space<vmem>> -> memref<40x128xf32, #tpu.memory_space<vmem>>
    %dma_wait3A_452 = arith.constant 9960 : i32
    %dma_wait3A_453 = tpu.memref_slice %arg7[%dma_wait3A_452] : memref<10000xi32, #tpu.memory_space<vmem>> -> memref<40xi32, #tpu.memory_space<vmem>>
    %dma_wait3A_454 = arith.constant 0 : i32
    %dma_wait3A_455 = arith.constant 0 : i32
    %dma_wait3A_456 = tpu.memref_slice %arg9[%dma_wait3A_454, %dma_wait3A_455] : memref<10000x128xf32, #tpu.memory_space<vmem_shared>> -> memref<10000x128xf32, #tpu.memory_space<vmem_shared>>
    %dma_wait3A_457 = tpu.memref_slice %arg11[%dma_wait3A_447] : memref<6x!tpu.dma_semaphore, #tpu.memory_space<semaphore_mem>> -> memref<1x!tpu.dma_semaphore, #tpu.memory_space<semaphore_mem>>
    %dma_wait3A_458 = tpu.memref_squeeze %dma_wait3A_457 : memref<1x!tpu.dma_semaphore, #tpu.memory_space<semaphore_mem>> -> memref<!tpu.dma_semaphore, #tpu.memory_space<semaphore_mem>>
    tpu.wait_indirect_dma semaphore(%dma_wait3A_458 : memref<!tpu.dma_semaphore, #tpu.memory_space<semaphore_mem>>) src(%dma_wait3A_451 : memref<40x128xf32, #tpu.memory_space<vmem>>) dst(%dma_wait3A_456 : memref<10000x128xf32, #tpu.memory_space<vmem_shared>>)
    %barrier3A_459 = arith.constant 0 : index
    tpu.barrier barrier_id(%barrier3A_459)
    %eq3A_460 = arith.constant 0 : i32
    %eq3A_461 = arith.cmpi eq, %arg0, %eq3A_460 : i32
    %convert_element_type3A_462 = arith.extui %eq3A_461 : i1 to i32
    %cond3A_463 = arith.constant 0 : i32
    %cond3A_464 = arith.cmpi ne, %convert_element_type3A_462, %cond3A_463 : i32
    scf.if %cond3A_464 {
      "tpu.region"() ({
        %run_scoped3A = tpu.sem_alloc : memref<!tpu.dma_semaphore, #tpu.memory_space<semaphore_mem>>
        %dma_start3A_475 = arith.constant 0 : i32
        %dma_start3A_476 = tpu.memref_slice %arg4[%mul3A_2, %dma_start3A_475] : memref<10000x128xf32, #tpu.memory_space<hbm>> -> memref<624x128xf32, #tpu.memory_space<hbm>>
        %dma_start3A_477 = arith.constant 0 : i32
        %dma_start3A_478 = tpu.memref_slice %arg9[%mul3A_2, %dma_start3A_477] : memref<10000x128xf32, #tpu.memory_space<vmem_shared>> -> memref<624x128xf32, #tpu.memory_space<vmem_shared>>
        tpu.enqueue_dma source(%dma_start3A_478 : memref<624x128xf32, #tpu.memory_space<vmem_shared>>) target(%dma_start3A_476 : memref<624x128xf32, #tpu.memory_space<hbm>>) target_semaphore(%run_scoped3A : memref<!tpu.dma_semaphore, #tpu.memory_space<semaphore_mem>>)
        %dma_wait3A_479 = arith.constant 0 : i32
        %dma_wait3A_480 = tpu.memref_slice %arg4[%mul3A_2, %dma_wait3A_479] : memref<10000x128xf32, #tpu.memory_space<hbm>> -> memref<624x128xf32, #tpu.memory_space<hbm>>
        %dma_wait3A_481 = arith.constant 0 : i32
        %dma_wait3A_482 = tpu.memref_slice %arg9[%mul3A_2, %dma_wait3A_481] : memref<10000x128xf32, #tpu.memory_space<vmem_shared>> -> memref<624x128xf32, #tpu.memory_space<vmem_shared>>
        tpu.wait_dma2 semaphore(%run_scoped3A : memref<!tpu.dma_semaphore, #tpu.memory_space<semaphore_mem>>) src(%dma_wait3A_482 : memref<624x128xf32, #tpu.memory_space<vmem_shared>>) dst(%dma_wait3A_480 : memref<624x128xf32, #tpu.memory_space<hbm>>)
        tpu.yield
      }) : () -> ()
      %eq3A_470 = arith.constant 15 : i32
      %eq3A_471 = arith.cmpi eq, %arg1, %eq3A_470 : i32
      %convert_element_type3A_472 = arith.extui %eq3A_471 : i1 to i32
      %cond3A_473 = arith.constant 0 : i32
      %cond3A_474 = arith.cmpi ne, %convert_element_type3A_472, %cond3A_473 : i32
      scf.if %cond3A_474 {
        "tpu.region"() ({
          %run_scoped3A = tpu.sem_alloc : memref<!tpu.dma_semaphore, #tpu.memory_space<semaphore_mem>>
          %dma_start3A_475 = arith.constant 9984 : i32
          %dma_start3A_476 = arith.constant 0 : i32
          %dma_start3A_477 = tpu.memref_slice %arg4[%dma_start3A_475, %dma_start3A_476] : memref<10000x128xf32, #tpu.memory_space<hbm>> -> memref<16x128xf32, #tpu.memory_space<hbm>>
          %dma_start3A_478 = arith.constant 9984 : i32
          %dma_start3A_479 = arith.constant 0 : i32
          %dma_start3A_480 = tpu.memref_slice %arg9[%dma_start3A_478, %dma_start3A_479] : memref<10000x128xf32, #tpu.memory_space<vmem_shared>> -> memref<16x128xf32, #tpu.memory_space<vmem_shared>>
          tpu.enqueue_dma source(%dma_start3A_480 : memref<16x128xf32, #tpu.memory_space<vmem_shared>>) target(%dma_start3A_477 : memref<16x128xf32, #tpu.memory_space<hbm>>) target_semaphore(%run_scoped3A : memref<!tpu.dma_semaphore, #tpu.memory_space<semaphore_mem>>)
          %dma_wait3A_481 = arith.constant 9984 : i32
          %dma_wait3A_482 = arith.constant 0 : i32
          %dma_wait3A_483 = tpu.memref_slice %arg4[%dma_wait3A_481, %dma_wait3A_482] : memref<10000x128xf32, #tpu.memory_space<hbm>> -> memref<16x128xf32, #tpu.memory_space<hbm>>
          %dma_wait3A_484 = arith.constant 9984 : i32
          %dma_wait3A_485 = arith.constant 0 : i32
          %dma_wait3A_486 = tpu.memref_slice %arg9[%dma_wait3A_484, %dma_wait3A_485] : memref<10000x128xf32, #tpu.memory_space<vmem_shared>> -> memref<16x128xf32, #tpu.memory_space<vmem_shared>>
          tpu.wait_dma2 semaphore(%run_scoped3A : memref<!tpu.dma_semaphore, #tpu.memory_space<semaphore_mem>>) src(%dma_wait3A_486 : memref<16x128xf32, #tpu.memory_space<vmem_shared>>) dst(%dma_wait3A_483 : memref<16x128xf32, #tpu.memory_space<hbm>>)
          tpu.yield
        }) : () -> ()
      } else {
      }
    } else {
    }
    %ne3A_465 = arith.constant 0 : i32
    %ne3A_466 = arith.cmpi ne, %arg0, %ne3A_465 : i32
    %convert_element_type3A_467 = arith.extui %ne3A_466 : i1 to i32
    %cond3A_468 = arith.constant 0 : i32
    %cond3A_469 = arith.cmpi ne, %convert_element_type3A_467, %cond3A_468 : i32
    scf.if %cond3A_469 {
      "tpu.region"() ({
        %run_scoped3A = tpu.sem_alloc : memref<!tpu.dma_semaphore, #tpu.memory_space<semaphore_mem>>
        %dma_start3A_475 = arith.constant 0 : i32
        %dma_start3A_476 = tpu.memref_slice %arg5[%mul3A_2, %dma_start3A_475] : memref<10000x128xf32, #tpu.memory_space<hbm>> -> memref<624x128xf32, #tpu.memory_space<hbm>>
        %dma_start3A_477 = arith.constant 0 : i32
        %dma_start3A_478 = tpu.memref_slice %arg9[%mul3A_2, %dma_start3A_477] : memref<10000x128xf32, #tpu.memory_space<vmem_shared>> -> memref<624x128xf32, #tpu.memory_space<vmem_shared>>
        tpu.enqueue_dma source(%dma_start3A_478 : memref<624x128xf32, #tpu.memory_space<vmem_shared>>) target(%dma_start3A_476 : memref<624x128xf32, #tpu.memory_space<hbm>>) target_semaphore(%run_scoped3A : memref<!tpu.dma_semaphore, #tpu.memory_space<semaphore_mem>>)
        %dma_wait3A_479 = arith.constant 0 : i32
        %dma_wait3A_480 = tpu.memref_slice %arg5[%mul3A_2, %dma_wait3A_479] : memref<10000x128xf32, #tpu.memory_space<hbm>> -> memref<624x128xf32, #tpu.memory_space<hbm>>
        %dma_wait3A_481 = arith.constant 0 : i32
        %dma_wait3A_482 = tpu.memref_slice %arg9[%mul3A_2, %dma_wait3A_481] : memref<10000x128xf32, #tpu.memory_space<vmem_shared>> -> memref<624x128xf32, #tpu.memory_space<vmem_shared>>
        tpu.wait_dma2 semaphore(%run_scoped3A : memref<!tpu.dma_semaphore, #tpu.memory_space<semaphore_mem>>) src(%dma_wait3A_482 : memref<624x128xf32, #tpu.memory_space<vmem_shared>>) dst(%dma_wait3A_480 : memref<624x128xf32, #tpu.memory_space<hbm>>)
        tpu.yield
      }) : () -> ()
      %eq3A_470 = arith.constant 15 : i32
      %eq3A_471 = arith.cmpi eq, %arg1, %eq3A_470 : i32
      %convert_element_type3A_472 = arith.extui %eq3A_471 : i1 to i32
      %cond3A_473 = arith.constant 0 : i32
      %cond3A_474 = arith.cmpi ne, %convert_element_type3A_472, %cond3A_473 : i32
      scf.if %cond3A_474 {
        "tpu.region"() ({
          %run_scoped3A = tpu.sem_alloc : memref<!tpu.dma_semaphore, #tpu.memory_space<semaphore_mem>>
          %dma_start3A_475 = arith.constant 9984 : i32
          %dma_start3A_476 = arith.constant 0 : i32
          %dma_start3A_477 = tpu.memref_slice %arg5[%dma_start3A_475, %dma_start3A_476] : memref<10000x128xf32, #tpu.memory_space<hbm>> -> memref<16x128xf32, #tpu.memory_space<hbm>>
          %dma_start3A_478 = arith.constant 9984 : i32
          %dma_start3A_479 = arith.constant 0 : i32
          %dma_start3A_480 = tpu.memref_slice %arg9[%dma_start3A_478, %dma_start3A_479] : memref<10000x128xf32, #tpu.memory_space<vmem_shared>> -> memref<16x128xf32, #tpu.memory_space<vmem_shared>>
          tpu.enqueue_dma source(%dma_start3A_480 : memref<16x128xf32, #tpu.memory_space<vmem_shared>>) target(%dma_start3A_477 : memref<16x128xf32, #tpu.memory_space<hbm>>) target_semaphore(%run_scoped3A : memref<!tpu.dma_semaphore, #tpu.memory_space<semaphore_mem>>)
          %dma_wait3A_481 = arith.constant 9984 : i32
          %dma_wait3A_482 = arith.constant 0 : i32
          %dma_wait3A_483 = tpu.memref_slice %arg5[%dma_wait3A_481, %dma_wait3A_482] : memref<10000x128xf32, #tpu.memory_space<hbm>> -> memref<16x128xf32, #tpu.memory_space<hbm>>
          %dma_wait3A_484 = arith.constant 9984 : i32
          %dma_wait3A_485 = arith.constant 0 : i32
          %dma_wait3A_486 = tpu.memref_slice %arg9[%dma_wait3A_484, %dma_wait3A_485] : memref<10000x128xf32, #tpu.memory_space<vmem_shared>> -> memref<16x128xf32, #tpu.memory_space<vmem_shared>>
          tpu.wait_dma2 semaphore(%run_scoped3A : memref<!tpu.dma_semaphore, #tpu.memory_space<semaphore_mem>>) src(%dma_wait3A_486 : memref<16x128xf32, #tpu.memory_space<vmem_shared>>) dst(%dma_wait3A_483 : memref<16x128xf32, #tpu.memory_space<hbm>>)
          tpu.yield
        }) : () -> ()
      } else {
      }
    } else {
    }
    return
  }
}

module attributes {stable_mosaic.version = 14 : i64} {
  func.func @_tc_body(%arg0: i32, %arg1: memref<5000x128xf32, #tpu.memory_space<vmem>>, %arg2: memref<5000x128xf32, #tpu.memory_space<vmem>>, %arg3: memref<128x128xf32, #tpu.memory_space<vmem>>, %arg4: memref<8x128xf32, #tpu.memory_space<vmem>>, %arg5: memref<5000x128xf32, #tpu.memory_space<vmem>>) attributes {dimension_semantics = [#tpu.dimension_semantics<arbitrary>], iteration_bounds = array<i64: 2>, scalar_prefetch = 0 : i64, scratch_operands = 0 : i64, tpu.core_type = #tpu.core_type<tc>, window_params = [{transform_indices = @transform_0, window_bounds = array<i64: 5000, 128>}, {transform_indices = @transform_1, window_bounds = array<i64: 5000, 128>}, {pipeline_mode = #tpu.pipeline_mode<synchronous>, transform_indices = @transform_2, window_bounds = array<i64: 128, 128>}, {pipeline_mode = #tpu.pipeline_mode<synchronous>, transform_indices = @transform_3, window_bounds = array<i64: 8, 128>}, {transform_indices = @transform_4, window_bounds = array<i64: 5000, 128>}]} {
    %get3A = arith.constant 0 : index
    %get3A_0 = arith.constant 0 : index
    %get3A_1 = vector.load %arg1[%get3A, %get3A_0] : memref<5000x128xf32, #tpu.memory_space<vmem>>, vector<5000x128xf32>
    %get3A_2 = arith.constant 0 : index
    %get3A_3 = arith.constant 0 : index
    %get3A_4 = vector.load %arg2[%get3A_2, %get3A_3] : memref<5000x128xf32, #tpu.memory_space<vmem>>, vector<5000x128xf32>
    %add3A = arith.addf %get3A_1, %get3A_4 : vector<5000x128xf32>
    %get3A_5 = arith.constant 0 : index
    %get3A_6 = arith.constant 0 : index
    %get3A_7 = vector.load %arg3[%get3A_5, %get3A_6] : memref<128x128xf32, #tpu.memory_space<vmem>>, vector<128x128xf32>
    %dot_general3A = arith.constant dense<0.000000e+00> : vector<5000x128xf32>
    %dot_general3A_8 = tpu.matmul %add3A, %get3A_7, %dot_general3A {dimension_numbers = #tpu.dot_dimension_numbers<[1], [1], [0], [0], [0, 0, 1, 0], [], []>, transpose_lhs_hint = false} : vector<5000x128xf32>, vector<128x128xf32>, vector<5000x128xf32> -> vector<5000x128xf32>
    %get3A_9 = arith.constant 0 : index
    %get3A_10 = arith.constant 0 : index
    %get3A_11 = vector.load %arg4[%get3A_9, %get3A_10] : memref<8x128xf32, #tpu.memory_space<vmem>>, vector<1x128xf32>
    %get3A_12 = arith.constant 1 : index
    %get3A_13 = arith.constant 0 : index
    %get3A_14 = vector.load %arg4[%get3A_12, %get3A_13] : memref<8x128xf32, #tpu.memory_space<vmem>>, vector<1x128xf32>
    %get3A_15 = arith.constant 2 : index
    %get3A_16 = arith.constant 0 : index
    %get3A_17 = vector.load %arg4[%get3A_15, %get3A_16] : memref<8x128xf32, #tpu.memory_space<vmem>>, vector<1x128xf32>
    %get3A_18 = arith.constant 3 : index
    %get3A_19 = arith.constant 0 : index
    %get3A_20 = vector.load %arg4[%get3A_18, %get3A_19] : memref<8x128xf32, #tpu.memory_space<vmem>>, vector<1x128xf32>
    %get3A_21 = arith.constant 4 : index
    %get3A_22 = arith.constant 0 : index
    %get3A_23 = vector.load %arg4[%get3A_21, %get3A_22] : memref<8x128xf32, #tpu.memory_space<vmem>>, vector<1x128xf32>
    %add3A_24 = vector.broadcast %get3A_11 : vector<1x128xf32> to vector<5000x128xf32>
    %add3A_25 = arith.addf %dot_general3A_8, %add3A_24 : vector<5000x128xf32>
    %max3A = arith.constant 0.000000e+00 : f32
    %max3A_26 = vector.broadcast %max3A : f32 to vector<5000x128xf32>
    %max3A_27 = arith.maximumf %add3A_25, %max3A_26 : vector<5000x128xf32>
    %add3A_28 = arith.constant 9.99999974E-6 : f32
    %add3A_29 = vector.broadcast %add3A_28 : f32 to vector<1x128xf32>
    %add3A_30 = arith.addf %get3A_23, %add3A_29 : vector<1x128xf32>
    %rsqrt3A = math.rsqrt %add3A_30 : vector<1x128xf32>
    %mul3A = arith.mulf %get3A_14, %rsqrt3A : vector<1x128xf32>
    %mul3A_31 = vector.broadcast %mul3A : vector<1x128xf32> to vector<5000x128xf32>
    %mul3A_32 = arith.mulf %max3A_27, %mul3A_31 : vector<5000x128xf32>
    %mul3A_33 = arith.mulf %get3A_20, %mul3A : vector<1x128xf32>
    %sub3A = arith.subf %get3A_17, %mul3A_33 : vector<1x128xf32>
    %add3A_34 = vector.broadcast %sub3A : vector<1x128xf32> to vector<5000x128xf32>
    %add3A_35 = arith.addf %mul3A_32, %add3A_34 : vector<5000x128xf32>
    %swap3A = arith.constant 0 : index
    %swap3A_36 = arith.constant 0 : index
    %swap3A_37 = vector.load %arg5[%swap3A, %swap3A_36] : memref<5000x128xf32, #tpu.memory_space<vmem>>, vector<5000x128xf32>
    tpu.vector_store %arg5[%swap3A, %swap3A_36], %add3A_35 {strides = array<i32>} : memref<5000x128xf32, #tpu.memory_space<vmem>>, vector<5000x128xf32>,
    return
  }
  func.func @transform_0(%arg0: i32) -> (i32, i32) {
    %c0_i32 = arith.constant 0 : i32
    %c0_i32_0 = arith.constant 0 : i32
    return %arg0, %c0_i32 : i32, i32
  }
  func.func @transform_1(%arg0: i32) -> (i32, i32) {
    %c0_i32 = arith.constant 0 : i32
    %c0_i32_0 = arith.constant 0 : i32
    return %arg0, %c0_i32 : i32, i32
  }
  func.func @transform_2(%arg0: i32) -> (i32, i32) {
    %c0_i32 = arith.constant 0 : i32
    %c0_i32_0 = arith.constant 0 : i32
    %c0_i32_1 = arith.constant 0 : i32
    return %c0_i32, %c0_i32_0 : i32, i32
  }
  func.func @transform_3(%arg0: i32) -> (i32, i32) {
    %c0_i32 = arith.constant 0 : i32
    %c0_i32_0 = arith.constant 0 : i32
    %c0_i32_1 = arith.constant 0 : i32
    return %c0_i32, %c0_i32_0 : i32, i32
  }
  func.func @transform_4(%arg0: i32) -> (i32, i32) {
    %c0_i32 = arith.constant 0 : i32
    %c0_i32_0 = arith.constant 0 : i32
    return %arg0, %c0_i32 : i32, i32
  }
}

</mosaic_0001>

<sc_bundles>
// kernel: kernel.4.cloned.1.call-start
scs
__scs_entry_jumppad:
0x0: {  	(pc) =	sbr.rel $0x88, $3  }
0x1: {  	(tag) =	ssettag $0x0;
	lr =	simm.s32 $0x1  }
0x2: {  	[smem:$0x3F99] =	sst lr;
	_ =	strace $0xD0000000  }
0x3: {  	_ = 	snop  }
0x4: {  	_ = 	snop  }
0x5: {  	_ = 	snop  }
0x6: {  	_ = 	snop  }
0x7: {  	_ = 	snop  }
__scs_overlays_trampoline_lowered:
0x8: {  	[smem:$0x3FA8] =	sst s0  }
0x9: {  	[smem:$0x3FA9] =	sst s1  }
0xa: {  	[smem:$0x3FAA] =	sst s2  }
0xb: {  	[smem:$0x3FAB] =	sst s3  }
0xc: {  	[smem:$0x3FAC] =	sst s4  }
0xd: {  	[smem:$0x3FAD] =	sst s5  }
0xe: {  	[smem:$0x3FAE] =	sst s6  }
0xf: {  	[smem:$0x3FAF] =	sst s7  }
0x10: {  	[smem:$0x3FB0] =	sst s8  }
0x11: {  	[smem:$0x3FB1] =	sst s9;
	s0 =	simm.s32 @!p0 $0x0  }
0x12: {  	s1 =	sld [smem:$0x3F97];
	s0 =	simm.s32 @p0 $0x1  }
0x13: {  	[smem:$0x3FB2] =	sst s0;
	s0 =	simm.s32 @!p1 $0x0  }
0x14: {  	s2 =	sld [smem:$0x3F96];
	s0 =	simm.s32 @p1 $0x1  }
0x15: {  	[smem:$0x3FB3] =	sst s0;
	s0 =	simm.s32 @!p2 $0x0  }
0x16: {  	s3 =	sld [smem:$0x3FDB];
	s0 =	simm.s32 @p2 $0x1  }
0x17: {  	s4 =	simm.s32 $0x1BF5;
	[smem:$0x3FB5] =	sst s0  }
0x18: {  	s0 =	sld [smem:$0x3F98];
	_ =	swait.ge [sflag:s4], $0x0  }
0x19: {  	s7 =	sld [smem:$0x3F99]  }
0x1a: {  	s8 =	sadd.s32 $0xFFFFE003, lr  }
0x1b: {  	s9 =	sadd.s32 $0xFFFFFEF7, lr;
	s5 =	simm.s32 $0xFFFFFFFF;
	p2 =	slt.u32 s8, $0xFFFFF086  }
0x1c: {  	p1 =	slt.u32 s9, $0xF7A;
	s5 =	simm.s32 @!p2 $0x0  }
0x1d: {  	s5 =	simm.s32 @p1 $0x1;
	p0 =	seq.s32 s7, s2  }
0x1e: {  	s7 =	smul.u32 @!p0 $0xF7A, s2;
	p2 =	seq.s32 @!p0 s5, $0x0  }
0x1f: {  	s9 =	smul.u32 $0xF7A, s1;
	s8 =	simm.s32 @!p0 $0x1BF5;
	p2 =	por !p2, p0  }
0x20: {  	[sflag:s8] =	ssyncset.s32 @!p0 $0xFFFFF086;
	s6 =	sadd.s32 @!p0 s3, s7;
	s7 =	simm.s32 @!p0 $0x108  }
0x21: {  	s3 =	sadd.s32 s3, s9;
	s6 =	sadd.s32 @!p0 $0x88, s6;
	s7 =	simm.s32 @p2 $0x1082  }
0x22: {  	[simem:s7], [sflag:s8] =	dma.local @!p0 [hbm:s6], $0xF7A  }
0x23: {  	s9 =	sor.u32 $0xD0000000, s2;
	s6 =	simm.s32 $0x108;
	_ =	swait.ge @!p0 [sflag:s8], $0x0  }
0x24: {  	s3 =	sadd.s32 $0x88, s3;
	s6 =	simm.s32 @!p1 $0x1082;
	[sflag:s4] =	ssyncset.s32 $0xFFFFF086  }
0x25: {  	[simem:s6], [sflag:s4] =	dma.local [hbm:s3], $0xF7A  }
0x26: {  	[smem:$0x3F99] =	sst s1;
	(tag) =	ssettag s2;
	_ =	strace s9  }
0x27: {  	s1 =	sld [smem:$0x3FA9]  }
0x28: {  	s2 =	sld [smem:$0x3FAA]  }
0x29: {  	s4 =	sld [smem:$0x3FAC]  }
0x2a: {  	p0 =	seq.s32 s5, $0x0;
	s5 =	sld [smem:$0x3FAD]  }
0x2b: {  	s6 =	sld [smem:$0x3FAE]  }
0x2c: {  	s7 =	sld [smem:$0x3FAF]  }
0x2d: {  	s3 =	simm.s32 $0x108;
	s8 =	sld [smem:$0x3FB0]  }
0x2e: {  	s3 =	simm.s32 @!p0 $0x1082;
	s9 =	sld [smem:$0x3FB1]  }
0x2f: {  	lr =	sadd.s32 s0, s3;
	s0 =	sld [smem:$0x3FA8]  }
0x30: {  	s3 =	sld [smem:$0x3FAB]  }
0x31: {  	[smem:$0x3FB4] =	sst s10  }
0x32: {  	s10 =	sld [smem:$0x3FB2];
	_ =	sdelay $0x3  }
0x33: {  	p0 =	seq.s32 s10, $0x1;
	s10 =	sld [smem:$0x3FB4];
	_ =	sdelay $0x3  }
0x34: {  	[smem:$0x3FB4] =	sst s10  }
0x35: {  	s10 =	sld [smem:$0x3FB3];
	_ =	sdelay $0x3  }
0x36: {  	p1 =	seq.s32 s10, $0x1;
	s10 =	sld [smem:$0x3FB4];
	_ =	sdelay $0x3  }
0x37: {  	[smem:$0x3FB4] =	sst s10  }
0x38: {  	s10 =	sld [smem:$0x3FB5]  }
0x39: {  	_ = 	snop;
	(pc) =	sbr.ind lr, $3  }
0x3a: {  	_ = 	snop  }
0x3b: {  	_ = 	snop  }
0x3c: {  	p2 =	seq.s32 s10, $0x1;
	s10 =	sld [smem:$0x3FB4]  }
0x3d: {  	_ =	shalt  }
0x3e: {  	_ =	shalt  }
0x3f: {  	_ =	shalt  }
0x40: {  	_ =	shalt  }
0x41: {  	_ =	shalt  }
0x42: {  	_ =	shalt  }
0x43: {  	_ =	shalt  }
0x44: {  	_ =	shalt  }
0x45: {  	_ =	shalt  }
0x46: {  	_ =	shalt  }
0x47: {  	_ =	shalt  }
0x48: {  	_ =	shalt  }
0x49: {  	_ =	shalt  }
0x4a: {  	_ =	shalt  }
0x4b: {  	_ =	shalt  }
0x4c: {  	_ =	shalt  }
0x4d: {  	_ =	shalt  }
0x4e: {  	_ =	shalt  }
0x4f: {  	_ =	shalt  }
0x50: {  	_ =	shalt  }
0x51: {  	_ =	shalt  }
0x52: {  	_ =	shalt  }
0x53: {  	_ =	shalt  }
0x54: {  	_ =	shalt  }
0x55: {  	_ =	shalt  }
0x56: {  	_ =	shalt  }
0x57: {  	_ =	shalt  }
0x58: {  	_ =	shalt  }
0x59: {  	_ =	shalt  }
0x5a: {  	_ =	shalt  }
0x5b: {  	_ =	shalt  }
0x5c: {  	_ =	shalt  }
0x5d: {  	_ =	shalt  }
0x5e: {  	_ =	shalt  }
0x5f: {  	_ =	shalt  }
0x60: {  	_ =	shalt  }
0x61: {  	_ =	shalt  }
0x62: {  	_ =	shalt  }
0x63: {  	_ =	shalt  }
0x64: {  	_ =	shalt  }
0x65: {  	_ =	shalt  }
0x66: {  	_ =	shalt  }
0x67: {  	_ =	shalt  }
0x68: {  	_ =	shalt  }
0x69: {  	_ =	shalt  }
0x6a: {  	_ =	shalt  }
0x6b: {  	_ =	shalt  }
0x6c: {  	_ =	shalt  }
0x6d: {  	_ =	shalt  }
0x6e: {  	_ =	shalt  }
0x6f: {  	_ =	shalt  }
0x70: {  	_ =	shalt  }
0x71: {  	_ =	shalt  }
0x72: {  	_ =	shalt  }
0x73: {  	_ =	shalt  }
0x74: {  	_ =	shalt  }
0x75: {  	_ =	shalt  }
0x76: {  	_ =	shalt  }
0x77: {  	_ =	shalt  }
0x78: {  	_ =	shalt  }
0x79: {  	_ =	shalt  }
0x7a: {  	_ =	shalt  }
0x7b: {  	_ =	shalt  }
0x7c: {  	_ =	shalt  }
0x7d: {  	_ =	shalt  }
0x7e: {  	_ =	shalt  }
0x7f: {  	_ =	shalt  }
0x80: {  	_ =	shalt  }
0x81: {  	_ =	shalt  }
0x82: {  	_ =	shalt  }
0x83: {  	_ =	shalt  }
0x84: {  	_ =	shalt  }
0x85: {  	_ =	shalt  }
0x86: {  	_ =	shalt  }
0x87: {  	_ =	shalt  }
.Lfunc_end0:
.L_simem_size_0:
called_computation_lowered:
.L_overlay_start_0:
0x88: {  	s2 =	sld [smem:$0x3FD9]  }
0x89: {  	s3 =	sld [smem:$0x3FFE];
	_ =	sdelay $0x1  }
0x8a: {  	s1 =	srdreg.scid  }
0x8b: {  	s0 =	sand.u32 $0x1, s1  }
0x8c: {  	s14 =	sshll.u32 s0, $0xA;
	s2 =	sadd.s32 s3, s2  }
0x8d: {  	s2 =	sadd.s32 s2, s14  }
0x8e: {  	[smem:$0x3FC0] =	sst s2  }
0x8f: {  	_ = 	snop  }
0x90: {  	s2 =	sld [smem:$0x3FD0];
	_ =	sdelay $0x2  }
0x91: {  	s4 =	simm.s32 $0xA;
	s5 =	simm.s32 $0x10;
	s15 =	sld [smem:$0x3FC9]  }
0x92: {  	[smem:s5], [sflag:s4] =	dma.local [hbm:s2], $0x1  }
0x93: {  	_ =	swait.eq [sflag:s4], $0x1  }
0x94: {  	[sflag:s4] =	ssyncset.done $0x0  }
0x95: {  	s16 =	sld [smem:$0x10];
	[sflag:s4] =	ssyncadd.s32 $0xFFFFFFFF  }
0x96: {  	s17 =	sld [smem:$0x11];
	(tm) =	ssettm $0x1  }
0x97: {  	s18 =	sld [smem:$0x3FFB];
	_ =	sdelay $0x3  }
0x98: {  	_ =	strace s18  }
0x99: {  	s5 =	sld [smem:$0x3FFC];
	_ =	sdelay $0x3  }
0x9a: {  	_ =	strace s5  }
0x9b: {  	s5 =	sld [smem:$0x3FFD];
	_ =	sdelay $0x3  }
0x9c: {  	_ =	strace s5  }
0x9d: {  	_ =	strace $0x8FFFFFFF  }
0x9e: {  	s19 =	sld [smem:$0x3FDB];
	_ =	sdelay $0x1  }
0x9f: {  	s6 =	simm.s32 $_scs_section_size  }
0xa0: {  	s7 =	simm.s32 $_size__tile_overlayer_lowered;
	s8 =	simm.s32 $_tile_overlayer_lowered  }
0xa1: {  	s22 =	simm.s32 $0x1BFF;
	s21 =	sshll.u32 s8, $0x1;
	s5 =	sadd.s32 s6, s19  }
0xa2: {  	s9 =	simm.s32 $0x0;
	s20 =	sshll.u32 s7, $0x1;
	s7 =	sadd.s32 s21, s5  }
0xa3: {  	[timem:s9], [sflag:s22] =	dma.local [hbm:s7], s20  }
0xa4: {  	_ =	swait.ge [sflag:s22], s20  }
0xa5: {  	s6 =	ssub.s32 $0x0, s20;
	[sflag:s22] =	ssyncset.done $0x0  }
0xa6: {  	[sflag:s22] =	ssyncadd.s32 s6;
	_ =	sdelay $0x1  }
0xa7: {  	s23 =	simm.s32 $0x1B8B  }
0xa8: {  	_ =	swait.ge [sflag:s23], $0x1  }
0xa9: {  	[sflag:s23] =	ssyncset.done $0x0  }
0xaa: {  	s25 =	simm.s32 $0x1B8E;
	s24 =	sld [smem:$0x3FFE];
	[sflag:s23] =	ssyncadd.s32 $0xFFFFFFFF  }
0xab: {  	s26 =	simm.s32 $execute0_lowered;
	[smem:$0x3FD2] =	sst s25  }
0xac: {  	s7 =	sshll.u32 s26, $0x1;
	_ =	strace $0x80000046;
	[dreg:$0x1] =	wrdreg $0xFFFFFFFF  }
0xad: {  	s28 =	simm.s32 $_size_execute0_lowered;
	s5 =	sadd.s32 s5, s7;
	[dreg:$0x0] =	wrdreg $0x0  }
0xae: {  	s7 =	sshll.u32 s28, $0x1;
	[dreg:$0x2] =	wrdreg s5  }
0xaf: {  	[dreg:$0x3] =	wrdreg s7  }
0xb0: {  	[dreg:$0x4] =	wrdreg $0xC0  }
0xb1: {  	_ =	task [dreg:s9], $0x5FFFF  }
0xb2: {  	[dreg:$0x1] =	wrdreg $0xFFFFFFFF  }
0xb3: {  	[dreg:$0x0] =	wrdreg $0x60  }
0xb4: {  	[dreg:$0x2] =	wrdreg s15  }
0xb5: {  	[dreg:$0x3] =	wrdreg s24  }
0xb6: {  	[dreg:$0x4] =	wrdreg s17  }
0xb7: {  	[dreg:$0x5] =	wrdreg s16  }
0xb8: {  	[dreg:$0x6] =	wrdreg $0xC7000  }
0xb9: {  	[dreg:$0x7] =	wrdreg $0x9  }
0xba: {  	_ =	task.clear_ibuf [dreg:s9], $0x8FFFF;
	_ =	strace $0x90000046  }
0xbb: {  	s29 =	simm.s32 $0x9;
	_ =	strace $0x80000048  }
0xbc: {  	_ =	swait.ge [sflag:s29], $0x1  }
0xbd: {  	[sflag:s29] =	ssyncadd.s32 $0xFFFFFFFF  }
0xbe: {  	_ =	strace $0x90000048  }
0xbf: {  	_ =	sfence  }
0xc0: {  	s30 =	sld [smem:$0x0];
	_ =	sdelay $0x2  }
0xc1: {  	s31 =	sshll.u32 s1, $0xD;
	s1 =	sshrl.u32 s1, $0x2  }
0xc2: {  	s3 =	sand.u32 $0x4000, s31;
	s1 =	sadd.s32 s1, s30  }
0xc3: {  	s0 =	sor.u32 s3, s0;
	s1 =	sshll.u32 s1, $0x11  }
0xc4: {  	s0 =	sor.u32 s1, s0  }
0xc5: {  	s0 =	sadd.s32 $0x8F2B, s0  }
0xc6: {  	[sflag:s0] =	ssyncadd.remote.s32 $0x1  }
0xc7: {  	_ =	sfence.sel $0xFFFF  }
0xc8: {  	[dreg:$0x0] =	wrdreg $0xFFFFFFFF;
	(pc) =	sbr.abs _section_cstart, $3  }
0xc9: {  	[dreg:$0x1] =	wrdreg $0xFFFFFFFF  }
0xca: {  	_ =	task.clear_ibuf [dreg:s9], $0x2FFFF;
	_ =	strace $0x9FFFFFFF  }
0xcb: {  	(tm) =	ssettm $0x7FFFFFFF  }
tec
execute0_lowered:
.L_overlay_start_1:
0x0: {  	(tag) =	ssettag $0x1  }
0x1: {  	s0 =	rddreg [dreg:$0x0]  }
0x2: {  	s1 =	rddreg [dreg:$0x1]  }
0x3: {  	s2 =	srdreg.scid;
	s10 =	rddreg [dreg:$0x2]  }
0x4: {  	s11 =	rddreg [dreg:$0x3];
	s9 =	stileid.u32  }
0x5: {  	s5 =	rddreg [dreg:$0x4];
	s6 =	simm.s32 $0x0;
	s28 =	simm.s32 $0x9  }
0x6: {  	s29 =	simm.s32 $0xA;
	s30 =	simm.s32 $0xC;
	s7 =	smul.u32 $0x5000, s9  }
0x7: {  	s2 =	sand.u32 $0x1, s2;
	[smem:$0x7FF] =	sst s6;
	s26 =	smul.u32 $0x4E000, s9  }
0x8: {  	s15 =	smul.u32 $0x2700, s9;
	p1 =	sne.s32 s9, $0xF;
	p2 =	seq.s32 s9, $0xF  }
0x9: {  	p3 =	sgt.u32 s9, $0x9;
	s31 =	sadd.s32 $0x138000, s5;
	s3 =	sshll.u32 s2, $0x4  }
0xa: {  	s4 =	ssub.s32 $0x2, s2;
	_ =	strace $0x80000047;
	s17 =	sadd.s32 s0, s15  }
0xb: {  	s19 =	sshrl.u32 s7, $0x2;
	s18 =	sadd.s32 s11, s15;
	[dreg:$0x13] =	wrdreg s17  }
0xc: {  	s7 =	sadd.s32 s19, s5;
	[dreg:$0x14] =	wrdreg s18;
	s19 =	sadd.s32 s10, s15  }
0xd: {  	p0 =	sne.s32 s2, $0x0;
	s2 =	simm.s32 $0xD;
	[dreg:$0x15] =	wrdreg s19  }
0xe: {  	s3 =	sor.u32 s9, s3;
	s21 =	sadd.s32 $0x14000, s7;
	[dreg:$0x7] =	wrdreg s7  }
0xf: {  	s8 =	sshrl.u32 s4, $0x1;
	s22 =	sadd.s32 $0x28000, s7;
	[dreg:$0x8] =	wrdreg s21  }
0x10: {  	s11 =	simm.s32 $0x4F00;
	s23 =	sadd.s32 $0x3C000, s7;
	[dreg:$0x9] =	wrdreg s22  }
0x11: {  	s3 =	smul.u32 $0x2710, s3;
	s24 =	sadd.s32 $0x50000, s7;
	[dreg:$0xa] =	wrdreg s23  }
0x12: {  	s10 =	simm.s32 $0x28;
	s25 =	sadd.s32 $0x64000, s7;
	[dreg:$0xb] =	wrdreg s24  }
0x13: {  	s18 =	simm.s32 $0x9F00;
	s12 =	sadd.s32 $0x8C000, s7;
	[dreg:$0xc] =	wrdreg s25  }
0x14: {  	s15 =	simm.s32 $0x6;
	s13 =	sadd.s32 $0xA0000, s7;
	[dreg:$0xe] =	wrdreg s12  }
0x15: {  	s17 =	simm.s32 $0x8;
	s14 =	sadd.s32 $0xB4000, s7;
	[dreg:$0xf] =	wrdreg s13  }
0x16: {  	s16 =	sadd.s32 $0xDC000, s7;
	s19 =	simm.s32 $0xB;
	[dreg:$0x10] =	wrdreg s14  }
0x17: {  	s3 =	sshrl.u32 s3, $0x3;
	s12 =	sadd.s32 $0xC8000, s7;
	[dreg:$0x12] =	wrdreg s16  }
0x18: {  	s22 =	sadd.s32 $0x104000, s7;
	s23 =	sadd.s32 $0x118000, s7;
	s24 =	sadd.s32 $0x12C000, s7  }
0x19: {  	s14 =	simm.s32 $0x7700;
	s16 =	simm.s32 $0x8B00;
	[dreg:$0x11] =	wrdreg s12  }
0x1a: {  	s13 =	simm.s32 $0x5;
	s1 =	sadd.s32 s3, s1;
	[dreg:$0x17] =	wrdreg s22  }
0x1b: {  	s3 =	ssub.s32 s4, s8;
	s4 =	sadd.s32 $0x78000, s7;
	[dreg:$0x18] =	wrdreg s23  }
0x1c: {  	[dreg:$0x19] =	wrdreg s24;
	s12 =	simm.s32 $0x6300;
	s22 =	simm.s32 $0x1  }
0x1d: {  	s23 =	simm.s32 $0x3;
	s24 =	simm.s32 $0x4;
	s20 =	sadd.s32 $0x1800, s1  }
.Ltmp0:
0x1e: {  	s8 =	sadd.s32 $0xB440, s1;
	[dreg:$0xd] =	wrdreg s4;
	(pc) =	sbr.rel .LBB2_1-.Ltmp0, $4  }
0x1f: {  	s1 =	sshrl.u32 s26, $0x2;
	s25 =	smax.u32 s3, $0x1;
	s26 =	sadd.s32 $0x27000, s0  }
0x20: {  	s4 =	simm.s32 $0x2;
	s3 =	simm.s32 $0x0;
	[dreg:$0x6] =	wrdreg s20  }
0x21: {  	s21 =	sadd.s32 s1, s5;
	s20 =	sadd.s32 $0xF0000, s7;
	[dreg:$0x1a] =	wrdreg s26  }
0x22: {  	v0 =	vimm.f32 $0.0e+00;
	s26 =	simm.s32 $0x7;
	[dreg:$0x16] =	wrdreg s20;
	s20 =	simm.s32 $0xB300  }
.LBB2_11:
0x23: {  	s7 =	sadd.s32 $0x27000, s7;
	s9 =	sshrl.u32 s31, $0x3  }
0x24: {  	[hbm:s7], [sflag:s1] =	dma.local [spmem:s9], $0x100  }
0x25: {  	_ =	swait.ge [sflag:s2], $0x100  }
0x26: {  	[sflag:s2] =	ssyncset.done $0x0  }
0x27: {  	[sflag:s2] =	ssyncadd.s32 $0xFFFFFF00  }
.LBB2_12:
0x28: {  	s3 =	sadd.s32 $0x1, s3  }
0x29: {  	p4 =	sne.s32 s3, s25  }
.Ltmp1:
0x2a: {  	_ = 	snop;
	(pc) =	sbr.rel @!p4 .LBB2_13-.Ltmp1, $1  }
0x2b: {  	_ =	sdelay $0x3  }
.LBB2_1:
0x2c: {  	s1 =	rddreg [dreg:$0x6]  }
0x2d: {  	[tilespmem:s6], [sflag:$0xD] =	stream.linear.gather [hbm4b:s1+s6], $0x2710, $0x38;
	[tilespmem:$0x1FF80] =	vst v63  }
0x2e: {  	_ =	swait.ge [sflag:s2], $0x2710  }
0x2f: {  	[sflag:s2] =	ssyncset.done $0x0  }
.Ltmp2:
0x30: {  	s9 =	simm.s32 $0x2780;
	[sflag:s2] =	ssyncadd.s32 $0xFFFFD8F0;
	(pc) =	sbr.rel @p0 .LBB2_3-.Ltmp2, $4  }
0x31: {  	[tilespmem:s9], [sflag:$0xD] =	stream.linear.gather [hbm4b:s8+s6], $0x2710, $0x38;
	[tilespmem:$0x1FF80] =	vst v63  }
0x32: {  	_ =	swait.ge [sflag:s2], $0x2710  }
0x33: {  	[sflag:s2] =	ssyncset.done $0x0  }
0x34: {  	[sflag:s2] =	ssyncadd.s32 $0xFFFFD8F0  }
0x35: {  	[tilespmem:s11], [sflag:$0x1] =	stream.indirect.gather [hbm4b:s0+s10], $0x80, s6, s10, $0xb8;
	[tilespmem:$0x1FF80] =	vst v63  }
0x36: {  	_ = 	snop  }
0x37: {  	[tilespmem:s12], [sflag:$0x2] =	stream.indirect.gather [hbm4b:s0+s10], $0x80, s10, s10, $0xb8;
	[tilespmem:$0x1FF80] =	vst v63  }
0x38: {  	s1 =	simm.s32 $0x50  }
0x39: {  	[tilespmem:s14], [sflag:$0x3] =	stream.indirect.gather [hbm4b:s0+s10], $0x80, s1, s10, $0xb8;
	[tilespmem:$0x1FF80] =	vst v63  }
0x3a: {  	s7 =	simm.s32 $0x78  }
0x3b: {  	[tilespmem:s16], [sflag:$0x4] =	stream.indirect.gather [hbm4b:s0+s10], $0x80, s7, s10, $0xb8;
	[tilespmem:$0x1FF80] =	vst v63  }
0x3c: {  	s9 =	simm.s32 $0xA0  }
0x3d: {  	[tilespmem:s18], [sflag:$0x5] =	stream.indirect.gather [hbm4b:s0+s10], $0x80, s9, s10, $0xb8;
	[tilespmem:$0x1FF80] =	vst v63  }
0x3e: {  	s9 =	stileid.u32  }
0x3f: {  	s7 =	simm.s32 $0xC8;
	s1 =	sshll.u32 s9, $0x6  }
0x40: {  	[tilespmem:s20], [sflag:$0x6] =	stream.indirect.gather [hbm4b:s0+s10], $0x80, s7, s10, $0xb8;
	[tilespmem:$0x1FF80] =	vst v63  }
0x41: {  	s9 =	rddreg [dreg:$0x13];
	s1 =	sor.u32 $0x1C0D, s1;
	s7 =	sshrl.u32 s21, $0x3  }
0x42: {  	[spmem:s7], [sflag:s1] =	dma.local [hbm:s9], $0x2700  }
0x43: {  	_ =	swait.ge [sflag:s2], $0x2700  }
0x44: {  	[sflag:s2] =	ssyncset.done $0x0  }
0x45: {  	s7 =	sshrl.u32 @!p1 s31, $0x3;
	s9 =	rddreg [dreg:$0x1a];
	[sflag:s2] =	ssyncadd.s32 $0xFFFFD900  }
0x46: {  	[spmem:s7], [sflag:s1] =	dma.local @!p1 [hbm:s9], $0x100  }
.Ltmp3:
0x47: {  	_ = 	snop;
	(pc) =	sbr.rel .LBB2_6-.Ltmp3, $4  }
0x48: {  	s1 =	simm.s32 @!p1 $0xD  }
0x49: {  	_ =	swait.ge @!p1 [sflag:s1], $0x100  }
0x4a: {  	[sflag:s1] =	ssyncset.done @!p1 $0x0  }
0x4b: {  	[sflag:s1] =	ssyncadd.s32 @!p1 $0xFFFFFF00  }
.LBB2_3:
0x4c: {  	[tilespmem:s12], [sflag:$0x2] =	stream.indirect.gather [hbm4b:s0+s10], $0x80, s10, s10, $0xb8;
	[tilespmem:$0x1FF80] =	vst v63  }
0x4d: {  	s1 =	simm.s32 $0x50  }
0x4e: {  	[tilespmem:s14], [sflag:$0x3] =	stream.indirect.gather [hbm4b:s0+s10], $0x80, s1, s10, $0xb8;
	[tilespmem:$0x1FF80] =	vst v63  }
0x4f: {  	s9 =	simm.s32 $0x78  }
0x50: {  	[tilespmem:s16], [sflag:$0x4] =	stream.indirect.gather [hbm4b:s0+s10], $0x80, s9, s10, $0xb8;
	[tilespmem:$0x1FF80] =	vst v63  }
0x51: {  	s7 =	simm.s32 $0xA0  }
0x52: {  	[tilespmem:s18], [sflag:$0x5] =	stream.indirect.gather [hbm4b:s0+s10], $0x80, s7, s10, $0xb8;
	[tilespmem:$0x1FF80] =	vst v63  }
0x53: {  	s9 =	simm.s32 $0xC8  }
0x54: {  	[tilespmem:s20], [sflag:$0x6] =	stream.indirect.gather [hbm4b:s0+s10], $0x80, s9, s10, $0xb8;
	[tilespmem:$0x1FF80] =	vst v63  }
0x55: {  	s1 =	simm.s32 $0x0;
	s9 =	simm.s32 $0x200  }
.LBB2_4:
0x56: {  	p4 =	sne.s32 s9, $0x4E00;
	[tilespmem:s1+$0x4F70] =	vst v0  }
0x57: {  	[tilespmem:s1+$0x4F00] =	vst v0  }
0x58: {  	[tilespmem:s1+$0x4F10] =	vst v0  }
.Ltmp4:
0x59: {  	[tilespmem:s1+$0x4F20] =	vst v0;
	(pc) =	sbr.rel @p4 .LBB2_4-.Ltmp4, $4  }
0x5a: {  	[tilespmem:s1+$0x4F30] =	vst v0  }
0x5b: {  	[tilespmem:s1+$0x4F40] =	vst v0  }
0x5c: {  	[tilespmem:s1+$0x4F50] =	vst v0  }
0x5d: {  	[tilespmem:s1+$0x4F60] =	vst v0;
	s1 =	sshra.s32 s9, $0x2;
	s9 =	sadd.s32 $0x200, s9  }
0x5e: {  	[tilespmem:s1+$0x4F70] =	vst v0  }
0x5f: {  	[tilespmem:s1+$0x4F00] =	vst v0  }
0x60: {  	[tilespmem:s1+$0x4F10] =	vst v0  }
0x61: {  	[tilespmem:s1+$0x4F20] =	vst v0  }
0x62: {  	[tilespmem:s1+$0x4F30] =	vst v0  }
0x63: {  	[tilespmem:s1+$0x4F40] =	vst v0  }
0x64: {  	[tilespmem:s1+$0x4F50] =	vst v0  }
0x65: {  	[tilespmem:s1+$0x4F60] =	vst v0;
	s9 =	rddreg [dreg:$0x7]  }
0x66: {  	[spmem:s9] =	stream.linear.scatter [tilespmem:s11], [sflag:$0xD], $0x1400, $0x38;
	[tilespmem:$0x1FF80] =	vst v63  }
0x67: {  	_ =	swait.ge [sflag:s2], $0x1400  }
0x68: {  	[sflag:s2] =	ssyncset.done $0x0  }
0x69: {  	s7 =	rddreg [dreg:$0x8];
	[sflag:s2] =	ssyncadd.s32 $0xFFFFEC00  }
0x6a: {  	[spmem:s7] =	stream.linear.scatter [tilespmem:s11], [sflag:$0xD], $0x1400, $0x38;
	[tilespmem:$0x1FF80] =	vst v63  }
0x6b: {  	_ =	swait.ge [sflag:s2], $0x1400  }
0x6c: {  	[sflag:s2] =	ssyncset.done $0x0  }
0x6d: {  	s9 =	rddreg [dreg:$0x9];
	[sflag:s2] =	ssyncadd.s32 $0xFFFFEC00  }
0x6e: {  	[spmem:s9] =	stream.linear.scatter [tilespmem:s11], [sflag:$0xD], $0x1400, $0x38;
	[tilespmem:$0x1FF80] =	vst v63  }
0x6f: {  	_ =	swait.ge [sflag:s2], $0x1400  }
0x70: {  	[sflag:s2] =	ssyncset.done $0x0  }
0x71: {  	s7 =	rddreg [dreg:$0xa];
	[sflag:s2] =	ssyncadd.s32 $0xFFFFEC00  }
0x72: {  	[spmem:s7] =	stream.linear.scatter [tilespmem:s11], [sflag:$0xD], $0x1400, $0x38;
	[tilespmem:$0x1FF80] =	vst v63  }
0x73: {  	_ =	swait.ge [sflag:s2], $0x1400  }
0x74: {  	[sflag:s2] =	ssyncset.done $0x0  }
0x75: {  	s9 =	rddreg [dreg:$0xb];
	[sflag:s2] =	ssyncadd.s32 $0xFFFFEC00  }
0x76: {  	[spmem:s9] =	stream.linear.scatter [tilespmem:s11], [sflag:$0xD], $0x1400, $0x38;
	[tilespmem:$0x1FF80] =	vst v63  }
0x77: {  	_ =	swait.ge [sflag:s2], $0x1400  }
0x78: {  	[sflag:s2] =	ssyncset.done $0x0  }
0x79: {  	s7 =	rddreg [dreg:$0xc];
	[sflag:s2] =	ssyncadd.s32 $0xFFFFEC00  }
0x7a: {  	[spmem:s7] =	stream.linear.scatter [tilespmem:s11], [sflag:$0xD], $0x1400, $0x38;
	[tilespmem:$0x1FF80] =	vst v63  }
0x7b: {  	_ =	swait.ge [sflag:s2], $0x1400  }
0x7c: {  	[sflag:s2] =	ssyncset.done $0x0  }
0x7d: {  	s9 =	rddreg [dreg:$0xd];
	[sflag:s2] =	ssyncadd.s32 $0xFFFFEC00  }
0x7e: {  	[spmem:s9] =	stream.linear.scatter [tilespmem:s11], [sflag:$0xD], $0x1400, $0x38;
	[tilespmem:$0x1FF80] =	vst v63  }
0x7f: {  	_ =	swait.ge [sflag:s2], $0x1400  }
0x80: {  	[sflag:s2] =	ssyncset.done $0x0  }
0x81: {  	s7 =	rddreg [dreg:$0xe];
	[sflag:s2] =	ssyncadd.s32 $0xFFFFEC00  }
0x82: {  	[spmem:s7] =	stream.linear.scatter [tilespmem:s11], [sflag:$0xD], $0x1400, $0x38;
	[tilespmem:$0x1FF80] =	vst v63  }
0x83: {  	_ =	swait.ge [sflag:s2], $0x1400  }
0x84: {  	[sflag:s2] =	ssyncset.done $0x0  }
0x85: {  	s9 =	rddreg [dreg:$0xf];
	[sflag:s2] =	ssyncadd.s32 $0xFFFFEC00  }
0x86: {  	[spmem:s9] =	stream.linear.scatter [tilespmem:s11], [sflag:$0xD], $0x1400, $0x38;
	[tilespmem:$0x1FF80] =	vst v63  }
0x87: {  	_ =	swait.ge [sflag:s2], $0x1400  }
0x88: {  	[sflag:s2] =	ssyncset.done $0x0  }
0x89: {  	s7 =	rddreg [dreg:$0x10];
	[sflag:s2] =	ssyncadd.s32 $0xFFFFEC00  }
0x8a: {  	[spmem:s7] =	stream.linear.scatter [tilespmem:s11], [sflag:$0xD], $0x1400, $0x38;
	[tilespmem:$0x1FF80] =	vst v63  }
0x8b: {  	_ =	swait.ge [sflag:s2], $0x1400  }
0x8c: {  	[sflag:s2] =	ssyncset.done $0x0  }
0x8d: {  	s9 =	rddreg [dreg:$0x11];
	[sflag:s2] =	ssyncadd.s32 $0xFFFFEC00  }
0x8e: {  	[spmem:s9] =	stream.linear.scatter [tilespmem:s11], [sflag:$0xD], $0x1400, $0x38;
	[tilespmem:$0x1FF80] =	vst v63  }
0x8f: {  	_ =	swait.ge [sflag:s2], $0x1400  }
0x90: {  	[sflag:s2] =	ssyncset.done $0x0  }
0x91: {  	s7 =	rddreg [dreg:$0x12];
	[sflag:s2] =	ssyncadd.s32 $0xFFFFEC00  }
0x92: {  	[spmem:s7] =	stream.linear.scatter [tilespmem:s11], [sflag:$0xD], $0x1400, $0x38;
	[tilespmem:$0x1FF80] =	vst v63  }
0x93: {  	_ =	swait.ge [sflag:s2], $0x1400  }
0x94: {  	[sflag:s2] =	ssyncset.done $0x0  }
0x95: {  	s9 =	rddreg [dreg:$0x16];
	[sflag:s2] =	ssyncadd.s32 $0xFFFFEC00  }
0x96: {  	[spmem:s9] =	stream.linear.scatter [tilespmem:s11], [sflag:$0xD], $0x1400, $0x38;
	[tilespmem:$0x1FF80] =	vst v63  }
0x97: {  	_ =	swait.ge [sflag:s2], $0x1400  }
0x98: {  	[sflag:s2] =	ssyncset.done $0x0  }
0x99: {  	s7 =	rddreg [dreg:$0x17];
	[sflag:s2] =	ssyncadd.s32 $0xFFFFEC00  }
0x9a: {  	[spmem:s7] =	stream.linear.scatter [tilespmem:s11], [sflag:$0xD], $0x1400, $0x38;
	[tilespmem:$0x1FF80] =	vst v63  }
0x9b: {  	_ =	swait.ge [sflag:s2], $0x1400  }
0x9c: {  	[sflag:s2] =	ssyncset.done $0x0  }
0x9d: {  	s9 =	rddreg [dreg:$0x18];
	[sflag:s2] =	ssyncadd.s32 $0xFFFFEC00  }
0x9e: {  	[spmem:s9] =	stream.linear.scatter [tilespmem:s11], [sflag:$0xD], $0x1400, $0x38;
	[tilespmem:$0x1FF80] =	vst v63  }
0x9f: {  	_ =	swait.ge [sflag:s2], $0x1400  }
0xa0: {  	[sflag:s2] =	ssyncset.done $0x0  }
0xa1: {  	s1 =	simm.s32 @!p3 $0x4F00;
	s7 =	rddreg [dreg:$0x19];
	[sflag:s2] =	ssyncadd.s32 $0xFFFFEC00  }
0xa2: {  	[spmem:s7] =	stream.linear.scatter @!p3 [tilespmem:s1], [sflag:$0xD], $0x1400, $0x38;
	[tilespmem:$0x1FF80] =	vst v63  }
0xa3: {  	s1 =	simm.s32 @!p3 $0xD  }
0xa4: {  	_ =	swait.ge @!p3 [sflag:s1], $0x1400  }
0xa5: {  	[sflag:s1] =	ssyncset.done @!p3 $0x0  }
0xa6: {  	[sflag:s1] =	ssyncadd.s32 @!p3 $0xFFFFEC00  }
0xa7: {  	[tilespmem:s11], [sflag:$0x1] =	stream.indirect.gather [hbm4b:s0+s10], $0x80, s6, s10, $0xb8;
	[tilespmem:$0x1FF80] =	vst v63  }
.LBB2_6:
0xa8: {  	[bflag:$0x0] =	sbarrier.arrive $0xFFFF  }
0xa9: {  	_ =	swait.ge [sflag:s22], $0x1400  }
0xaa: {  	[sflag:s22] =	ssyncset.done $0x0  }
0xab: {  	s1 =	simm.s32 $0x2780;
	[sflag:s22] =	ssyncadd.s32 $0xFFFFEC00  }
0xac: {  	[spmem:s5] =	stream.indirect.scatter.add.f32 [tilespmem:s11], [sflag:$0x7], $0x80, s1, s10, $0xb8;
	[tilespmem:$0x1FF80] =	vst v63  }
0xad: {  	_ =	swait.ge [sflag:s4], $0x1400  }
0xae: {  	[sflag:s4] =	ssyncset.done $0x0  }
0xaf: {  	s7 =	simm.s32 $0x27A8;
	[sflag:s4] =	ssyncadd.s32 $0xFFFFEC00  }
0xb0: {  	[spmem:s5] =	stream.indirect.scatter.add.f32 [tilespmem:s12], [sflag:$0x8], $0x80, s7, s10, $0xb8;
	[tilespmem:$0x1FF80] =	vst v63  }
0xb1: {  	_ =	swait.ge [sflag:s23], $0x1400  }
0xb2: {  	[sflag:s23] =	ssyncset.done $0x0  }
0xb3: {  	s9 =	simm.s32 $0x27D0;
	[sflag:s23] =	ssyncadd.s32 $0xFFFFEC00  }
0xb4: {  	[spmem:s5] =	stream.indirect.scatter.add.f32 [tilespmem:s14], [sflag:$0x9], $0x80, s9, s10, $0xb8;
	[tilespmem:$0x1FF80] =	vst v63  }
0xb5: {  	_ =	swait.ge [sflag:s24], $0x1400  }
0xb6: {  	[sflag:s24] =	ssyncset.done $0x0  }
0xb7: {  	s7 =	simm.s32 $0x27F8;
	[sflag:s24] =	ssyncadd.s32 $0xFFFFEC00  }
0xb8: {  	[spmem:s5] =	stream.indirect.scatter.add.f32 [tilespmem:s16], [sflag:$0xA], $0x80, s7, s10, $0xb8;
	[tilespmem:$0x1FF80] =	vst v63  }
0xb9: {  	_ =	swait.ge [sflag:s13], $0x1400  }
0xba: {  	[sflag:s13] =	ssyncset.done $0x0  }
0xbb: {  	s9 =	simm.s32 $0x2820;
	[sflag:s13] =	ssyncadd.s32 $0xFFFFEC00  }
0xbc: {  	[spmem:s5] =	stream.indirect.scatter.add.f32 [tilespmem:s18], [sflag:$0xB], $0x80, s9, s10, $0xb8;
	[tilespmem:$0x1FF80] =	vst v63  }
0xbd: {  	_ =	swait.ge [sflag:s15], $0x1400  }
0xbe: {  	[sflag:s15] =	ssyncset.done $0x0  }
0xbf: {  	s7 =	simm.s32 $0x2848;
	[sflag:s15] =	ssyncadd.s32 $0xFFFFEC00  }
0xc0: {  	[spmem:s5] =	stream.indirect.scatter.add.f32 [tilespmem:s20], [sflag:$0xC], $0x80, s7, s10, $0xb8;
	[tilespmem:$0x1FF80] =	vst v63  }
0xc1: {  	_ =	swait.ge [sflag:s26], $0x1400  }
0xc2: {  	[sflag:s26] =	ssyncset.done $0x0  }
0xc3: {  	s9 =	simm.s32 $0xF0;
	[sflag:s26] =	ssyncadd.s32 $0xFFFFEC00  }
0xc4: {  	[tilespmem:s11], [sflag:$0x1] =	stream.indirect.gather [hbm4b:s0+s10], $0x80, s9, s10, $0xb8;
	[tilespmem:$0x1FF80] =	vst v63  }
0xc5: {  	_ =	swait.ge [sflag:s17], $0x1400  }
0xc6: {  	[sflag:s17] =	ssyncset.done $0x0  }
0xc7: {  	s7 =	simm.s32 $0x118;
	[sflag:s17] =	ssyncadd.s32 $0xFFFFEC00  }
0xc8: {  	[tilespmem:s12], [sflag:$0x2] =	stream.indirect.gather [hbm4b:s0+s10], $0x80, s7, s10, $0xb8;
	[tilespmem:$0x1FF80] =	vst v63  }
0xc9: {  	_ =	swait.ge [sflag:s28], $0x1400  }
0xca: {  	[sflag:s28] =	ssyncset.done $0x0  }
0xcb: {  	s9 =	simm.s32 $0x140;
	[sflag:s28] =	ssyncadd.s32 $0xFFFFEC00  }
0xcc: {  	[tilespmem:s14], [sflag:$0x3] =	stream.indirect.gather [hbm4b:s0+s10], $0x80, s9, s10, $0xb8;
	[tilespmem:$0x1FF80] =	vst v63  }
0xcd: {  	_ =	swait.ge [sflag:s29], $0x1400  }
0xce: {  	[sflag:s29] =	ssyncset.done $0x0  }
0xcf: {  	s7 =	simm.s32 $0x168;
	[sflag:s29] =	ssyncadd.s32 $0xFFFFEC00  }
0xd0: {  	[tilespmem:s16], [sflag:$0x4] =	stream.indirect.gather [hbm4b:s0+s10], $0x80, s7, s10, $0xb8;
	[tilespmem:$0x1FF80] =	vst v63  }
0xd1: {  	_ =	swait.ge [sflag:s19], $0x1400  }
0xd2: {  	[sflag:s19] =	ssyncset.done $0x0  }
0xd3: {  	s9 =	simm.s32 $0x190;
	[sflag:s19] =	ssyncadd.s32 $0xFFFFEC00  }
0xd4: {  	[tilespmem:s18], [sflag:$0x5] =	stream.indirect.gather [hbm4b:s0+s10], $0x80, s9, s10, $0xb8;
	[tilespmem:$0x1FF80] =	vst v63  }
0xd5: {  	_ =	swait.ge [sflag:s30], $0x1400  }
0xd6: {  	[sflag:s30] =	ssyncset.done $0x0  }
0xd7: {  	s1 =	simm.s32 $0x3C0;
	s7 =	simm.s32 $0x1B8;
	[sflag:s30] =	ssyncadd.s32 $0xFFFFEC00  }
.LBB2_7:
0xd8: {  	[tilespmem:s20], [sflag:$0x6] =	stream.indirect.gather [hbm4b:s0+s10], $0x80, s7, s10, $0xb8;
	[tilespmem:$0x1FF80] =	vst v63  }
0xd9: {  	s7 =	smov.u32 s1  }
0xda: {  	p4 =	sne.s32 s1, $0x9240;
	s1 =	sadd.s32 $0x3C0, s1;
	_ =	swait.ge [sflag:s22], $0x1400  }
0xdb: {  	s9 =	sshra.s32 s7, $0x2;
	[sflag:s22] =	ssyncset.done $0x0  }
0xdc: {  	s7 =	sadd.s32 $0x2780, s9;
	[sflag:s22] =	ssyncadd.s32 $0xFFFFEC00  }
0xdd: {  	[spmem:s5] =	stream.indirect.scatter.add.f32 [tilespmem:s11], [sflag:$0x7], $0x80, s7, s10, $0xb8;
	[tilespmem:$0x1FF80] =	vst v63  }
0xde: {  	_ =	swait.ge [sflag:s4], $0x1400  }
0xdf: {  	[sflag:s4] =	ssyncset.done $0x0  }
0xe0: {  	s7 =	sadd.s32 $0x27A8, s9;
	[sflag:s4] =	ssyncadd.s32 $0xFFFFEC00  }
0xe1: {  	[spmem:s5] =	stream.indirect.scatter.add.f32 [tilespmem:s12], [sflag:$0x8], $0x80, s7, s10, $0xb8;
	[tilespmem:$0x1FF80] =	vst v63  }
0xe2: {  	_ =	swait.ge [sflag:s23], $0x1400  }
0xe3: {  	[sflag:s23] =	ssyncset.done $0x0  }
0xe4: {  	s7 =	sadd.s32 $0x27D0, s9;
	[sflag:s23] =	ssyncadd.s32 $0xFFFFEC00  }
0xe5: {  	[spmem:s5] =	stream.indirect.scatter.add.f32 [tilespmem:s14], [sflag:$0x9], $0x80, s7, s10, $0xb8;
	[tilespmem:$0x1FF80] =	vst v63  }
0xe6: {  	_ =	swait.ge [sflag:s24], $0x1400  }
0xe7: {  	[sflag:s24] =	ssyncset.done $0x0  }
0xe8: {  	s7 =	sadd.s32 $0x27F8, s9;
	[sflag:s24] =	ssyncadd.s32 $0xFFFFEC00  }
0xe9: {  	[spmem:s5] =	stream.indirect.scatter.add.f32 [tilespmem:s16], [sflag:$0xA], $0x80, s7, s10, $0xb8;
	[tilespmem:$0x1FF80] =	vst v63  }
0xea: {  	_ =	swait.ge [sflag:s13], $0x1400  }
0xeb: {  	[sflag:s13] =	ssyncset.done $0x0  }
0xec: {  	s7 =	sadd.s32 $0x2820, s9;
	[sflag:s13] =	ssyncadd.s32 $0xFFFFEC00  }
0xed: {  	[spmem:s5] =	stream.indirect.scatter.add.f32 [tilespmem:s18], [sflag:$0xB], $0x80, s7, s10, $0xb8;
	[tilespmem:$0x1FF80] =	vst v63  }
0xee: {  	_ =	swait.ge [sflag:s15], $0x1400  }
0xef: {  	[sflag:s15] =	ssyncset.done $0x0  }
0xf0: {  	s7 =	sadd.s32 $0x2848, s9;
	[sflag:s15] =	ssyncadd.s32 $0xFFFFEC00  }
0xf1: {  	[spmem:s5] =	stream.indirect.scatter.add.f32 [tilespmem:s20], [sflag:$0xC], $0x80, s7, s10, $0xb8;
	[tilespmem:$0x1FF80] =	vst v63  }
0xf2: {  	_ =	swait.ge [sflag:s26], $0x1400  }
0xf3: {  	[sflag:s26] =	ssyncset.done $0x0  }
0xf4: {  	s7 =	sadd.s32 $0xF0, s9;
	[sflag:s26] =	ssyncadd.s32 $0xFFFFEC00  }
0xf5: {  	[tilespmem:s11], [sflag:$0x1] =	stream.indirect.gather [hbm4b:s0+s10], $0x80, s7, s10, $0xb8;
	[tilespmem:$0x1FF80] =	vst v63  }
0xf6: {  	_ =	swait.ge [sflag:s17], $0x1400  }
0xf7: {  	[sflag:s17] =	ssyncset.done $0x0  }
0xf8: {  	s7 =	sadd.s32 $0x118, s9;
	[sflag:s17] =	ssyncadd.s32 $0xFFFFEC00  }
0xf9: {  	[tilespmem:s12], [sflag:$0x2] =	stream.indirect.gather [hbm4b:s0+s10], $0x80, s7, s10, $0xb8;
	[tilespmem:$0x1FF80] =	vst v63  }
0xfa: {  	_ =	swait.ge [sflag:s28], $0x1400  }
0xfb: {  	[sflag:s28] =	ssyncset.done $0x0  }
0xfc: {  	s7 =	sadd.s32 $0x140, s9;
	[sflag:s28] =	ssyncadd.s32 $0xFFFFEC00  }
0xfd: {  	[tilespmem:s14], [sflag:$0x3] =	stream.indirect.gather [hbm4b:s0+s10], $0x80, s7, s10, $0xb8;
	[tilespmem:$0x1FF80] =	vst v63  }
0xfe: {  	_ =	swait.ge [sflag:s29], $0x1400  }
0xff: {  	[sflag:s29] =	ssyncset.done $0x0  }
0x100: {  	s7 =	sadd.s32 $0x168, s9;
	[sflag:s29] =	ssyncadd.s32 $0xFFFFEC00  }
0x101: {  	[tilespmem:s16], [sflag:$0x4] =	stream.indirect.gather [hbm4b:s0+s10], $0x80, s7, s10, $0xb8;
	[tilespmem:$0x1FF80] =	vst v63  }
0x102: {  	_ =	swait.ge [sflag:s19], $0x1400  }
0x103: {  	[sflag:s19] =	ssyncset.done $0x0  }
.Ltmp5:
0x104: {  	s7 =	sadd.s32 $0x190, s9;
	[sflag:s19] =	ssyncadd.s32 $0xFFFFEC00;
	(pc) =	sbr.rel @p4 .LBB2_7-.Ltmp5, $4  }
0x105: {  	[tilespmem:s18], [sflag:$0x5] =	stream.indirect.gather [hbm4b:s0+s10], $0x80, s7, s10, $0xb8;
	[tilespmem:$0x1FF80] =	vst v63  }
0x106: {  	_ =	swait.ge [sflag:s30], $0x1400  }
0x107: {  	[sflag:s30] =	ssyncset.done $0x0  }
0x108: {  	s7 =	sadd.s32 $0x1B8, s9;
	[sflag:s30] =	ssyncadd.s32 $0xFFFFEC00  }
0x109: {  	[tilespmem:s20], [sflag:$0x6] =	stream.indirect.gather [hbm4b:s0+s10], $0x80, s7, s10, $0xb8;
	[tilespmem:$0x1FF80] =	vst v63  }
0x10a: {  	_ =	swait.ge [sflag:s22], $0x1400  }
0x10b: {  	[sflag:s22] =	ssyncset.done $0x0  }
0x10c: {  	s1 =	simm.s32 $0x4D00;
	[sflag:s22] =	ssyncadd.s32 $0xFFFFEC00  }
0x10d: {  	[spmem:s5] =	stream.indirect.scatter.add.f32 [tilespmem:s11], [sflag:$0x7], $0x80, s1, s10, $0xb8;
	[tilespmem:$0x1FF80] =	vst v63  }
0x10e: {  	_ =	swait.ge [sflag:s4], $0x1400  }
0x10f: {  	[sflag:s4] =	ssyncset.done $0x0  }
0x110: {  	s7 =	simm.s32 $0x4D28;
	[sflag:s4] =	ssyncadd.s32 $0xFFFFEC00  }
0x111: {  	[spmem:s5] =	stream.indirect.scatter.add.f32 [tilespmem:s12], [sflag:$0x8], $0x80, s7, s10, $0xb8;
	[tilespmem:$0x1FF80] =	vst v63  }
0x112: {  	_ =	swait.ge [sflag:s23], $0x1400  }
0x113: {  	[sflag:s23] =	ssyncset.done $0x0  }
0x114: {  	s9 =	simm.s32 $0x4D50;
	[sflag:s23] =	ssyncadd.s32 $0xFFFFEC00  }
0x115: {  	[spmem:s5] =	stream.indirect.scatter.add.f32 [tilespmem:s14], [sflag:$0x9], $0x80, s9, s10, $0xb8;
	[tilespmem:$0x1FF80] =	vst v63  }
0x116: {  	_ =	swait.ge [sflag:s24], $0x1400  }
0x117: {  	[sflag:s24] =	ssyncset.done $0x0  }
0x118: {  	s7 =	simm.s32 $0x4D78;
	[sflag:s24] =	ssyncadd.s32 $0xFFFFEC00  }
0x119: {  	[spmem:s5] =	stream.indirect.scatter.add.f32 [tilespmem:s16], [sflag:$0xA], $0x80, s7, s10, $0xb8;
	[tilespmem:$0x1FF80] =	vst v63  }
0x11a: {  	_ =	swait.ge [sflag:s13], $0x1400  }
0x11b: {  	[sflag:s13] =	ssyncset.done $0x0  }
0x11c: {  	s9 =	simm.s32 $0x4DA0;
	[sflag:s13] =	ssyncadd.s32 $0xFFFFEC00  }
0x11d: {  	[spmem:s5] =	stream.indirect.scatter.add.f32 [tilespmem:s18], [sflag:$0xB], $0x80, s9, s10, $0xb8;
	[tilespmem:$0x1FF80] =	vst v63  }
0x11e: {  	_ =	swait.ge [sflag:s15], $0x1400  }
0x11f: {  	[sflag:s15] =	ssyncset.done $0x0  }
0x120: {  	s7 =	simm.s32 $0x4DC8;
	[sflag:s15] =	ssyncadd.s32 $0xFFFFEC00  }
0x121: {  	[spmem:s5] =	stream.indirect.scatter.add.f32 [tilespmem:s20], [sflag:$0xC], $0x80, s7, s10, $0xb8;
	[tilespmem:$0x1FF80] =	vst v63  }
0x122: {  	_ =	swait.ge [sflag:s26], $0x1400  }
0x123: {  	[sflag:s26] =	ssyncset.done $0x0  }
0x124: {  	s9 =	simm.s32 $0x2670;
	[sflag:s26] =	ssyncadd.s32 $0xFFFFEC00  }
0x125: {  	[tilespmem:s11], [sflag:$0x1] =	stream.indirect.gather [hbm4b:s0+s10], $0x80, s9, s10, $0xb8;
	[tilespmem:$0x1FF80] =	vst v63  }
0x126: {  	_ =	swait.ge [sflag:s17], $0x1400  }
0x127: {  	[sflag:s17] =	ssyncset.done $0x0  }
0x128: {  	s7 =	simm.s32 $0x2698;
	[sflag:s17] =	ssyncadd.s32 $0xFFFFEC00  }
0x129: {  	[tilespmem:s12], [sflag:$0x2] =	stream.indirect.gather [hbm4b:s0+s10], $0x80, s7, s10, $0xb8;
	[tilespmem:$0x1FF80] =	vst v63  }
0x12a: {  	_ =	swait.ge [sflag:s28], $0x1400  }
0x12b: {  	[sflag:s28] =	ssyncset.done $0x0  }
0x12c: {  	s9 =	simm.s32 $0x26C0;
	[sflag:s28] =	ssyncadd.s32 $0xFFFFEC00  }
0x12d: {  	[tilespmem:s14], [sflag:$0x3] =	stream.indirect.gather [hbm4b:s0+s10], $0x80, s9, s10, $0xb8;
	[tilespmem:$0x1FF80] =	vst v63  }
0x12e: {  	_ =	swait.ge [sflag:s29], $0x1400  }
0x12f: {  	[sflag:s29] =	ssyncset.done $0x0  }
0x130: {  	s7 =	simm.s32 $0x26E8;
	[sflag:s29] =	ssyncadd.s32 $0xFFFFEC00  }
0x131: {  	[tilespmem:s16], [sflag:$0x4] =	stream.indirect.gather [hbm4b:s0+s10], $0x80, s7, s10, $0xb8;
	[tilespmem:$0x1FF80] =	vst v63  }
0x132: {  	_ =	swait.ge [sflag:s22], $0x1400  }
0x133: {  	[sflag:s22] =	ssyncset.done $0x0  }
0x134: {  	s9 =	simm.s32 $0x4DF0;
	[sflag:s22] =	ssyncadd.s32 $0xFFFFEC00  }
0x135: {  	[spmem:s5] =	stream.indirect.scatter.add.f32 [tilespmem:s11], [sflag:$0x7], $0x80, s9, s10, $0xb8;
	[tilespmem:$0x1FF80] =	vst v63  }
0x136: {  	_ =	swait.ge [sflag:s4], $0x1400  }
0x137: {  	[sflag:s4] =	ssyncset.done $0x0  }
0x138: {  	s7 =	simm.s32 $0x4E18;
	[sflag:s4] =	ssyncadd.s32 $0xFFFFEC00  }
0x139: {  	[spmem:s5] =	stream.indirect.scatter.add.f32 [tilespmem:s12], [sflag:$0x8], $0x80, s7, s10, $0xb8;
	[tilespmem:$0x1FF80] =	vst v63  }
0x13a: {  	_ =	swait.ge [sflag:s23], $0x1400  }
0x13b: {  	[sflag:s23] =	ssyncset.done $0x0  }
0x13c: {  	s9 =	simm.s32 $0x4E40;
	[sflag:s23] =	ssyncadd.s32 $0xFFFFEC00  }
0x13d: {  	[spmem:s5] =	stream.indirect.scatter.add.f32 [tilespmem:s14], [sflag:$0x9], $0x80, s9, s10, $0xb8;
	[tilespmem:$0x1FF80] =	vst v63  }
0x13e: {  	_ =	swait.ge [sflag:s24], $0x1400  }
0x13f: {  	[sflag:s24] =	ssyncset.done $0x0  }
0x140: {  	s7 =	simm.s32 $0x4E68;
	[sflag:s24] =	ssyncadd.s32 $0xFFFFEC00  }
0x141: {  	[spmem:s5] =	stream.indirect.scatter.add.f32 [tilespmem:s16], [sflag:$0xA], $0x80, s7, s10, $0xb8;
	[tilespmem:$0x1FF80] =	vst v63  }
0x142: {  	_ =	swait.ge [sflag:s19], $0x1400  }
0x143: {  	[sflag:s19] =	ssyncset.done $0x0  }
0x144: {  	[sflag:s19] =	ssyncadd.s32 $0xFFFFEC00  }
0x145: {  	_ =	swait.ge [sflag:s30], $0x1400  }
0x146: {  	[sflag:s30] =	ssyncset.done $0x0  }
0x147: {  	[sflag:s30] =	ssyncadd.s32 $0xFFFFEC00  }
0x148: {  	_ =	swait.ge [sflag:s26], $0x1400  }
0x149: {  	[sflag:s26] =	ssyncset.done $0x0  }
0x14a: {  	[sflag:s26] =	ssyncadd.s32 $0xFFFFEC00  }
0x14b: {  	_ =	swait.ge [sflag:s17], $0x1400  }
0x14c: {  	[sflag:s17] =	ssyncset.done $0x0  }
0x14d: {  	[sflag:s17] =	ssyncadd.s32 $0xFFFFEC00  }
0x14e: {  	_ =	swait.ge [sflag:s28], $0x1400  }
0x14f: {  	[sflag:s28] =	ssyncset.done $0x0  }
0x150: {  	[sflag:s28] =	ssyncadd.s32 $0xFFFFEC00  }
.Ltmp6:
0x151: {  	_ =	swait.ge [sflag:s29], $0x1400;
	(pc) =	sbr.rel @p0 .LBB2_10-.Ltmp6, $4  }
0x152: {  	[sflag:s29] =	ssyncset.done $0x0  }
0x153: {  	s9 =	stileid.u32;
	[sflag:s29] =	ssyncadd.s32 $0xFFFFEC00  }
0x154: {  	s7 =	sshll.u32 s9, $0x6;
	[bflag:$0x0] =	sbarrier.arrive $0xFFFF  }
0x155: {  	s9 =	sshrl.u32 s21, $0x3;
	s1 =	sor.u32 $0x1C0D, s7  }
0x156: {  	s1 =	sor.u32 $0x1C0D, s7;
	s7 =	rddreg [dreg:$0x15]  }
0x157: {  	[hbm:s7], [sflag:s1] =	dma.local [spmem:s9], $0x2700  }
.Ltmp7:
0x158: {  	_ = 	snop;
	(pc) =	sbr.rel @p2 .LBB2_11-.Ltmp7, $4  }
.Ltmp8:
0x159: {  	_ =	swait.ge [sflag:s2], $0x2700;
	(pc) =	sbr.rel @!p2 .LBB2_12-.Ltmp8, $4  }
0x15a: {  	[sflag:s2] =	ssyncset.done $0x0  }
0x15b: {  	[sflag:s2] =	ssyncadd.s32 $0xFFFFD900  }
0x15c: {  	s7 =	rddreg [dreg:$0x2]  }
0x15d: {  	_ = 	snop  }
.LBB2_10:
0x15e: {  	s7 =	rddreg [dreg:$0x14]  }
0x15f: {  	[hbm:s7], [sflag:s1] =	dma.local [spmem:s9], $0x2700  }
.Ltmp9:
0x160: {  	_ = 	snop;
	(pc) =	sbr.rel @p1 .LBB2_12-.Ltmp9, $4  }
.Ltmp10:
0x161: {  	_ =	swait.ge [sflag:s2], $0x2700;
	(pc) =	sbr.rel @!p1 .LBB2_11-.Ltmp10, $4  }
0x162: {  	[sflag:s2] =	ssyncset.done $0x0  }
0x163: {  	[sflag:s2] =	ssyncadd.s32 $0xFFFFD900  }
0x164: {  	s7 =	rddreg [dreg:$0x3]  }
0x165: {  	_ = 	snop  }
.LBB2_13:
0x166: {  	_ =	sfence.sel $0x180000  }
0x167: {  	[bflag:$0x0] =	sbarrier.arrive $0xFFFF  }
0x168: {  	_ =	strace $0x90000047  }
0x169: {  	s0 =	stileid.u32;
	[bflag:$0x2] =	sbarrier.arrive $0xFFFF  }
0x16a: {  	p0 =	sne.s32 s0, $0x0;
	s0 =	rddreg [dreg:$0x5]  }
0x16b: {  	s0 =	sadd.s32 @!p0 $0x100000, s0  }
0x16c: {  	[sflag:s0] =	ssyncadd.tile.s32 @!p0 $0x1;
	_ =	shalt  }
.Lfunc_end2:
_tile_overlayer_lowered:
.L_overlay_start_2:
0x16d: {  	(tag) =	ssettag $0x2  }
0x16e: {  	s0 =	rddreg [dreg:$0x0];
	s2 =	stileid.u32  }
0x16f: {  	s1 =	rddreg [dreg:$0x1];
	p0 =	sne.s32 s2, $0x0  }
0x170: {  	s3 =	rddreg [dreg:$0x2];
	[bflag:$0x3] =	sbarrier.arrive $0xFFFF;
	s2 =	simm.s32 @!p0 $0x1C0D  }
0x171: {  	[timem:s3], [sflag:s2] =	dma.local @!p0 [hbm:s0], s1  }
0x172: {  	s0 =	simm.s32 @!p0 $0xD  }
0x173: {  	_ =	swait.ge @!p0 [sflag:s0], s1  }
0x174: {  	s1 =	ssub.s32 @!p0 $0x0, s1;
	[sflag:s0] =	ssyncset.done @!p0 $0x0  }
0x175: {  	[sflag:s0] =	ssyncadd.s32 @!p0 s1  }
0x176: {  	[bflag:$0x3] =	sbarrier.arrive $0xFFFF  }
0x177: {  	_ =	shalt  }

</sc_bundles>
